<compile_context>
chip_gen: v7x
topology: tpu7x:2x2x1
jax: 0.10.2.dev20260603
libtpu: 0.0.44.dev20260713+nightly
codegen_flags: <defaults>
</compile_context>

<pallas_src>
import functools

import jax
import jax.numpy as jnp
from jax import lax
from jax.experimental import pallas as pl
from jax.experimental.pallas import tpu as pltpu
from jax.experimental.pallas import tpu_sc as plsc

_N = 10000
_E = 320000
_D = 128
_DE = 16
_G = 16
_DU = 32
_H = 128
_STEPS = 2

_F32 = jnp.float32
_HIGH = lax.Precision.DEFAULT

_TILE_N = 1000
_TILE_E = 6400

_NC = 2
_NS = 16
_NW = _NC * _NS
_EPW = _E // _NW
_CH = 128
_NCH = -(-_EPW // _CH)
_LAST = _EPW - _CH
_FULL = _EPW // _CH
_TAIL = _EPW - _FULL * _CH
_NCP = 10
_NPS = _N // _NCP
_NCH2 = 81
_NT = 26


def _oh16(b_block):
    iota = lax.broadcasted_iota(jnp.int32, (1, _G), 1).astype(_F32)
    return (b_block == iota).astype(_F32)


def _stats_body(b_r, p_r, cnt_r, ps_r):
    i = pl.program_id(0)
    oh = _oh16(b_r[...])

    @pl.when(i == 0)
    def _():
        cnt_r[...] = jnp.zeros_like(cnt_r)
        ps_r[...] = jnp.zeros_like(ps_r)

    ones = jnp.ones((_TILE_N, _H), _F32)
    cnt_r[...] += lax.dot_general(oh, ones, (((0,), (0,)), ((), ())),
                                  precision=_HIGH)
    ps_r[...] += lax.dot_general(oh, p_r[...], (((0,), (0,)), ((), ())),
                                 precision=_HIGH)


def _stats(batchf, polar):
    return pl.pallas_call(
        _stats_body,
        grid=(_N // _TILE_N,),
        in_specs=[
            pl.BlockSpec((_TILE_N, 1), lambda i: (i, 0)),
            pl.BlockSpec((_TILE_N, 2), lambda i: (i, 0)),
        ],
        out_specs=[
            pl.BlockSpec((_G, _H), lambda i: (0, 0)),
            pl.BlockSpec((_G, 2), lambda i: (0, 0)),
        ],
        out_shape=[
            jax.ShapeDtypeStruct((_G, _H), _F32),
            jax.ShapeDtypeStruct((_G, 2), _F32),
        ],
    )(batchf, polar)


def _prep_body(x_r, b_r, u_r, ws_r, wd_r, wu_r, eb1_r, ps_r, pd_r):
    x = x_r[...]
    oh = _oh16(b_r[...])
    uw = jnp.dot(u_r[...], wu_r[...], precision=_HIGH)
    ps_r[...] = (jnp.dot(x, ws_r[...], precision=_HIGH)
                 + jnp.dot(oh, uw, precision=_HIGH) + eb1_r[...])
    pd_r[...] = jnp.dot(x, wd_r[...], precision=_HIGH)


def _prep(x, batchf, u, ws, wd, wu, eb1):
    return pl.pallas_call(
        _prep_body,
        grid=(_N // _TILE_N,),
        in_specs=[
            pl.BlockSpec((_TILE_N, _D), lambda i: (i, 0)),
            pl.BlockSpec((_TILE_N, 1), lambda i: (i, 0)),
            pl.BlockSpec((_G, _DU), lambda i: (0, 0)),
            pl.BlockSpec((_D, _H), lambda i: (0, 0)),
            pl.BlockSpec((_D, _H), lambda i: (0, 0)),
            pl.BlockSpec((_DU, _H), lambda i: (0, 0)),
            pl.BlockSpec((1, _H), lambda i: (0, 0)),
        ],
        out_specs=[pl.BlockSpec((_TILE_N, _H), lambda i: (i, 0))] * 2,
        out_shape=[jax.ShapeDtypeStruct((_N, _H), _F32)] * 2,
    )(x, batchf, u, ws, wd, wu, eb1)


def _edge_body(hsum_r, ea_r, we_r, w2_r, eb2_r, out_r):
    eaw = jnp.dot(ea_r[...], we_r[...], precision=_HIGH)
    h = jnp.maximum(hsum_r[...] + eaw, 0.0)
    out_r[...] = jnp.dot(h, w2_r[...], precision=_HIGH) + eb2_r[...]


def _edge(hsum, ea, we, w2, eb2r):
    return pl.pallas_call(
        _edge_body,
        grid=(_E // _TILE_E,),
        in_specs=[
            pl.BlockSpec((_TILE_E, _H), lambda i: (i, 0)),
            pl.BlockSpec((_TILE_E, _DE), lambda i: (i, 0)),
            pl.BlockSpec((_DE, _H), lambda i: (0, 0)),
            pl.BlockSpec((_H, _DE), lambda i: (0, 0)),
            pl.BlockSpec((1, _DE), lambda i: (0, 0)),
        ],
        out_specs=pl.BlockSpec((_TILE_E, _DE), lambda i: (i, 0)),
        out_shape=jax.ShapeDtypeStruct((_E, _DE), _F32),
    )(hsum, ea, we, w2, eb2r)


def _node_body(x_r, a0_r, a1_r, b_r, u_r, wx_r, wa_r, wu_r,
               nb1_r, w2_r, nb2_r, xn_r, xs_r):
    i = pl.program_id(0)
    x = x_r[...]
    oh = _oh16(b_r[...])
    uw = jnp.dot(u_r[...], wu_r[...], precision=_HIGH)
    agg = a0_r[...] + a1_r[...]
    npre = (jnp.dot(x, wx_r[...], precision=_HIGH)
            + jnp.dot(agg, wa_r[...], precision=_HIGH)
            + jnp.dot(oh, uw, precision=_HIGH) + nb1_r[...])
    xn = jnp.dot(jnp.maximum(npre, 0.0), w2_r[...], precision=_HIGH) + nb2_r[...]
    xn_r[...] = xn

    @pl.when(i == 0)
    def _():
        xs_r[...] = jnp.zeros_like(xs_r)

    xs_r[...] += lax.dot_general(oh, xn, (((0,), (0,)), ((), ())),
                                 precision=_HIGH)


def _node(x, a0, a1, batchf, u, wx, wa, wu, nb1, w2, nb2):
    return pl.pallas_call(
        _node_body,
        grid=(_N // _TILE_N,),
        in_specs=[
            pl.BlockSpec((_TILE_N, _D), lambda i: (i, 0)),
            pl.BlockSpec((_TILE_N, _DE), lambda i: (i, 0)),
            pl.BlockSpec((_TILE_N, _DE), lambda i: (i, 0)),
            pl.BlockSpec((_TILE_N, 1), lambda i: (i, 0)),
            pl.BlockSpec((_G, _DU), lambda i: (0, 0)),
            pl.BlockSpec((_D, _H), lambda i: (0, 0)),
            pl.BlockSpec((_DE, _H), lambda i: (0, 0)),
            pl.BlockSpec((_DU, _H), lambda i: (0, 0)),
            pl.BlockSpec((1, _H), lambda i: (0, 0)),
            pl.BlockSpec((_H, _D), lambda i: (0, 0)),
            pl.BlockSpec((1, _D), lambda i: (0, 0)),
        ],
        out_specs=[
            pl.BlockSpec((_TILE_N, _D), lambda i: (i, 0)),
            pl.BlockSpec((_G, _H), lambda i: (0, 0)),
        ],
        out_shape=[
            jax.ShapeDtypeStruct((_N, _D), _F32),
            jax.ShapeDtypeStruct((_G, _H), _F32),
        ],
    )(x, a0, a1, batchf, u, wx, wa, wu, nb1, w2, nb2)


def _glob_body(u_r, xs_r, ps_r, cnt_r, gwu_r, gwx_r, gwp_r, gb1_r, gw2_r,
               gb2_r, un_r):
    c = jnp.maximum(cnt_r[...], 1.0)
    xm = xs_r[...] / c
    pm = ps_r[...] / c[:, :2]
    gpre = (jnp.dot(u_r[...], gwu_r[...], precision=_HIGH)
            + jnp.dot(xm, gwx_r[...], precision=_HIGH)
            + jnp.dot(pm, gwp_r[...], precision=_HIGH) + gb1_r[...])
    un_r[...] = jnp.dot(jnp.maximum(gpre, 0.0), gw2_r[...],
                        precision=_HIGH) + gb2_r[...]


def _glob(u, xsum, psum, cnt, gwu, gwx, gwp, gb1, gw2, gb2):
    return pl.pallas_call(
        _glob_body,
        out_shape=jax.ShapeDtypeStruct((_G, _DU), _F32),
    )(u, xsum, psum, cnt, gwu, gwx, gwp, gb1, gw2, gb2)


def _gather_sc(ps, pd, srcp, dstp):
    es = srcp.shape[0]
    epw = es // _NW
    nch = -(-epw // _CH)
    last = epw - _CH
    mesh = plsc.VectorSubcoreMesh(core_axis_name="c", subcore_axis_name="s")

    @functools.partial(
        pl.kernel,
        mesh=mesh,
        out_type=jax.ShapeDtypeStruct((es, _H), _F32),
        scratch_types=[
            pltpu.VMEM((epw,), jnp.int32),
            pltpu.VMEM((epw,), jnp.int32),
        ] + [pltpu.VMEM((_CH, _H), _F32)] * 6
          + [pltpu.SemaphoreType.DMA] * 9,
        compiler_params=pltpu.CompilerParams(use_tc_tiling_on_sc=False),
    )
    def k(ps_h, pd_h, src_h, dst_h, hsum_h, src_v, dst_v,
          rs0, rd0, rs1, rd1, rs2, rd2,
          gs0, gd0, w0, gs1, gd1, w1, gs2, gd2, w2):
        wid = lax.axis_index("s") * _NC + lax.axis_index("c")
        base = wid * epw
        pltpu.sync_copy(src_h.at[pl.ds(base, epw)], src_v)
        pltpu.sync_copy(dst_h.at[pl.ds(base, epw)], dst_v)

        rs = (rs0, rs1, rs2)
        rd = (rd0, rd1, rd2)
        gs = (gs0, gs1, gs2)
        gd = (gd0, gd1, gd2)
        ws = (w0, w1, w2)

        def s0_of(i):
            return jnp.minimum(i * _CH, last)

        def g_start(i, sl):
            s0 = s0_of(i)
            pltpu.make_async_copy(
                ps_h.at[src_v.at[pl.ds(s0, _CH)]], rs[sl], gs[sl]).start()
            pltpu.make_async_copy(
                pd_h.at[dst_v.at[pl.ds(s0, _CH)]], rd[sl], gd[sl]).start()

        def g_wait(i, sl):
            s0 = s0_of(i)
            pltpu.make_async_copy(
                ps_h.at[src_v.at[pl.ds(s0, _CH)]], rs[sl], gs[sl]).wait()
            pltpu.make_async_copy(
                pd_h.at[dst_v.at[pl.ds(s0, _CH)]], rd[sl], gd[sl]).wait()

        def compute(sl):
            a, b = rs[sl], rd[sl]

            def cb(r, carry):
                for c in range(_H // 16):
                    s = pl.ds(c * 16, 16)
                    a[r, s] = a[r, s] + b[r, s]
                return carry

            lax.fori_loop(0, _CH, cb, 0)

        def w_start(i, sl):
            s0 = s0_of(i)
            pltpu.make_async_copy(
                rs[sl], hsum_h.at[pl.ds(base + s0, _CH)], ws[sl]).start()

        def w_wait(i, sl):
            s0 = s0_of(i)
            pltpu.make_async_copy(
                rs[sl], hsum_h.at[pl.ds(base + s0, _CH)], ws[sl]).wait()

        def chunk(i, carry):
            g_start(i, 0)
            g_wait(i, 0)
            compute(0)
            w_start(i, 0)
            w_wait(i, 0)
            return carry

        lax.fori_loop(0, nch, chunk, 0)

    return k(ps, pd, srcp, dstp)


def _scatter_sc(ea, dstp):
    es = dstp.shape[0]
    epw = es // _NW
    full = epw // _CH
    tail = epw - full * _CH
    trips = (full - 2) // 4
    mesh = plsc.VectorSubcoreMesh(core_axis_name="c", subcore_axis_name="s")

    @functools.partial(
        pl.kernel,
        mesh=mesh,
        out_type=jax.ShapeDtypeStruct((_NC, _N, _DE), _F32),
        scratch_types=(
            [pltpu.VMEM((_CH,), jnp.int32)] * 4
            + [pltpu.VMEM((_CH, _DE), _F32)] * 4
            + [
                pltpu.VMEM((tail, ), jnp.int32),
                pltpu.VMEM((tail, _DE), _F32),
                pltpu.VMEM((_NPS, _DE), _F32),
                pltpu.VMEM_SHARED((_N, _DE), _F32),
            ]
            + [pltpu.SemaphoreType.DMA] * 8
        ),
        compiler_params=pltpu.CompilerParams(use_tc_tiling_on_sc=False),
    )
    def k(ea_h, dst_h, out_h, idx0, idx1, idx2, idx3,
          val0, val1, val2, val3, idxt_v, valt_v, z_v, agg_sh,
          cs0, cs1, cs2, cs3, ss0, ss1, ss2, ss3):
        cid = lax.axis_index("c")
        sid = lax.axis_index("s")
        wid = sid * _NC + cid
        base = wid * epw
        idxb = (idx0, idx1, idx2, idx3)
        val = (val0, val1, val2, val3)
        cs = (cs0, cs1, cs2, cs3)
        ss = (ss0, ss1, ss2, ss3)

        @pl.when(sid < _NCP)
        def _():
            def zb(i, carry):
                z_v[i, :] = jnp.zeros((_DE,), _F32)
                return carry

            lax.fori_loop(0, _NPS, zb, 0)
            pltpu.sync_copy(z_v, agg_sh.at[pl.ds(sid * _NPS, _NPS)])

        plsc.subcore_barrier()

        def l_start(i, sl):
            s0 = base + i * _CH
            pltpu.make_async_copy(
                dst_h.at[pl.ds(s0, _CH)], idxb[sl], cs[sl]).start()
            pltpu.make_async_copy(
                ea_h.at[pl.ds(s0, _CH), :], val[sl], cs[sl]).start()

        def l_wait(i, sl):
            s0 = base + i * _CH
            pltpu.make_async_copy(
                dst_h.at[pl.ds(s0, _CH)], idxb[sl], cs[sl]).wait()
            pltpu.make_async_copy(
                ea_h.at[pl.ds(s0, _CH), :], val[sl], cs[sl]).wait()

        def s_start(sl):
            pltpu.async_copy(val[sl], agg_sh.at[idxb[sl]], ss[sl], add=True)

        def s_wait(sl):
            pltpu.make_async_copy(val[sl], agg_sh.at[idxb[sl]], ss[sl]).wait()

        l_start(0, 0)
        l_start(1, 1)

        def body(t, carry):
            for j in range(4):
                k_ = 4 * t + j
                sl = j
                ld = (j + 2) % 4
                if j < 2:
                    @pl.when(t > 0)
                    def _(ld=ld):
                        s_wait(ld)
                else:
                    s_wait(ld)
                l_start(k_ + 2, ld)
                l_wait(k_, sl)
                s_start(sl)
            return carry

        lax.fori_loop(0, trips, body, 0)

        s_wait(2)
        s_wait(3)
        for c in range(4 * trips, full):
            sl = c % 4
            if sl >= 2:
                l_start(c, sl)
            l_wait(c, sl)
            s_start(sl)

        s0 = base + full * _CH
        pltpu.sync_copy(dst_h.at[pl.ds(s0, tail)], idxt_v)
        pltpu.sync_copy(ea_h.at[pl.ds(s0, tail), :], valt_v)
        pltpu.sync_copy(valt_v, agg_sh.at[idxt_v], add=True)
        for c in range(4 * trips, full):
            s_wait(c % 4)
        plsc.subcore_barrier()

        @pl.when(sid < _NCP)
        def _():
            pltpu.sync_copy(agg_sh.at[pl.ds(sid * _NPS, _NPS)],
                            out_h.at[cid, pl.ds(sid * _NPS, _NPS)])

    return k(ea, dstp)


def kernel(x, edge_index, edge_attr, u, batch, polar_pos,
           eW1, eb1, eW2, eb2, nW1, nb1, nW2, nb2, gW1, gb1, gW2, gb2):
    src = edge_index[0]
    dst = edge_index[1]
    batchf = batch.astype(_F32).reshape(_N, 1)

    eWs, eWd = eW1[:_D], eW1[_D:2 * _D]
    eWe, eWu = eW1[2 * _D:2 * _D + _DE], eW1[2 * _D + _DE:]
    nWx, nWa, nWu = nW1[:_D], nW1[_D:_D + _DE], nW1[_D + _DE:]
    gWu, gWx, gWp = gW1[:_DU], gW1[_DU:_DU + _D], gW1[_DU + _D:]
    eb1r, eb2r = eb1.reshape(1, _H), eb2.reshape(1, _DE)
    nb1r, nb2r = nb1.reshape(1, _H), nb2.reshape(1, _D)
    gb1r, gb2r = gb1.reshape(1, _H), gb2.reshape(1, _DU)

    cnt, psum = _stats(batchf, polar_pos)

    x_cat, g_cat = [x], [u]
    ea = edge_attr
    for _ in range(_STEPS):
        ps, pd = _prep(x, batchf, u, eWs, eWd, eWu, eb1r)
        hsum = _gather_sc(ps, pd, src, dst)
        ea = _edge(hsum, ea, eWe, eW2, eb2r)
        aggp = _scatter_sc(ea, dst)
        x, xsum = _node(x, aggp[0], aggp[1], batchf, u, nWx, nWa, nWu,
                        nb1r, nW2, nb2r)
        u = _glob(u, xsum, psum, cnt, gWu, gWx, gWp, gb1r, gW2, gb2r)
        x_cat.append(x)
        g_cat.append(u)
    return jnp.concatenate(x_cat, axis=1), jnp.concatenate(g_cat, axis=1)

# --- scband reference (transcript-rebuilt; emitter-appended) ---
"""Pipeline reference for scband-meta-mlp-83562883711142 (READ-ONLY COPY).

The authoritative reference and input builder live on the scoring server;
editing this copy changes nothing except your own understanding.
"""

import jax, jax.numpy as jnp
import numpy as np

N = 10000
E = 320000
D = 128
DE = 16
G = 16
DU = 32
H = 128
STEPS = 2


def _mlp(z, W1, b1, W2, b2):
    return jax.nn.relu(z @ W1 + b1) @ W2 + b2


def setup_inputs(seed: int = 0) -> dict:
    key = jax.random.key(seed)
    ks = jax.random.split(key, 20)
    x = jax.random.normal(ks[0], (N, D), dtype=jnp.float32)
    edge_index = jax.random.randint(ks[1], (2, E), 0, N, dtype=jnp.int32)
    edge_attr = jax.random.normal(ks[2], (E, DE), dtype=jnp.float32)
    u = jax.random.normal(ks[3], (G, DU), dtype=jnp.float32)
    batch = jnp.sort(jax.random.randint(ks[4], (N,), 0, G, dtype=jnp.int32))
    polar_pos = jax.random.uniform(ks[5], (N, 2), dtype=jnp.float32)
    ein = 2 * D + DE + DU   # 304
    nin = D + DE + DU       # 176
    gin = DU + D + 2        # 162
    def lin(k, fi, fo):
        return jax.random.normal(k, (fi, fo), dtype=jnp.float32) / np.sqrt(fi)
    params = {
        'eW1': lin(ks[6], ein, H), 'eb1': jnp.zeros((H,), jnp.float32),
        'eW2': lin(ks[7], H, DE),  'eb2': jnp.zeros((DE,), jnp.float32),
        'nW1': lin(ks[8], nin, H), 'nb1': jnp.zeros((H,), jnp.float32),
        'nW2': lin(ks[9], H, D),   'nb2': jnp.zeros((D,), jnp.float32),
        'gW1': lin(ks[10], gin, H),'gb1': jnp.zeros((H,), jnp.float32),
        'gW2': lin(ks[11], H, DU), 'gb2': jnp.zeros((DU,), jnp.float32),
    }
    out = {'x': x, 'edge_index': edge_index, 'edge_attr': edge_attr, 'u': u,
           'batch': batch, 'polar_pos': polar_pos}
    out.update(params)
    return out


def reference(x, edge_index, edge_attr, u, batch, polar_pos,
              eW1, eb1, eW2, eb2, nW1, nb1, nW2, nb2, gW1, gb1, gW2, gb2):
    src = edge_index[0]
    dst = edge_index[1]
    counts = jnp.clip(jax.ops.segment_sum(jnp.ones((N, 1), jnp.float32), batch, num_segments=G), 1.0)
    x_cat = [x]
    g_cat = [u]
    for _ in range(STEPS):
        # edge_model(x[src], x[dst], edge_attr, u, batch[src])
        e_in = jnp.concatenate([x[src], x[dst], edge_attr, u[batch[src]]], axis=1)
        edge_attr = _mlp(e_in, eW1, eb1, eW2, eb2)
        # node_model(x, edge_index, edge_attr, u, batch): scatter-add edges to dst
        agg = jax.ops.segment_sum(edge_attr, dst, num_segments=N)
        n_in = jnp.concatenate([x, agg, u[batch]], axis=1)
        x = _mlp(n_in, nW1, nb1, nW2, nb2)
        # global_model(x, u, batch, polar_pos): per-graph means
        xm = jax.ops.segment_sum(x, batch, num_segments=G) / counts
        pm = jax.ops.segment_sum(polar_pos, batch, num_segments=G) / counts
        u = _mlp(jnp.concatenate([u, xm, pm], axis=1), gW1, gb1, gW2, gb2)
        x_cat.append(x)
        g_cat.append(u)
    return jnp.concatenate(x_cat, axis=1), jnp.concatenate(g_cat, axis=1)

if __name__ == "__main__":
    import jax
    _d = setup_inputs()
    print(jax.jit(kernel)(*tuple(_d.values())))

</pallas_src>

<mosaic_0001>
#map = affine_map<(d0, d1) -> (0, 0)>
#map1 = affine_map<(d0, d1) -> (0)>
module attributes {stable_mosaic.version = 14 : i64} {
  func.func @k(%arg0: i32, %arg1: i32, %arg2: memref<10000x128xf32, #tpu.memory_space<hbm>>, %arg3: memref<10000x128xf32, #tpu.memory_space<hbm>>, %arg4: memref<320000xi32, #tpu.memory_space<hbm>>, %arg5: memref<320000xi32, #tpu.memory_space<hbm>>, %arg6: memref<320000x128xf32, #tpu.memory_space<hbm>>, %arg7: memref<10000xi32, #tpu.memory_space<vmem>>, %arg8: memref<10000xi32, #tpu.memory_space<vmem>>, %arg9: memref<128x128xf32, #tpu.memory_space<vmem>>, %arg10: memref<128x128xf32, #tpu.memory_space<vmem>>, %arg11: memref<128x128xf32, #tpu.memory_space<vmem>>, %arg12: memref<128x128xf32, #tpu.memory_space<vmem>>, %arg13: memref<128x128xf32, #tpu.memory_space<vmem>>, %arg14: memref<128x128xf32, #tpu.memory_space<vmem>>, %arg15: memref<!tpu.dma_semaphore, #tpu.memory_space<semaphore_mem>>, %arg16: memref<!tpu.dma_semaphore, #tpu.memory_space<semaphore_mem>>, %arg17: memref<!tpu.dma_semaphore, #tpu.memory_space<semaphore_mem>>, %arg18: memref<!tpu.dma_semaphore, #tpu.memory_space<semaphore_mem>>, %arg19: memref<!tpu.dma_semaphore, #tpu.memory_space<semaphore_mem>>, %arg20: memref<!tpu.dma_semaphore, #tpu.memory_space<semaphore_mem>>, %arg21: memref<!tpu.dma_semaphore, #tpu.memory_space<semaphore_mem>>, %arg22: memref<!tpu.dma_semaphore, #tpu.memory_space<semaphore_mem>>, %arg23: memref<!tpu.dma_semaphore, #tpu.memory_space<semaphore_mem>>) attributes {dimension_semantics = [#tpu.dimension_semantics<core_parallel>, #tpu.dimension_semantics<subcore_parallel>], iteration_bounds = array<i64: 2, 16>, scalar_prefetch = 0 : i64, scratch_operands = 17 : i64, tpu.core_type = #tpu.core_type<sc_vector_subcore>, window_params = [{transform_indices = #map}, {transform_indices = #map}, {transform_indices = #map1}, {transform_indices = #map1}, {transform_indices = #map}]} {
    %mul3A = arith.constant 2 : i32
    %mul3A_0 = arith.muli %arg1, %mul3A : i32
    %add3A = arith.addi %mul3A_0, %arg0 : i32
    %mul3A_1 = arith.constant 10000 : i32
    %mul3A_2 = arith.muli %add3A, %mul3A_1 : i32
    "tpu.region"() ({
      %run_scoped3A = tpu.sem_alloc : memref<!tpu.dma_semaphore, #tpu.memory_space<semaphore_mem>>
      %dma_start3A = tpu.memref_slice %arg4[%mul3A_2] : memref<320000xi32, #tpu.memory_space<hbm>> -> memref<10000xi32, #tpu.memory_space<hbm>>
      %dma_start3A_8 = tpu.memref_slice %arg4[%mul3A_2] : memref<320000xi32, #tpu.memory_space<hbm>> -> memref<10000xi32, #tpu.memory_space<hbm>>
      tpu.enqueue_dma source(%dma_start3A_8 : memref<10000xi32, #tpu.memory_space<hbm>>) target(%arg7 : memref<10000xi32, #tpu.memory_space<vmem>>) target_semaphore(%run_scoped3A : memref<!tpu.dma_semaphore, #tpu.memory_space<semaphore_mem>>)
      %dma_wait3A = tpu.memref_slice %arg4[%mul3A_2] : memref<320000xi32, #tpu.memory_space<hbm>> -> memref<10000xi32, #tpu.memory_space<hbm>>
      %dma_wait3A_9 = tpu.memref_slice %arg4[%mul3A_2] : memref<320000xi32, #tpu.memory_space<hbm>> -> memref<10000xi32, #tpu.memory_space<hbm>>
      tpu.wait_dma2 semaphore(%run_scoped3A : memref<!tpu.dma_semaphore, #tpu.memory_space<semaphore_mem>>) src(%dma_wait3A_9 : memref<10000xi32, #tpu.memory_space<hbm>>) dst(%arg7 : memref<10000xi32, #tpu.memory_space<vmem>>)
      tpu.yield
    }) : () -> ()
    "tpu.region"() ({
      %run_scoped3A = tpu.sem_alloc : memref<!tpu.dma_semaphore, #tpu.memory_space<semaphore_mem>>
      %dma_start3A = tpu.memref_slice %arg5[%mul3A_2] : memref<320000xi32, #tpu.memory_space<hbm>> -> memref<10000xi32, #tpu.memory_space<hbm>>
      %dma_start3A_8 = tpu.memref_slice %arg5[%mul3A_2] : memref<320000xi32, #tpu.memory_space<hbm>> -> memref<10000xi32, #tpu.memory_space<hbm>>
      tpu.enqueue_dma source(%dma_start3A_8 : memref<10000xi32, #tpu.memory_space<hbm>>) target(%arg8 : memref<10000xi32, #tpu.memory_space<vmem>>) target_semaphore(%run_scoped3A : memref<!tpu.dma_semaphore, #tpu.memory_space<semaphore_mem>>)
      %dma_wait3A = tpu.memref_slice %arg5[%mul3A_2] : memref<320000xi32, #tpu.memory_space<hbm>> -> memref<10000xi32, #tpu.memory_space<hbm>>
      %dma_wait3A_9 = tpu.memref_slice %arg5[%mul3A_2] : memref<320000xi32, #tpu.memory_space<hbm>> -> memref<10000xi32, #tpu.memory_space<hbm>>
      tpu.wait_dma2 semaphore(%run_scoped3A : memref<!tpu.dma_semaphore, #tpu.memory_space<semaphore_mem>>) src(%dma_wait3A_9 : memref<10000xi32, #tpu.memory_space<hbm>>) dst(%arg8 : memref<10000xi32, #tpu.memory_space<vmem>>)
      tpu.yield
    }) : () -> ()
    %scan3A = arith.constant 0 : i32
    %scan3A_3 = arith.constant 0 : i32
    %scan3A_4 = arith.constant 79 : i32
    %scan3A_5 = arith.addi %scan3A_3, %scan3A_4 : i32
    %scan3A_6 = arith.constant 1 : i32
    scf.for %scan3A_8 = %scan3A_3 to %scan3A_5 step %scan3A_6  : i32 {
      %mul3A_9 = arith.constant 128 : i32
      %mul3A_10 = arith.muli %scan3A_8, %mul3A_9 : i32
      %min3A = arith.constant 9872 : i32
      %min3A_11 = arith.minsi %mul3A_10, %min3A : i32
      %dma_start3A = tpu.memref_slice %arg7[%min3A_11] : memref<10000xi32, #tpu.memory_space<vmem>> -> memref<128xi32, #tpu.memory_space<vmem>>
      %dma_start3A_12 = arith.constant 0 : i32
      %dma_start3A_13 = arith.constant 0 : i32
      %dma_start3A_14 = tpu.memref_slice %arg2[%dma_start3A_12, %dma_start3A_13] : memref<10000x128xf32, #tpu.memory_space<hbm>> -> memref<10000x128xf32, #tpu.memory_space<hbm>>
      tpu.enqueue_indirect_dma source(%dma_start3A_14 : memref<10000x128xf32, #tpu.memory_space<hbm>>) target(%arg9 : memref<128x128xf32, #tpu.memory_space<vmem>>) offsets(%dma_start3A : memref<128xi32, #tpu.memory_space<vmem>>) semaphore(%arg15 : memref<!tpu.dma_semaphore, #tpu.memory_space<semaphore_mem>>)
      %dma_start3A_15 = tpu.memref_slice %arg8[%min3A_11] : memref<10000xi32, #tpu.memory_space<vmem>> -> memref<128xi32, #tpu.memory_space<vmem>>
      %dma_start3A_16 = arith.constant 0 : i32
      %dma_start3A_17 = arith.constant 0 : i32
      %dma_start3A_18 = tpu.memref_slice %arg3[%dma_start3A_16, %dma_start3A_17] : memref<10000x128xf32, #tpu.memory_space<hbm>> -> memref<10000x128xf32, #tpu.memory_space<hbm>>
      tpu.enqueue_indirect_dma source(%dma_start3A_18 : memref<10000x128xf32, #tpu.memory_space<hbm>>) target(%arg10 : memref<128x128xf32, #tpu.memory_space<vmem>>) offsets(%dma_start3A_15 : memref<128xi32, #tpu.memory_space<vmem>>) semaphore(%arg16 : memref<!tpu.dma_semaphore, #tpu.memory_space<semaphore_mem>>)
      %mul3A_19 = arith.constant 128 : i32
      %mul3A_20 = arith.muli %scan3A_8, %mul3A_19 : i32
      %min3A_21 = arith.constant 9872 : i32
      %min3A_22 = arith.minsi %mul3A_20, %min3A_21 : i32
      %dma_wait3A = tpu.memref_slice %arg7[%min3A_22] : memref<10000xi32, #tpu.memory_space<vmem>> -> memref<128xi32, #tpu.memory_space<vmem>>
      %dma_wait3A_23 = arith.constant 0 : i32
      %dma_wait3A_24 = arith.constant 0 : i32
      %dma_wait3A_25 = tpu.memref_slice %arg2[%dma_wait3A_23, %dma_wait3A_24] : memref<10000x128xf32, #tpu.memory_space<hbm>> -> memref<10000x128xf32, #tpu.memory_space<hbm>>
      tpu.wait_indirect_dma semaphore(%arg15 : memref<!tpu.dma_semaphore, #tpu.memory_space<semaphore_mem>>) src(%dma_wait3A_25 : memref<10000x128xf32, #tpu.memory_space<hbm>>) dst(%arg9 : memref<128x128xf32, #tpu.memory_space<vmem>>)
      %dma_wait3A_26 = tpu.memref_slice %arg8[%min3A_22] : memref<10000xi32, #tpu.memory_space<vmem>> -> memref<128xi32, #tpu.memory_space<vmem>>
      %dma_wait3A_27 = arith.constant 0 : i32
      %dma_wait3A_28 = arith.constant 0 : i32
      %dma_wait3A_29 = tpu.memref_slice %arg3[%dma_wait3A_27, %dma_wait3A_28] : memref<10000x128xf32, #tpu.memory_space<hbm>> -> memref<10000x128xf32, #tpu.memory_space<hbm>>
      tpu.wait_indirect_dma semaphore(%arg16 : memref<!tpu.dma_semaphore, #tpu.memory_space<semaphore_mem>>) src(%dma_wait3A_29 : memref<10000x128xf32, #tpu.memory_space<hbm>>) dst(%arg10 : memref<128x128xf32, #tpu.memory_space<vmem>>)
      %scan3A_30 = arith.constant 0 : i32
      %scan3A_31 = arith.constant 0 : i32
      %scan3A_32 = arith.constant 128 : i32
      %scan3A_33 = arith.addi %scan3A_31, %scan3A_32 : i32
      %scan3A_34 = arith.constant 1 : i32
      scf.for %scan3A_54 = %scan3A_31 to %scan3A_33 step %scan3A_34  : i32 {
        %get3A = arith.index_cast %scan3A_54 : i32 to index
        %get3A_55 = arith.constant 0 : index
        %get3A_56 = tpu.vector_load %arg9[%get3A, %get3A_55] {strides = array<i32>} : memref<128x128xf32, #tpu.memory_space<vmem>>, vector<1x16xf32>,
        %get3A_57 = vector.shape_cast %get3A_56 : vector<1x16xf32> to vector<16xf32>
        %get3A_58 = arith.index_cast %scan3A_54 : i32 to index
        %get3A_59 = arith.constant 0 : index
        %get3A_60 = tpu.vector_load %arg10[%get3A_58, %get3A_59] {strides = array<i32>} : memref<128x128xf32, #tpu.memory_space<vmem>>, vector<1x16xf32>,
        %get3A_61 = vector.shape_cast %get3A_60 : vector<1x16xf32> to vector<16xf32>
        %add3A_62 = arith.addf %get3A_57, %get3A_61 : vector<16xf32>
        %swap3A = arith.index_cast %scan3A_54 : i32 to index
        %swap3A_63 = arith.constant 0 : index
        %swap3A_64 = tpu.vector_load %arg9[%swap3A, %swap3A_63] {strides = array<i32>} : memref<128x128xf32, #tpu.memory_space<vmem>>, vector<1x16xf32>,
        %swap3A_65 = vector.shape_cast %swap3A_64 : vector<1x16xf32> to vector<16xf32>
        %swap3A_66 = vector.shape_cast %add3A_62 : vector<16xf32> to vector<1x16xf32>
        tpu.vector_store %arg9[%swap3A, %swap3A_63], %swap3A_66 {strides = array<i32>} : memref<128x128xf32, #tpu.memory_space<vmem>>, vector<1x16xf32>,
        %get3A_67 = arith.index_cast %scan3A_54 : i32 to index
        %get3A_68 = arith.constant 16 : index
        %get3A_69 = tpu.vector_load %arg9[%get3A_67, %get3A_68] {strides = array<i32>} : memref<128x128xf32, #tpu.memory_space<vmem>>, vector<1x16xf32>,
        %get3A_70 = vector.shape_cast %get3A_69 : vector<1x16xf32> to vector<16xf32>
        %get3A_71 = arith.index_cast %scan3A_54 : i32 to index
        %get3A_72 = arith.constant 16 : index
        %get3A_73 = tpu.vector_load %arg10[%get3A_71, %get3A_72] {strides = array<i32>} : memref<128x128xf32, #tpu.memory_space<vmem>>, vector<1x16xf32>,
        %get3A_74 = vector.shape_cast %get3A_73 : vector<1x16xf32> to vector<16xf32>
        %add3A_75 = arith.addf %get3A_70, %get3A_74 : vector<16xf32>
        %swap3A_76 = arith.index_cast %scan3A_54 : i32 to index
        %swap3A_77 = arith.constant 16 : index
        %swap3A_78 = tpu.vector_load %arg9[%swap3A_76, %swap3A_77] {strides = array<i32>} : memref<128x128xf32, #tpu.memory_space<vmem>>, vector<1x16xf32>,
        %swap3A_79 = vector.shape_cast %swap3A_78 : vector<1x16xf32> to vector<16xf32>
        %swap3A_80 = vector.shape_cast %add3A_75 : vector<16xf32> to vector<1x16xf32>
        tpu.vector_store %arg9[%swap3A_76, %swap3A_77], %swap3A_80 {strides = array<i32>} : memref<128x128xf32, #tpu.memory_space<vmem>>, vector<1x16xf32>,
        %get3A_81 = arith.index_cast %scan3A_54 : i32 to index
        %get3A_82 = arith.constant 32 : index
        %get3A_83 = tpu.vector_load %arg9[%get3A_81, %get3A_82] {strides = array<i32>} : memref<128x128xf32, #tpu.memory_space<vmem>>, vector<1x16xf32>,
        %get3A_84 = vector.shape_cast %get3A_83 : vector<1x16xf32> to vector<16xf32>
        %get3A_85 = arith.index_cast %scan3A_54 : i32 to index
        %get3A_86 = arith.constant 32 : index
        %get3A_87 = tpu.vector_load %arg10[%get3A_85, %get3A_86] {strides = array<i32>} : memref<128x128xf32, #tpu.memory_space<vmem>>, vector<1x16xf32>,
        %get3A_88 = vector.shape_cast %get3A_87 : vector<1x16xf32> to vector<16xf32>
        %add3A_89 = arith.addf %get3A_84, %get3A_88 : vector<16xf32>
        %swap3A_90 = arith.index_cast %scan3A_54 : i32 to index
        %swap3A_91 = arith.constant 32 : index
        %swap3A_92 = tpu.vector_load %arg9[%swap3A_90, %swap3A_91] {strides = array<i32>} : memref<128x128xf32, #tpu.memory_space<vmem>>, vector<1x16xf32>,
        %swap3A_93 = vector.shape_cast %swap3A_92 : vector<1x16xf32> to vector<16xf32>
        %swap3A_94 = vector.shape_cast %add3A_89 : vector<16xf32> to vector<1x16xf32>
        tpu.vector_store %arg9[%swap3A_90, %swap3A_91], %swap3A_94 {strides = array<i32>} : memref<128x128xf32, #tpu.memory_space<vmem>>, vector<1x16xf32>,
        %get3A_95 = arith.index_cast %scan3A_54 : i32 to index
        %get3A_96 = arith.constant 48 : index
        %get3A_97 = tpu.vector_load %arg9[%get3A_95, %get3A_96] {strides = array<i32>} : memref<128x128xf32, #tpu.memory_space<vmem>>, vector<1x16xf32>,
        %get3A_98 = vector.shape_cast %get3A_97 : vector<1x16xf32> to vector<16xf32>
        %get3A_99 = arith.index_cast %scan3A_54 : i32 to index
        %get3A_100 = arith.constant 48 : index
        %get3A_101 = tpu.vector_load %arg10[%get3A_99, %get3A_100] {strides = array<i32>} : memref<128x128xf32, #tpu.memory_space<vmem>>, vector<1x16xf32>,
        %get3A_102 = vector.shape_cast %get3A_101 : vector<1x16xf32> to vector<16xf32>
        %add3A_103 = arith.addf %get3A_98, %get3A_102 : vector<16xf32>
        %swap3A_104 = arith.index_cast %scan3A_54 : i32 to index
        %swap3A_105 = arith.constant 48 : index
        %swap3A_106 = tpu.vector_load %arg9[%swap3A_104, %swap3A_105] {strides = array<i32>} : memref<128x128xf32, #tpu.memory_space<vmem>>, vector<1x16xf32>,
        %swap3A_107 = vector.shape_cast %swap3A_106 : vector<1x16xf32> to vector<16xf32>
        %swap3A_108 = vector.shape_cast %add3A_103 : vector<16xf32> to vector<1x16xf32>
        tpu.vector_store %arg9[%swap3A_104, %swap3A_105], %swap3A_108 {strides = array<i32>} : memref<128x128xf32, #tpu.memory_space<vmem>>, vector<1x16xf32>,
        %get3A_109 = arith.index_cast %scan3A_54 : i32 to index
        %get3A_110 = arith.constant 64 : index
        %get3A_111 = tpu.vector_load %arg9[%get3A_109, %get3A_110] {strides = array<i32>} : memref<128x128xf32, #tpu.memory_space<vmem>>, vector<1x16xf32>,
        %get3A_112 = vector.shape_cast %get3A_111 : vector<1x16xf32> to vector<16xf32>
        %get3A_113 = arith.index_cast %scan3A_54 : i32 to index
        %get3A_114 = arith.constant 64 : index
        %get3A_115 = tpu.vector_load %arg10[%get3A_113, %get3A_114] {strides = array<i32>} : memref<128x128xf32, #tpu.memory_space<vmem>>, vector<1x16xf32>,
        %get3A_116 = vector.shape_cast %get3A_115 : vector<1x16xf32> to vector<16xf32>
        %add3A_117 = arith.addf %get3A_112, %get3A_116 : vector<16xf32>
        %swap3A_118 = arith.index_cast %scan3A_54 : i32 to index
        %swap3A_119 = arith.constant 64 : index
        %swap3A_120 = tpu.vector_load %arg9[%swap3A_118, %swap3A_119] {strides = array<i32>} : memref<128x128xf32, #tpu.memory_space<vmem>>, vector<1x16xf32>,
        %swap3A_121 = vector.shape_cast %swap3A_120 : vector<1x16xf32> to vector<16xf32>
        %swap3A_122 = vector.shape_cast %add3A_117 : vector<16xf32> to vector<1x16xf32>
        tpu.vector_store %arg9[%swap3A_118, %swap3A_119], %swap3A_122 {strides = array<i32>} : memref<128x128xf32, #tpu.memory_space<vmem>>, vector<1x16xf32>,
        %get3A_123 = arith.index_cast %scan3A_54 : i32 to index
        %get3A_124 = arith.constant 80 : index
        %get3A_125 = tpu.vector_load %arg9[%get3A_123, %get3A_124] {strides = array<i32>} : memref<128x128xf32, #tpu.memory_space<vmem>>, vector<1x16xf32>,
        %get3A_126 = vector.shape_cast %get3A_125 : vector<1x16xf32> to vector<16xf32>
        %get3A_127 = arith.index_cast %scan3A_54 : i32 to index
        %get3A_128 = arith.constant 80 : index
        %get3A_129 = tpu.vector_load %arg10[%get3A_127, %get3A_128] {strides = array<i32>} : memref<128x128xf32, #tpu.memory_space<vmem>>, vector<1x16xf32>,
        %get3A_130 = vector.shape_cast %get3A_129 : vector<1x16xf32> to vector<16xf32>
        %add3A_131 = arith.addf %get3A_126, %get3A_130 : vector<16xf32>
        %swap3A_132 = arith.index_cast %scan3A_54 : i32 to index
        %swap3A_133 = arith.constant 80 : index
        %swap3A_134 = tpu.vector_load %arg9[%swap3A_132, %swap3A_133] {strides = array<i32>} : memref<128x128xf32, #tpu.memory_space<vmem>>, vector<1x16xf32>,
        %swap3A_135 = vector.shape_cast %swap3A_134 : vector<1x16xf32> to vector<16xf32>
        %swap3A_136 = vector.shape_cast %add3A_131 : vector<16xf32> to vector<1x16xf32>
        tpu.vector_store %arg9[%swap3A_132, %swap3A_133], %swap3A_136 {strides = array<i32>} : memref<128x128xf32, #tpu.memory_space<vmem>>, vector<1x16xf32>,
        %get3A_137 = arith.index_cast %scan3A_54 : i32 to index
        %get3A_138 = arith.constant 96 : index
        %get3A_139 = tpu.vector_load %arg9[%get3A_137, %get3A_138] {strides = array<i32>} : memref<128x128xf32, #tpu.memory_space<vmem>>, vector<1x16xf32>,
        %get3A_140 = vector.shape_cast %get3A_139 : vector<1x16xf32> to vector<16xf32>
        %get3A_141 = arith.index_cast %scan3A_54 : i32 to index
        %get3A_142 = arith.constant 96 : index
        %get3A_143 = tpu.vector_load %arg10[%get3A_141, %get3A_142] {strides = array<i32>} : memref<128x128xf32, #tpu.memory_space<vmem>>, vector<1x16xf32>,
        %get3A_144 = vector.shape_cast %get3A_143 : vector<1x16xf32> to vector<16xf32>
        %add3A_145 = arith.addf %get3A_140, %get3A_144 : vector<16xf32>
        %swap3A_146 = arith.index_cast %scan3A_54 : i32 to index
        %swap3A_147 = arith.constant 96 : index
        %swap3A_148 = tpu.vector_load %arg9[%swap3A_146, %swap3A_147] {strides = array<i32>} : memref<128x128xf32, #tpu.memory_space<vmem>>, vector<1x16xf32>,
        %swap3A_149 = vector.shape_cast %swap3A_148 : vector<1x16xf32> to vector<16xf32>
        %swap3A_150 = vector.shape_cast %add3A_145 : vector<16xf32> to vector<1x16xf32>
        tpu.vector_store %arg9[%swap3A_146, %swap3A_147], %swap3A_150 {strides = array<i32>} : memref<128x128xf32, #tpu.memory_space<vmem>>, vector<1x16xf32>,
        %get3A_151 = arith.index_cast %scan3A_54 : i32 to index
        %get3A_152 = arith.constant 112 : index
        %get3A_153 = tpu.vector_load %arg9[%get3A_151, %get3A_152] {strides = array<i32>} : memref<128x128xf32, #tpu.memory_space<vmem>>, vector<1x16xf32>,
        %get3A_154 = vector.shape_cast %get3A_153 : vector<1x16xf32> to vector<16xf32>
        %get3A_155 = arith.index_cast %scan3A_54 : i32 to index
        %get3A_156 = arith.constant 112 : index
        %get3A_157 = tpu.vector_load %arg10[%get3A_155, %get3A_156] {strides = array<i32>} : memref<128x128xf32, #tpu.memory_space<vmem>>, vector<1x16xf32>,
        %get3A_158 = vector.shape_cast %get3A_157 : vector<1x16xf32> to vector<16xf32>
        %add3A_159 = arith.addf %get3A_154, %get3A_158 : vector<16xf32>
        %swap3A_160 = arith.index_cast %scan3A_54 : i32 to index
        %swap3A_161 = arith.constant 112 : index
        %swap3A_162 = tpu.vector_load %arg9[%swap3A_160, %swap3A_161] {strides = array<i32>} : memref<128x128xf32, #tpu.memory_space<vmem>>, vector<1x16xf32>,
        %swap3A_163 = vector.shape_cast %swap3A_162 : vector<1x16xf32> to vector<16xf32>
        %swap3A_164 = vector.shape_cast %add3A_159 : vector<16xf32> to vector<1x16xf32>
        tpu.vector_store %arg9[%swap3A_160, %swap3A_161], %swap3A_164 {strides = array<i32>} : memref<128x128xf32, #tpu.memory_space<vmem>>, vector<1x16xf32>,
      }
      %scan3A_35 = arith.constant 128 : i32
      %mul3A_36 = arith.constant 128 : i32
      %mul3A_37 = arith.muli %scan3A_8, %mul3A_36 : i32
      %min3A_38 = arith.constant 9872 : i32
      %min3A_39 = arith.minsi %mul3A_37, %min3A_38 : i32
      %add3A_40 = arith.addi %mul3A_2, %min3A_39 : i32
      %dma_start3A_41 = arith.constant 0 : i32
      %dma_start3A_42 = tpu.memref_slice %arg6[%add3A_40, %dma_start3A_41] : memref<320000x128xf32, #tpu.memory_space<hbm>> -> memref<128x128xf32, #tpu.memory_space<hbm>>
      %dma_start3A_43 = arith.constant 0 : i32
      %dma_start3A_44 = tpu.memref_slice %arg6[%add3A_40, %dma_start3A_43] : memref<320000x128xf32, #tpu.memory_space<hbm>> -> memref<128x128xf32, #tpu.memory_space<hbm>>
      tpu.enqueue_dma source(%arg9 : memref<128x128xf32, #tpu.memory_space<vmem>>) target(%dma_start3A_44 : memref<128x128xf32, #tpu.memory_space<hbm>>) target_semaphore(%arg17 : memref<!tpu.dma_semaphore, #tpu.memory_space<semaphore_mem>>)
      %mul3A_45 = arith.constant 128 : i32
      %mul3A_46 = arith.muli %scan3A_8, %mul3A_45 : i32
      %min3A_47 = arith.constant 9872 : i32
      %min3A_48 = arith.minsi %mul3A_46, %min3A_47 : i32
      %add3A_49 = arith.addi %mul3A_2, %min3A_48 : i32
      %dma_wait3A_50 = arith.constant 0 : i32
      %dma_wait3A_51 = tpu.memref_slice %arg6[%add3A_49, %dma_wait3A_50] : memref<320000x128xf32, #tpu.memory_space<hbm>> -> memref<128x128xf32, #tpu.memory_space<hbm>>
      %dma_wait3A_52 = arith.constant 0 : i32
      %dma_wait3A_53 = tpu.memref_slice %arg6[%add3A_49, %dma_wait3A_52] : memref<320000x128xf32, #tpu.memory_space<hbm>> -> memref<128x128xf32, #tpu.memory_space<hbm>>
      tpu.wait_dma2 semaphore(%arg17 : memref<!tpu.dma_semaphore, #tpu.memory_space<semaphore_mem>>) src(%arg9 : memref<128x128xf32, #tpu.memory_space<vmem>>) dst(%dma_wait3A_53 : memref<128x128xf32, #tpu.memory_space<hbm>>)
    }
    %scan3A_7 = arith.constant 79 : i32
    return
  }
}

#map = affine_map<(d0, d1) -> (0, 0)>
#map1 = affine_map<(d0, d1) -> (0)>
module attributes {stable_mosaic.version = 14 : i64} {
  func.func @k(%arg0: i32, %arg1: i32, %arg2: memref<10000x128xf32, #tpu.memory_space<hbm>>, %arg3: memref<10000x128xf32, #tpu.memory_space<hbm>>, %arg4: memref<320000xi32, #tpu.memory_space<hbm>>, %arg5: memref<320000xi32, #tpu.memory_space<hbm>>, %arg6: memref<320000x128xf32, #tpu.memory_space<hbm>>, %arg7: memref<10000xi32, #tpu.memory_space<vmem>>, %arg8: memref<10000xi32, #tpu.memory_space<vmem>>, %arg9: memref<128x128xf32, #tpu.memory_space<vmem>>, %arg10: memref<128x128xf32, #tpu.memory_space<vmem>>, %arg11: memref<128x128xf32, #tpu.memory_space<vmem>>, %arg12: memref<128x128xf32, #tpu.memory_space<vmem>>, %arg13: memref<128x128xf32, #tpu.memory_space<vmem>>, %arg14: memref<128x128xf32, #tpu.memory_space<vmem>>, %arg15: memref<!tpu.dma_semaphore, #tpu.memory_space<semaphore_mem>>, %arg16: memref<!tpu.dma_semaphore, #tpu.memory_space<semaphore_mem>>, %arg17: memref<!tpu.dma_semaphore, #tpu.memory_space<semaphore_mem>>, %arg18: memref<!tpu.dma_semaphore, #tpu.memory_space<semaphore_mem>>, %arg19: memref<!tpu.dma_semaphore, #tpu.memory_space<semaphore_mem>>, %arg20: memref<!tpu.dma_semaphore, #tpu.memory_space<semaphore_mem>>, %arg21: memref<!tpu.dma_semaphore, #tpu.memory_space<semaphore_mem>>, %arg22: memref<!tpu.dma_semaphore, #tpu.memory_space<semaphore_mem>>, %arg23: memref<!tpu.dma_semaphore, #tpu.memory_space<semaphore_mem>>) attributes {dimension_semantics = [#tpu.dimension_semantics<core_parallel>, #tpu.dimension_semantics<subcore_parallel>], iteration_bounds = array<i64: 2, 16>, scalar_prefetch = 0 : i64, scratch_operands = 17 : i64, tpu.core_type = #tpu.core_type<sc_vector_subcore>, window_params = [{transform_indices = #map}, {transform_indices = #map}, {transform_indices = #map1}, {transform_indices = #map1}, {transform_indices = #map}]} {
    %mul3A = arith.constant 2 : i32
    %mul3A_0 = arith.muli %arg1, %mul3A : i32
    %add3A = arith.addi %mul3A_0, %arg0 : i32
    %mul3A_1 = arith.constant 10000 : i32
    %mul3A_2 = arith.muli %add3A, %mul3A_1 : i32
    "tpu.region"() ({
      %run_scoped3A = tpu.sem_alloc : memref<!tpu.dma_semaphore, #tpu.memory_space<semaphore_mem>>
      %dma_start3A = tpu.memref_slice %arg4[%mul3A_2] : memref<320000xi32, #tpu.memory_space<hbm>> -> memref<10000xi32, #tpu.memory_space<hbm>>
      %dma_start3A_8 = tpu.memref_slice %arg4[%mul3A_2] : memref<320000xi32, #tpu.memory_space<hbm>> -> memref<10000xi32, #tpu.memory_space<hbm>>
      tpu.enqueue_dma source(%dma_start3A_8 : memref<10000xi32, #tpu.memory_space<hbm>>) target(%arg7 : memref<10000xi32, #tpu.memory_space<vmem>>) target_semaphore(%run_scoped3A : memref<!tpu.dma_semaphore, #tpu.memory_space<semaphore_mem>>)
      %dma_wait3A = tpu.memref_slice %arg4[%mul3A_2] : memref<320000xi32, #tpu.memory_space<hbm>> -> memref<10000xi32, #tpu.memory_space<hbm>>
      %dma_wait3A_9 = tpu.memref_slice %arg4[%mul3A_2] : memref<320000xi32, #tpu.memory_space<hbm>> -> memref<10000xi32, #tpu.memory_space<hbm>>
      tpu.wait_dma2 semaphore(%run_scoped3A : memref<!tpu.dma_semaphore, #tpu.memory_space<semaphore_mem>>) src(%dma_wait3A_9 : memref<10000xi32, #tpu.memory_space<hbm>>) dst(%arg7 : memref<10000xi32, #tpu.memory_space<vmem>>)
      tpu.yield
    }) : () -> ()
    "tpu.region"() ({
      %run_scoped3A = tpu.sem_alloc : memref<!tpu.dma_semaphore, #tpu.memory_space<semaphore_mem>>
      %dma_start3A = tpu.memref_slice %arg5[%mul3A_2] : memref<320000xi32, #tpu.memory_space<hbm>> -> memref<10000xi32, #tpu.memory_space<hbm>>
      %dma_start3A_8 = tpu.memref_slice %arg5[%mul3A_2] : memref<320000xi32, #tpu.memory_space<hbm>> -> memref<10000xi32, #tpu.memory_space<hbm>>
      tpu.enqueue_dma source(%dma_start3A_8 : memref<10000xi32, #tpu.memory_space<hbm>>) target(%arg8 : memref<10000xi32, #tpu.memory_space<vmem>>) target_semaphore(%run_scoped3A : memref<!tpu.dma_semaphore, #tpu.memory_space<semaphore_mem>>)
      %dma_wait3A = tpu.memref_slice %arg5[%mul3A_2] : memref<320000xi32, #tpu.memory_space<hbm>> -> memref<10000xi32, #tpu.memory_space<hbm>>
      %dma_wait3A_9 = tpu.memref_slice %arg5[%mul3A_2] : memref<320000xi32, #tpu.memory_space<hbm>> -> memref<10000xi32, #tpu.memory_space<hbm>>
      tpu.wait_dma2 semaphore(%run_scoped3A : memref<!tpu.dma_semaphore, #tpu.memory_space<semaphore_mem>>) src(%dma_wait3A_9 : memref<10000xi32, #tpu.memory_space<hbm>>) dst(%arg8 : memref<10000xi32, #tpu.memory_space<vmem>>)
      tpu.yield
    }) : () -> ()
    %scan3A = arith.constant 0 : i32
    %scan3A_3 = arith.constant 0 : i32
    %scan3A_4 = arith.constant 79 : i32
    %scan3A_5 = arith.addi %scan3A_3, %scan3A_4 : i32
    %scan3A_6 = arith.constant 1 : i32
    scf.for %scan3A_8 = %scan3A_3 to %scan3A_5 step %scan3A_6  : i32 {
      %mul3A_9 = arith.constant 128 : i32
      %mul3A_10 = arith.muli %scan3A_8, %mul3A_9 : i32
      %min3A = arith.constant 9872 : i32
      %min3A_11 = arith.minsi %mul3A_10, %min3A : i32
      %dma_start3A = tpu.memref_slice %arg7[%min3A_11] : memref<10000xi32, #tpu.memory_space<vmem>> -> memref<128xi32, #tpu.memory_space<vmem>>
      %dma_start3A_12 = arith.constant 0 : i32
      %dma_start3A_13 = arith.constant 0 : i32
      %dma_start3A_14 = tpu.memref_slice %arg2[%dma_start3A_12, %dma_start3A_13] : memref<10000x128xf32, #tpu.memory_space<hbm>> -> memref<10000x128xf32, #tpu.memory_space<hbm>>
      tpu.enqueue_indirect_dma source(%dma_start3A_14 : memref<10000x128xf32, #tpu.memory_space<hbm>>) target(%arg9 : memref<128x128xf32, #tpu.memory_space<vmem>>) offsets(%dma_start3A : memref<128xi32, #tpu.memory_space<vmem>>) semaphore(%arg15 : memref<!tpu.dma_semaphore, #tpu.memory_space<semaphore_mem>>)
      %dma_start3A_15 = tpu.memref_slice %arg8[%min3A_11] : memref<10000xi32, #tpu.memory_space<vmem>> -> memref<128xi32, #tpu.memory_space<vmem>>
      %dma_start3A_16 = arith.constant 0 : i32
      %dma_start3A_17 = arith.constant 0 : i32
      %dma_start3A_18 = tpu.memref_slice %arg3[%dma_start3A_16, %dma_start3A_17] : memref<10000x128xf32, #tpu.memory_space<hbm>> -> memref<10000x128xf32, #tpu.memory_space<hbm>>
      tpu.enqueue_indirect_dma source(%dma_start3A_18 : memref<10000x128xf32, #tpu.memory_space<hbm>>) target(%arg10 : memref<128x128xf32, #tpu.memory_space<vmem>>) offsets(%dma_start3A_15 : memref<128xi32, #tpu.memory_space<vmem>>) semaphore(%arg16 : memref<!tpu.dma_semaphore, #tpu.memory_space<semaphore_mem>>)
      %mul3A_19 = arith.constant 128 : i32
      %mul3A_20 = arith.muli %scan3A_8, %mul3A_19 : i32
      %min3A_21 = arith.constant 9872 : i32
      %min3A_22 = arith.minsi %mul3A_20, %min3A_21 : i32
      %dma_wait3A = tpu.memref_slice %arg7[%min3A_22] : memref<10000xi32, #tpu.memory_space<vmem>> -> memref<128xi32, #tpu.memory_space<vmem>>
      %dma_wait3A_23 = arith.constant 0 : i32
      %dma_wait3A_24 = arith.constant 0 : i32
      %dma_wait3A_25 = tpu.memref_slice %arg2[%dma_wait3A_23, %dma_wait3A_24] : memref<10000x128xf32, #tpu.memory_space<hbm>> -> memref<10000x128xf32, #tpu.memory_space<hbm>>
      tpu.wait_indirect_dma semaphore(%arg15 : memref<!tpu.dma_semaphore, #tpu.memory_space<semaphore_mem>>) src(%dma_wait3A_25 : memref<10000x128xf32, #tpu.memory_space<hbm>>) dst(%arg9 : memref<128x128xf32, #tpu.memory_space<vmem>>)
      %dma_wait3A_26 = tpu.memref_slice %arg8[%min3A_22] : memref<10000xi32, #tpu.memory_space<vmem>> -> memref<128xi32, #tpu.memory_space<vmem>>
      %dma_wait3A_27 = arith.constant 0 : i32
      %dma_wait3A_28 = arith.constant 0 : i32
      %dma_wait3A_29 = tpu.memref_slice %arg3[%dma_wait3A_27, %dma_wait3A_28] : memref<10000x128xf32, #tpu.memory_space<hbm>> -> memref<10000x128xf32, #tpu.memory_space<hbm>>
      tpu.wait_indirect_dma semaphore(%arg16 : memref<!tpu.dma_semaphore, #tpu.memory_space<semaphore_mem>>) src(%dma_wait3A_29 : memref<10000x128xf32, #tpu.memory_space<hbm>>) dst(%arg10 : memref<128x128xf32, #tpu.memory_space<vmem>>)
      %scan3A_30 = arith.constant 0 : i32
      %scan3A_31 = arith.constant 0 : i32
      %scan3A_32 = arith.constant 128 : i32
      %scan3A_33 = arith.addi %scan3A_31, %scan3A_32 : i32
      %scan3A_34 = arith.constant 1 : i32
      scf.for %scan3A_54 = %scan3A_31 to %scan3A_33 step %scan3A_34  : i32 {
        %get3A = arith.index_cast %scan3A_54 : i32 to index
        %get3A_55 = arith.constant 0 : index
        %get3A_56 = tpu.vector_load %arg9[%get3A, %get3A_55] {strides = array<i32>} : memref<128x128xf32, #tpu.memory_space<vmem>>, vector<1x16xf32>,
        %get3A_57 = vector.shape_cast %get3A_56 : vector<1x16xf32> to vector<16xf32>
        %get3A_58 = arith.index_cast %scan3A_54 : i32 to index
        %get3A_59 = arith.constant 0 : index
        %get3A_60 = tpu.vector_load %arg10[%get3A_58, %get3A_59] {strides = array<i32>} : memref<128x128xf32, #tpu.memory_space<vmem>>, vector<1x16xf32>,
        %get3A_61 = vector.shape_cast %get3A_60 : vector<1x16xf32> to vector<16xf32>
        %add3A_62 = arith.addf %get3A_57, %get3A_61 : vector<16xf32>
        %swap3A = arith.index_cast %scan3A_54 : i32 to index
        %swap3A_63 = arith.constant 0 : index
        %swap3A_64 = tpu.vector_load %arg9[%swap3A, %swap3A_63] {strides = array<i32>} : memref<128x128xf32, #tpu.memory_space<vmem>>, vector<1x16xf32>,
        %swap3A_65 = vector.shape_cast %swap3A_64 : vector<1x16xf32> to vector<16xf32>
        %swap3A_66 = vector.shape_cast %add3A_62 : vector<16xf32> to vector<1x16xf32>
        tpu.vector_store %arg9[%swap3A, %swap3A_63], %swap3A_66 {strides = array<i32>} : memref<128x128xf32, #tpu.memory_space<vmem>>, vector<1x16xf32>,
        %get3A_67 = arith.index_cast %scan3A_54 : i32 to index
        %get3A_68 = arith.constant 16 : index
        %get3A_69 = tpu.vector_load %arg9[%get3A_67, %get3A_68] {strides = array<i32>} : memref<128x128xf32, #tpu.memory_space<vmem>>, vector<1x16xf32>,
        %get3A_70 = vector.shape_cast %get3A_69 : vector<1x16xf32> to vector<16xf32>
        %get3A_71 = arith.index_cast %scan3A_54 : i32 to index
        %get3A_72 = arith.constant 16 : index
        %get3A_73 = tpu.vector_load %arg10[%get3A_71, %get3A_72] {strides = array<i32>} : memref<128x128xf32, #tpu.memory_space<vmem>>, vector<1x16xf32>,
        %get3A_74 = vector.shape_cast %get3A_73 : vector<1x16xf32> to vector<16xf32>
        %add3A_75 = arith.addf %get3A_70, %get3A_74 : vector<16xf32>
        %swap3A_76 = arith.index_cast %scan3A_54 : i32 to index
        %swap3A_77 = arith.constant 16 : index
        %swap3A_78 = tpu.vector_load %arg9[%swap3A_76, %swap3A_77] {strides = array<i32>} : memref<128x128xf32, #tpu.memory_space<vmem>>, vector<1x16xf32>,
        %swap3A_79 = vector.shape_cast %swap3A_78 : vector<1x16xf32> to vector<16xf32>
        %swap3A_80 = vector.shape_cast %add3A_75 : vector<16xf32> to vector<1x16xf32>
        tpu.vector_store %arg9[%swap3A_76, %swap3A_77], %swap3A_80 {strides = array<i32>} : memref<128x128xf32, #tpu.memory_space<vmem>>, vector<1x16xf32>,
        %get3A_81 = arith.index_cast %scan3A_54 : i32 to index
        %get3A_82 = arith.constant 32 : index
        %get3A_83 = tpu.vector_load %arg9[%get3A_81, %get3A_82] {strides = array<i32>} : memref<128x128xf32, #tpu.memory_space<vmem>>, vector<1x16xf32>,
        %get3A_84 = vector.shape_cast %get3A_83 : vector<1x16xf32> to vector<16xf32>
        %get3A_85 = arith.index_cast %scan3A_54 : i32 to index
        %get3A_86 = arith.constant 32 : index
        %get3A_87 = tpu.vector_load %arg10[%get3A_85, %get3A_86] {strides = array<i32>} : memref<128x128xf32, #tpu.memory_space<vmem>>, vector<1x16xf32>,
        %get3A_88 = vector.shape_cast %get3A_87 : vector<1x16xf32> to vector<16xf32>
        %add3A_89 = arith.addf %get3A_84, %get3A_88 : vector<16xf32>
        %swap3A_90 = arith.index_cast %scan3A_54 : i32 to index
        %swap3A_91 = arith.constant 32 : index
        %swap3A_92 = tpu.vector_load %arg9[%swap3A_90, %swap3A_91] {strides = array<i32>} : memref<128x128xf32, #tpu.memory_space<vmem>>, vector<1x16xf32>,
        %swap3A_93 = vector.shape_cast %swap3A_92 : vector<1x16xf32> to vector<16xf32>
        %swap3A_94 = vector.shape_cast %add3A_89 : vector<16xf32> to vector<1x16xf32>
        tpu.vector_store %arg9[%swap3A_90, %swap3A_91], %swap3A_94 {strides = array<i32>} : memref<128x128xf32, #tpu.memory_space<vmem>>, vector<1x16xf32>,
        %get3A_95 = arith.index_cast %scan3A_54 : i32 to index
        %get3A_96 = arith.constant 48 : index
        %get3A_97 = tpu.vector_load %arg9[%get3A_95, %get3A_96] {strides = array<i32>} : memref<128x128xf32, #tpu.memory_space<vmem>>, vector<1x16xf32>,
        %get3A_98 = vector.shape_cast %get3A_97 : vector<1x16xf32> to vector<16xf32>
        %get3A_99 = arith.index_cast %scan3A_54 : i32 to index
        %get3A_100 = arith.constant 48 : index
        %get3A_101 = tpu.vector_load %arg10[%get3A_99, %get3A_100] {strides = array<i32>} : memref<128x128xf32, #tpu.memory_space<vmem>>, vector<1x16xf32>,
        %get3A_102 = vector.shape_cast %get3A_101 : vector<1x16xf32> to vector<16xf32>
        %add3A_103 = arith.addf %get3A_98, %get3A_102 : vector<16xf32>
        %swap3A_104 = arith.index_cast %scan3A_54 : i32 to index
        %swap3A_105 = arith.constant 48 : index
        %swap3A_106 = tpu.vector_load %arg9[%swap3A_104, %swap3A_105] {strides = array<i32>} : memref<128x128xf32, #tpu.memory_space<vmem>>, vector<1x16xf32>,
        %swap3A_107 = vector.shape_cast %swap3A_106 : vector<1x16xf32> to vector<16xf32>
        %swap3A_108 = vector.shape_cast %add3A_103 : vector<16xf32> to vector<1x16xf32>
        tpu.vector_store %arg9[%swap3A_104, %swap3A_105], %swap3A_108 {strides = array<i32>} : memref<128x128xf32, #tpu.memory_space<vmem>>, vector<1x16xf32>,
        %get3A_109 = arith.index_cast %scan3A_54 : i32 to index
        %get3A_110 = arith.constant 64 : index
        %get3A_111 = tpu.vector_load %arg9[%get3A_109, %get3A_110] {strides = array<i32>} : memref<128x128xf32, #tpu.memory_space<vmem>>, vector<1x16xf32>,
        %get3A_112 = vector.shape_cast %get3A_111 : vector<1x16xf32> to vector<16xf32>
        %get3A_113 = arith.index_cast %scan3A_54 : i32 to index
        %get3A_114 = arith.constant 64 : index
        %get3A_115 = tpu.vector_load %arg10[%get3A_113, %get3A_114] {strides = array<i32>} : memref<128x128xf32, #tpu.memory_space<vmem>>, vector<1x16xf32>,
        %get3A_116 = vector.shape_cast %get3A_115 : vector<1x16xf32> to vector<16xf32>
        %add3A_117 = arith.addf %get3A_112, %get3A_116 : vector<16xf32>
        %swap3A_118 = arith.index_cast %scan3A_54 : i32 to index
        %swap3A_119 = arith.constant 64 : index
        %swap3A_120 = tpu.vector_load %arg9[%swap3A_118, %swap3A_119] {strides = array<i32>} : memref<128x128xf32, #tpu.memory_space<vmem>>, vector<1x16xf32>,
        %swap3A_121 = vector.shape_cast %swap3A_120 : vector<1x16xf32> to vector<16xf32>
        %swap3A_122 = vector.shape_cast %add3A_117 : vector<16xf32> to vector<1x16xf32>
        tpu.vector_store %arg9[%swap3A_118, %swap3A_119], %swap3A_122 {strides = array<i32>} : memref<128x128xf32, #tpu.memory_space<vmem>>, vector<1x16xf32>,
        %get3A_123 = arith.index_cast %scan3A_54 : i32 to index
        %get3A_124 = arith.constant 80 : index
        %get3A_125 = tpu.vector_load %arg9[%get3A_123, %get3A_124] {strides = array<i32>} : memref<128x128xf32, #tpu.memory_space<vmem>>, vector<1x16xf32>,
        %get3A_126 = vector.shape_cast %get3A_125 : vector<1x16xf32> to vector<16xf32>
        %get3A_127 = arith.index_cast %scan3A_54 : i32 to index
        %get3A_128 = arith.constant 80 : index
        %get3A_129 = tpu.vector_load %arg10[%get3A_127, %get3A_128] {strides = array<i32>} : memref<128x128xf32, #tpu.memory_space<vmem>>, vector<1x16xf32>,
        %get3A_130 = vector.shape_cast %get3A_129 : vector<1x16xf32> to vector<16xf32>
        %add3A_131 = arith.addf %get3A_126, %get3A_130 : vector<16xf32>
        %swap3A_132 = arith.index_cast %scan3A_54 : i32 to index
        %swap3A_133 = arith.constant 80 : index
        %swap3A_134 = tpu.vector_load %arg9[%swap3A_132, %swap3A_133] {strides = array<i32>} : memref<128x128xf32, #tpu.memory_space<vmem>>, vector<1x16xf32>,
        %swap3A_135 = vector.shape_cast %swap3A_134 : vector<1x16xf32> to vector<16xf32>
        %swap3A_136 = vector.shape_cast %add3A_131 : vector<16xf32> to vector<1x16xf32>
        tpu.vector_store %arg9[%swap3A_132, %swap3A_133], %swap3A_136 {strides = array<i32>} : memref<128x128xf32, #tpu.memory_space<vmem>>, vector<1x16xf32>,
        %get3A_137 = arith.index_cast %scan3A_54 : i32 to index
        %get3A_138 = arith.constant 96 : index
        %get3A_139 = tpu.vector_load %arg9[%get3A_137, %get3A_138] {strides = array<i32>} : memref<128x128xf32, #tpu.memory_space<vmem>>, vector<1x16xf32>,
        %get3A_140 = vector.shape_cast %get3A_139 : vector<1x16xf32> to vector<16xf32>
        %get3A_141 = arith.index_cast %scan3A_54 : i32 to index
        %get3A_142 = arith.constant 96 : index
        %get3A_143 = tpu.vector_load %arg10[%get3A_141, %get3A_142] {strides = array<i32>} : memref<128x128xf32, #tpu.memory_space<vmem>>, vector<1x16xf32>,
        %get3A_144 = vector.shape_cast %get3A_143 : vector<1x16xf32> to vector<16xf32>
        %add3A_145 = arith.addf %get3A_140, %get3A_144 : vector<16xf32>
        %swap3A_146 = arith.index_cast %scan3A_54 : i32 to index
        %swap3A_147 = arith.constant 96 : index
        %swap3A_148 = tpu.vector_load %arg9[%swap3A_146, %swap3A_147] {strides = array<i32>} : memref<128x128xf32, #tpu.memory_space<vmem>>, vector<1x16xf32>,
        %swap3A_149 = vector.shape_cast %swap3A_148 : vector<1x16xf32> to vector<16xf32>
        %swap3A_150 = vector.shape_cast %add3A_145 : vector<16xf32> to vector<1x16xf32>
        tpu.vector_store %arg9[%swap3A_146, %swap3A_147], %swap3A_150 {strides = array<i32>} : memref<128x128xf32, #tpu.memory_space<vmem>>, vector<1x16xf32>,
        %get3A_151 = arith.index_cast %scan3A_54 : i32 to index
        %get3A_152 = arith.constant 112 : index
        %get3A_153 = tpu.vector_load %arg9[%get3A_151, %get3A_152] {strides = array<i32>} : memref<128x128xf32, #tpu.memory_space<vmem>>, vector<1x16xf32>,
        %get3A_154 = vector.shape_cast %get3A_153 : vector<1x16xf32> to vector<16xf32>
        %get3A_155 = arith.index_cast %scan3A_54 : i32 to index
        %get3A_156 = arith.constant 112 : index
        %get3A_157 = tpu.vector_load %arg10[%get3A_155, %get3A_156] {strides = array<i32>} : memref<128x128xf32, #tpu.memory_space<vmem>>, vector<1x16xf32>,
        %get3A_158 = vector.shape_cast %get3A_157 : vector<1x16xf32> to vector<16xf32>
        %add3A_159 = arith.addf %get3A_154, %get3A_158 : vector<16xf32>
        %swap3A_160 = arith.index_cast %scan3A_54 : i32 to index
        %swap3A_161 = arith.constant 112 : index
        %swap3A_162 = tpu.vector_load %arg9[%swap3A_160, %swap3A_161] {strides = array<i32>} : memref<128x128xf32, #tpu.memory_space<vmem>>, vector<1x16xf32>,
        %swap3A_163 = vector.shape_cast %swap3A_162 : vector<1x16xf32> to vector<16xf32>
        %swap3A_164 = vector.shape_cast %add3A_159 : vector<16xf32> to vector<1x16xf32>
        tpu.vector_store %arg9[%swap3A_160, %swap3A_161], %swap3A_164 {strides = array<i32>} : memref<128x128xf32, #tpu.memory_space<vmem>>, vector<1x16xf32>,
      }
      %scan3A_35 = arith.constant 128 : i32
      %mul3A_36 = arith.constant 128 : i32
      %mul3A_37 = arith.muli %scan3A_8, %mul3A_36 : i32
      %min3A_38 = arith.constant 9872 : i32
      %min3A_39 = arith.minsi %mul3A_37, %min3A_38 : i32
      %add3A_40 = arith.addi %mul3A_2, %min3A_39 : i32
      %dma_start3A_41 = arith.constant 0 : i32
      %dma_start3A_42 = tpu.memref_slice %arg6[%add3A_40, %dma_start3A_41] : memref<320000x128xf32, #tpu.memory_space<hbm>> -> memref<128x128xf32, #tpu.memory_space<hbm>>
      %dma_start3A_43 = arith.constant 0 : i32
      %dma_start3A_44 = tpu.memref_slice %arg6[%add3A_40, %dma_start3A_43] : memref<320000x128xf32, #tpu.memory_space<hbm>> -> memref<128x128xf32, #tpu.memory_space<hbm>>
      tpu.enqueue_dma source(%arg9 : memref<128x128xf32, #tpu.memory_space<vmem>>) target(%dma_start3A_44 : memref<128x128xf32, #tpu.memory_space<hbm>>) target_semaphore(%arg17 : memref<!tpu.dma_semaphore, #tpu.memory_space<semaphore_mem>>)
      %mul3A_45 = arith.constant 128 : i32
      %mul3A_46 = arith.muli %scan3A_8, %mul3A_45 : i32
      %min3A_47 = arith.constant 9872 : i32
      %min3A_48 = arith.minsi %mul3A_46, %min3A_47 : i32
      %add3A_49 = arith.addi %mul3A_2, %min3A_48 : i32
      %dma_wait3A_50 = arith.constant 0 : i32
      %dma_wait3A_51 = tpu.memref_slice %arg6[%add3A_49, %dma_wait3A_50] : memref<320000x128xf32, #tpu.memory_space<hbm>> -> memref<128x128xf32, #tpu.memory_space<hbm>>
      %dma_wait3A_52 = arith.constant 0 : i32
      %dma_wait3A_53 = tpu.memref_slice %arg6[%add3A_49, %dma_wait3A_52] : memref<320000x128xf32, #tpu.memory_space<hbm>> -> memref<128x128xf32, #tpu.memory_space<hbm>>
      tpu.wait_dma2 semaphore(%arg17 : memref<!tpu.dma_semaphore, #tpu.memory_space<semaphore_mem>>) src(%arg9 : memref<128x128xf32, #tpu.memory_space<vmem>>) dst(%dma_wait3A_53 : memref<128x128xf32, #tpu.memory_space<hbm>>)
    }
    %scan3A_7 = arith.constant 79 : i32
    return
  }
}

#map = affine_map<(d0, d1) -> (0, 0)>
#map1 = affine_map<(d0, d1) -> (0)>
#map2 = affine_map<(d0, d1) -> (0, 0, 0)>
module attributes {stable_mosaic.version = 14 : i64} {
  func.func @k(%arg0: i32, %arg1: i32, %arg2: memref<320000x16xf32, #tpu.memory_space<hbm>>, %arg3: memref<320000xi32, #tpu.memory_space<hbm>>, %arg4: memref<2x10000x16xf32, #tpu.memory_space<hbm>>, %arg5: memref<128xi32, #tpu.memory_space<vmem>>, %arg6: memref<128xi32, #tpu.memory_space<vmem>>, %arg7: memref<128xi32, #tpu.memory_space<vmem>>, %arg8: memref<128xi32, #tpu.memory_space<vmem>>, %arg9: memref<128x16xf32, #tpu.memory_space<vmem>>, %arg10: memref<128x16xf32, #tpu.memory_space<vmem>>, %arg11: memref<128x16xf32, #tpu.memory_space<vmem>>, %arg12: memref<128x16xf32, #tpu.memory_space<vmem>>, %arg13: memref<16xi32, #tpu.memory_space<vmem>>, %arg14: memref<16x16xf32, #tpu.memory_space<vmem>>, %arg15: memref<1000x16xf32, #tpu.memory_space<vmem>>, %arg16: memref<10000x16xf32, #tpu.memory_space<vmem_shared>>, %arg17: memref<!tpu.dma_semaphore, #tpu.memory_space<semaphore_mem>>, %arg18: memref<!tpu.dma_semaphore, #tpu.memory_space<semaphore_mem>>, %arg19: memref<!tpu.dma_semaphore, #tpu.memory_space<semaphore_mem>>, %arg20: memref<!tpu.dma_semaphore, #tpu.memory_space<semaphore_mem>>, %arg21: memref<!tpu.dma_semaphore, #tpu.memory_space<semaphore_mem>>, %arg22: memref<!tpu.dma_semaphore, #tpu.memory_space<semaphore_mem>>, %arg23: memref<!tpu.dma_semaphore, #tpu.memory_space<semaphore_mem>>, %arg24: memref<!tpu.dma_semaphore, #tpu.memory_space<semaphore_mem>>) attributes {dimension_semantics = [#tpu.dimension_semantics<core_parallel>, #tpu.dimension_semantics<subcore_parallel>], iteration_bounds = array<i64: 2, 16>, scalar_prefetch = 0 : i64, scratch_operands = 20 : i64, tpu.core_type = #tpu.core_type<sc_vector_subcore>, window_params = [{transform_indices = #map}, {transform_indices = #map1}, {transform_indices = #map2}]} {
    %mul3A = arith.constant 2 : i32
    %mul3A_0 = arith.muli %arg1, %mul3A : i32
    %add3A = arith.addi %mul3A_0, %arg0 : i32
    %mul3A_1 = arith.constant 10000 : i32
    %mul3A_2 = arith.muli %add3A, %mul3A_1 : i32
    %lt3A = arith.constant 10 : i32
    %lt3A_3 = arith.cmpi slt, %arg1, %lt3A : i32
    %convert_element_type3A = arith.extui %lt3A_3 : i1 to i32
    %cond3A = arith.constant 0 : i32
    %cond3A_4 = arith.cmpi ne, %convert_element_type3A, %cond3A : i32
    scf.if %cond3A_4 {
      %scan3A_66 = arith.constant 0 : i32
      %scan3A_67 = arith.constant 0 : i32
      %scan3A_68 = arith.constant 1000 : i32
      %scan3A_69 = arith.addi %scan3A_67, %scan3A_68 : i32
      %scan3A_70 = arith.constant 1 : i32
      scf.for %scan3A_74 = %scan3A_67 to %scan3A_69 step %scan3A_70  : i32 {
        %broadcast_in_dim3A = arith.constant 0.000000e+00 : f32
        %broadcast_in_dim3A_75 = vector.broadcast %broadcast_in_dim3A : f32 to vector<16xf32>
        %swap3A = arith.index_cast %scan3A_74 : i32 to index
        %swap3A_76 = arith.constant 0 : index
        %swap3A_77 = tpu.vector_load %arg15[%swap3A, %swap3A_76] {strides = array<i32>} : memref<1000x16xf32, #tpu.memory_space<vmem>>, vector<1x16xf32>,
        %swap3A_78 = vector.shape_cast %swap3A_77 : vector<1x16xf32> to vector<16xf32>
        %swap3A_79 = vector.shape_cast %broadcast_in_dim3A_75 : vector<16xf32> to vector<1x16xf32>
        tpu.vector_store %arg15[%swap3A, %swap3A_76], %swap3A_79 {strides = array<i32>} : memref<1000x16xf32, #tpu.memory_space<vmem>>, vector<1x16xf32>,
      }
      %scan3A_71 = arith.constant 1000 : i32
      %mul3A_72 = arith.constant 1000 : i32
      %mul3A_73 = arith.muli %arg1, %mul3A_72 : i32
      "tpu.region"() ({
        %run_scoped3A = tpu.sem_alloc : memref<!tpu.dma_semaphore, #tpu.memory_space<semaphore_mem>>
        %dma_start3A_74 = arith.constant 0 : i32
        %dma_start3A_75 = tpu.memref_slice %arg16[%mul3A_73, %dma_start3A_74] : memref<10000x16xf32, #tpu.memory_space<vmem_shared>> -> memref<1000x16xf32, #tpu.memory_space<vmem_shared>>
        %dma_start3A_76 = arith.constant 0 : i32
        %dma_start3A_77 = tpu.memref_slice %arg16[%mul3A_73, %dma_start3A_76] : memref<10000x16xf32, #tpu.memory_space<vmem_shared>> -> memref<1000x16xf32, #tpu.memory_space<vmem_shared>>
        tpu.enqueue_dma source(%arg15 : memref<1000x16xf32, #tpu.memory_space<vmem>>) target(%dma_start3A_77 : memref<1000x16xf32, #tpu.memory_space<vmem_shared>>) target_semaphore(%run_scoped3A : memref<!tpu.dma_semaphore, #tpu.memory_space<semaphore_mem>>)
        %dma_wait3A_78 = arith.constant 0 : i32
        %dma_wait3A_79 = tpu.memref_slice %arg16[%mul3A_73, %dma_wait3A_78] : memref<10000x16xf32, #tpu.memory_space<vmem_shared>> -> memref<1000x16xf32, #tpu.memory_space<vmem_shared>>
        %dma_wait3A_80 = arith.constant 0 : i32
        %dma_wait3A_81 = tpu.memref_slice %arg16[%mul3A_73, %dma_wait3A_80] : memref<10000x16xf32, #tpu.memory_space<vmem_shared>> -> memref<1000x16xf32, #tpu.memory_space<vmem_shared>>
        tpu.wait_dma2 semaphore(%run_scoped3A : memref<!tpu.dma_semaphore, #tpu.memory_space<semaphore_mem>>) src(%arg15 : memref<1000x16xf32, #tpu.memory_space<vmem>>) dst(%dma_wait3A_81 : memref<1000x16xf32, #tpu.memory_space<vmem_shared>>)
        tpu.yield
      }) : () -> ()
    } else {
    }
    %barrier3A = arith.constant 0 : index
    tpu.barrier barrier_id(%barrier3A)
    %add3A_5 = arith.constant 0 : i32
    %add3A_6 = arith.addi %mul3A_2, %add3A_5 : i32
    %dma_start3A = tpu.memref_slice %arg3[%add3A_6] : memref<320000xi32, #tpu.memory_space<hbm>> -> memref<128xi32, #tpu.memory_space<hbm>>
    %dma_start3A_7 = tpu.memref_slice %arg3[%add3A_6] : memref<320000xi32, #tpu.memory_space<hbm>> -> memref<128xi32, #tpu.memory_space<hbm>>
    tpu.enqueue_dma source(%dma_start3A_7 : memref<128xi32, #tpu.memory_space<hbm>>) target(%arg5 : memref<128xi32, #tpu.memory_space<vmem>>) target_semaphore(%arg17 : memref<!tpu.dma_semaphore, #tpu.memory_space<semaphore_mem>>)
    %dma_start3A_8 = arith.constant 0 : i32
    %dma_start3A_9 = tpu.memref_slice %arg2[%add3A_6, %dma_start3A_8] : memref<320000x16xf32, #tpu.memory_space<hbm>> -> memref<128x16xf32, #tpu.memory_space<hbm>>
    %dma_start3A_10 = arith.constant 0 : i32
    %dma_start3A_11 = tpu.memref_slice %arg2[%add3A_6, %dma_start3A_10] : memref<320000x16xf32, #tpu.memory_space<hbm>> -> memref<128x16xf32, #tpu.memory_space<hbm>>
    tpu.enqueue_dma source(%dma_start3A_11 : memref<128x16xf32, #tpu.memory_space<hbm>>) target(%arg9 : memref<128x16xf32, #tpu.memory_space<vmem>>) target_semaphore(%arg17 : memref<!tpu.dma_semaphore, #tpu.memory_space<semaphore_mem>>)
    %add3A_12 = arith.constant 128 : i32
    %add3A_13 = arith.addi %mul3A_2, %add3A_12 : i32
    %dma_start3A_14 = tpu.memref_slice %arg3[%add3A_13] : memref<320000xi32, #tpu.memory_space<hbm>> -> memref<128xi32, #tpu.memory_space<hbm>>
    %dma_start3A_15 = tpu.memref_slice %arg3[%add3A_13] : memref<320000xi32, #tpu.memory_space<hbm>> -> memref<128xi32, #tpu.memory_space<hbm>>
    tpu.enqueue_dma source(%dma_start3A_15 : memref<128xi32, #tpu.memory_space<hbm>>) target(%arg6 : memref<128xi32, #tpu.memory_space<vmem>>) target_semaphore(%arg18 : memref<!tpu.dma_semaphore, #tpu.memory_space<semaphore_mem>>)
    %dma_start3A_16 = arith.constant 0 : i32
    %dma_start3A_17 = tpu.memref_slice %arg2[%add3A_13, %dma_start3A_16] : memref<320000x16xf32, #tpu.memory_space<hbm>> -> memref<128x16xf32, #tpu.memory_space<hbm>>
    %dma_start3A_18 = arith.constant 0 : i32
    %dma_start3A_19 = tpu.memref_slice %arg2[%add3A_13, %dma_start3A_18] : memref<320000x16xf32, #tpu.memory_space<hbm>> -> memref<128x16xf32, #tpu.memory_space<hbm>>
    tpu.enqueue_dma source(%dma_start3A_19 : memref<128x16xf32, #tpu.memory_space<hbm>>) target(%arg10 : memref<128x16xf32, #tpu.memory_space<vmem>>) target_semaphore(%arg18 : memref<!tpu.dma_semaphore, #tpu.memory_space<semaphore_mem>>)
    %scan3A = arith.constant 0 : i32
    %scan3A_20 = arith.constant 0 : i32
    %scan3A_21 = arith.constant 19 : i32
    %scan3A_22 = arith.addi %scan3A_20, %scan3A_21 : i32
    %scan3A_23 = arith.constant 1 : i32
    scf.for %scan3A_66 = %scan3A_20 to %scan3A_22 step %scan3A_23  : i32 {
      %mul3A_67 = arith.constant 4 : i32
      %mul3A_68 = arith.muli %mul3A_67, %scan3A_66 : i32
      %add3A_69 = arith.constant 0 : i32
      %add3A_70 = arith.addi %mul3A_68, %add3A_69 : i32
      %gt3A = arith.constant 0 : i32
      %gt3A_71 = arith.cmpi sgt, %scan3A_66, %gt3A : i32
      %convert_element_type3A_72 = arith.extui %gt3A_71 : i1 to i32
      %cond3A_73 = arith.constant 0 : i32
      %cond3A_74 = arith.cmpi ne, %convert_element_type3A_72, %cond3A_73 : i32
      scf.if %cond3A_74 {
        %dma_wait3A_190 = arith.constant 0 : i32
        %dma_wait3A_191 = arith.constant 0 : i32
        %dma_wait3A_192 = tpu.memref_slice %arg16[%dma_wait3A_190, %dma_wait3A_191] : memref<10000x16xf32, #tpu.memory_space<vmem_shared>> -> memref<10000x16xf32, #tpu.memory_space<vmem_shared>>
        tpu.wait_indirect_dma semaphore(%arg23 : memref<!tpu.dma_semaphore, #tpu.memory_space<semaphore_mem>>) src(%arg11 : memref<128x16xf32, #tpu.memory_space<vmem>>) dst(%dma_wait3A_192 : memref<10000x16xf32, #tpu.memory_space<vmem_shared>>)
      } else {
      }
      %add3A_75 = arith.constant 2 : i32
      %add3A_76 = arith.addi %add3A_70, %add3A_75 : i32
      %mul3A_77 = arith.constant 128 : i32
      %mul3A_78 = arith.muli %add3A_76, %mul3A_77 : i32
      %add3A_79 = arith.addi %mul3A_2, %mul3A_78 : i32
      %dma_start3A_80 = tpu.memref_slice %arg3[%add3A_79] : memref<320000xi32, #tpu.memory_space<hbm>> -> memref<128xi32, #tpu.memory_space<hbm>>
      %dma_start3A_81 = tpu.memref_slice %arg3[%add3A_79] : memref<320000xi32, #tpu.memory_space<hbm>> -> memref<128xi32, #tpu.memory_space<hbm>>
      tpu.enqueue_dma source(%dma_start3A_81 : memref<128xi32, #tpu.memory_space<hbm>>) target(%arg7 : memref<128xi32, #tpu.memory_space<vmem>>) target_semaphore(%arg19 : memref<!tpu.dma_semaphore, #tpu.memory_space<semaphore_mem>>)
      %dma_start3A_82 = arith.constant 0 : i32
      %dma_start3A_83 = tpu.memref_slice %arg2[%add3A_79, %dma_start3A_82] : memref<320000x16xf32, #tpu.memory_space<hbm>> -> memref<128x16xf32, #tpu.memory_space<hbm>>
      %dma_start3A_84 = arith.constant 0 : i32
      %dma_start3A_85 = tpu.memref_slice %arg2[%add3A_79, %dma_start3A_84] : memref<320000x16xf32, #tpu.memory_space<hbm>> -> memref<128x16xf32, #tpu.memory_space<hbm>>
      tpu.enqueue_dma source(%dma_start3A_85 : memref<128x16xf32, #tpu.memory_space<hbm>>) target(%arg11 : memref<128x16xf32, #tpu.memory_space<vmem>>) target_semaphore(%arg19 : memref<!tpu.dma_semaphore, #tpu.memory_space<semaphore_mem>>)
      %mul3A_86 = arith.constant 128 : i32
      %mul3A_87 = arith.muli %add3A_70, %mul3A_86 : i32
      %add3A_88 = arith.addi %mul3A_2, %mul3A_87 : i32
      %dma_wait3A_89 = tpu.memref_slice %arg3[%add3A_88] : memref<320000xi32, #tpu.memory_space<hbm>> -> memref<128xi32, #tpu.memory_space<hbm>>
      %dma_wait3A_90 = tpu.memref_slice %arg3[%add3A_88] : memref<320000xi32, #tpu.memory_space<hbm>> -> memref<128xi32, #tpu.memory_space<hbm>>
      tpu.wait_dma2 semaphore(%arg17 : memref<!tpu.dma_semaphore, #tpu.memory_space<semaphore_mem>>) src(%dma_wait3A_90 : memref<128xi32, #tpu.memory_space<hbm>>) dst(%arg5 : memref<128xi32, #tpu.memory_space<vmem>>)
      %dma_wait3A_91 = arith.constant 0 : i32
      %dma_wait3A_92 = tpu.memref_slice %arg2[%add3A_88, %dma_wait3A_91] : memref<320000x16xf32, #tpu.memory_space<hbm>> -> memref<128x16xf32, #tpu.memory_space<hbm>>
      %dma_wait3A_93 = arith.constant 0 : i32
      %dma_wait3A_94 = tpu.memref_slice %arg2[%add3A_88, %dma_wait3A_93] : memref<320000x16xf32, #tpu.memory_space<hbm>> -> memref<128x16xf32, #tpu.memory_space<hbm>>
      tpu.wait_dma2 semaphore(%arg17 : memref<!tpu.dma_semaphore, #tpu.memory_space<semaphore_mem>>) src(%dma_wait3A_94 : memref<128x16xf32, #tpu.memory_space<hbm>>) dst(%arg9 : memref<128x16xf32, #tpu.memory_space<vmem>>)
      %dma_start3A_95 = arith.constant 0 : i32
      %dma_start3A_96 = arith.constant 0 : i32
      %dma_start3A_97 = tpu.memref_slice %arg16[%dma_start3A_95, %dma_start3A_96] : memref<10000x16xf32, #tpu.memory_space<vmem_shared>> -> memref<10000x16xf32, #tpu.memory_space<vmem_shared>>
      tpu.enqueue_indirect_dma source(%arg9 : memref<128x16xf32, #tpu.memory_space<vmem>>) target(%dma_start3A_97 : memref<10000x16xf32, #tpu.memory_space<vmem_shared>>) offsets(%arg5 : memref<128xi32, #tpu.memory_space<vmem>>) semaphore(%arg21 : memref<!tpu.dma_semaphore, #tpu.memory_space<semaphore_mem>>) {add = true}
      %mul3A_98 = arith.constant 4 : i32
      %mul3A_99 = arith.muli %mul3A_98, %scan3A_66 : i32
      %add3A_100 = arith.constant 1 : i32
      %add3A_101 = arith.addi %mul3A_99, %add3A_100 : i32
      %gt3A_102 = arith.constant 0 : i32
      %gt3A_103 = arith.cmpi sgt, %scan3A_66, %gt3A_102 : i32
      %convert_element_type3A_104 = arith.extui %gt3A_103 : i1 to i32
      %cond3A_105 = arith.constant 0 : i32
      %cond3A_106 = arith.cmpi ne, %convert_element_type3A_104, %cond3A_105 : i32
      scf.if %cond3A_106 {
        %dma_wait3A_190 = arith.constant 0 : i32
        %dma_wait3A_191 = arith.constant 0 : i32
        %dma_wait3A_192 = tpu.memref_slice %arg16[%dma_wait3A_190, %dma_wait3A_191] : memref<10000x16xf32, #tpu.memory_space<vmem_shared>> -> memref<10000x16xf32, #tpu.memory_space<vmem_shared>>
        tpu.wait_indirect_dma semaphore(%arg24 : memref<!tpu.dma_semaphore, #tpu.memory_space<semaphore_mem>>) src(%arg12 : memref<128x16xf32, #tpu.memory_space<vmem>>) dst(%dma_wait3A_192 : memref<10000x16xf32, #tpu.memory_space<vmem_shared>>)
      } else {
      }
      %add3A_107 = arith.constant 2 : i32
      %add3A_108 = arith.addi %add3A_101, %add3A_107 : i32
      %mul3A_109 = arith.constant 128 : i32
      %mul3A_110 = arith.muli %add3A_108, %mul3A_109 : i32
      %add3A_111 = arith.addi %mul3A_2, %mul3A_110 : i32
      %dma_start3A_112 = tpu.memref_slice %arg3[%add3A_111] : memref<320000xi32, #tpu.memory_space<hbm>> -> memref<128xi32, #tpu.memory_space<hbm>>
      %dma_start3A_113 = tpu.memref_slice %arg3[%add3A_111] : memref<320000xi32, #tpu.memory_space<hbm>> -> memref<128xi32, #tpu.memory_space<hbm>>
      tpu.enqueue_dma source(%dma_start3A_113 : memref<128xi32, #tpu.memory_space<hbm>>) target(%arg8 : memref<128xi32, #tpu.memory_space<vmem>>) target_semaphore(%arg20 : memref<!tpu.dma_semaphore, #tpu.memory_space<semaphore_mem>>)
      %dma_start3A_114 = arith.constant 0 : i32
      %dma_start3A_115 = tpu.memref_slice %arg2[%add3A_111, %dma_start3A_114] : memref<320000x16xf32, #tpu.memory_space<hbm>> -> memref<128x16xf32, #tpu.memory_space<hbm>>
      %dma_start3A_116 = arith.constant 0 : i32
      %dma_start3A_117 = tpu.memref_slice %arg2[%add3A_111, %dma_start3A_116] : memref<320000x16xf32, #tpu.memory_space<hbm>> -> memref<128x16xf32, #tpu.memory_space<hbm>>
      tpu.enqueue_dma source(%dma_start3A_117 : memref<128x16xf32, #tpu.memory_space<hbm>>) target(%arg12 : memref<128x16xf32, #tpu.memory_space<vmem>>) target_semaphore(%arg20 : memref<!tpu.dma_semaphore, #tpu.memory_space<semaphore_mem>>)
      %mul3A_118 = arith.constant 128 : i32
      %mul3A_119 = arith.muli %add3A_101, %mul3A_118 : i32
      %add3A_120 = arith.addi %mul3A_2, %mul3A_119 : i32
      %dma_wait3A_121 = tpu.memref_slice %arg3[%add3A_120] : memref<320000xi32, #tpu.memory_space<hbm>> -> memref<128xi32, #tpu.memory_space<hbm>>
      %dma_wait3A_122 = tpu.memref_slice %arg3[%add3A_120] : memref<320000xi32, #tpu.memory_space<hbm>> -> memref<128xi32, #tpu.memory_space<hbm>>
      tpu.wait_dma2 semaphore(%arg18 : memref<!tpu.dma_semaphore, #tpu.memory_space<semaphore_mem>>) src(%dma_wait3A_122 : memref<128xi32, #tpu.memory_space<hbm>>) dst(%arg6 : memref<128xi32, #tpu.memory_space<vmem>>)
      %dma_wait3A_123 = arith.constant 0 : i32
      %dma_wait3A_124 = tpu.memref_slice %arg2[%add3A_120, %dma_wait3A_123] : memref<320000x16xf32, #tpu.memory_space<hbm>> -> memref<128x16xf32, #tpu.memory_space<hbm>>
      %dma_wait3A_125 = arith.constant 0 : i32
      %dma_wait3A_126 = tpu.memref_slice %arg2[%add3A_120, %dma_wait3A_125] : memref<320000x16xf32, #tpu.memory_space<hbm>> -> memref<128x16xf32, #tpu.memory_space<hbm>>
      tpu.wait_dma2 semaphore(%arg18 : memref<!tpu.dma_semaphore, #tpu.memory_space<semaphore_mem>>) src(%dma_wait3A_126 : memref<128x16xf32, #tpu.memory_space<hbm>>) dst(%arg10 : memref<128x16xf32, #tpu.memory_space<vmem>>)
      %dma_start3A_127 = arith.constant 0 : i32
      %dma_start3A_128 = arith.constant 0 : i32
      %dma_start3A_129 = tpu.memref_slice %arg16[%dma_start3A_127, %dma_start3A_128] : memref<10000x16xf32, #tpu.memory_space<vmem_shared>> -> memref<10000x16xf32, #tpu.memory_space<vmem_shared>>
      tpu.enqueue_indirect_dma source(%arg10 : memref<128x16xf32, #tpu.memory_space<vmem>>) target(%dma_start3A_129 : memref<10000x16xf32, #tpu.memory_space<vmem_shared>>) offsets(%arg6 : memref<128xi32, #tpu.memory_space<vmem>>) semaphore(%arg22 : memref<!tpu.dma_semaphore, #tpu.memory_space<semaphore_mem>>) {add = true}
      %mul3A_130 = arith.constant 4 : i32
      %mul3A_131 = arith.muli %mul3A_130, %scan3A_66 : i32
      %add3A_132 = arith.constant 2 : i32
      %add3A_133 = arith.addi %mul3A_131, %add3A_132 : i32
      %dma_wait3A_134 = arith.constant 0 : i32
      %dma_wait3A_135 = arith.constant 0 : i32
      %dma_wait3A_136 = tpu.memref_slice %arg16[%dma_wait3A_134, %dma_wait3A_135] : memref<10000x16xf32, #tpu.memory_space<vmem_shared>> -> memref<10000x16xf32, #tpu.memory_space<vmem_shared>>
      tpu.wait_indirect_dma semaphore(%arg21 : memref<!tpu.dma_semaphore, #tpu.memory_space<semaphore_mem>>) src(%arg9 : memref<128x16xf32, #tpu.memory_space<vmem>>) dst(%dma_wait3A_136 : memref<10000x16xf32, #tpu.memory_space<vmem_shared>>)
      %add3A_137 = arith.constant 2 : i32
      %add3A_138 = arith.addi %add3A_133, %add3A_137 : i32
      %mul3A_139 = arith.constant 128 : i32
      %mul3A_140 = arith.muli %add3A_138, %mul3A_139 : i32
      %add3A_141 = arith.addi %mul3A_2, %mul3A_140 : i32
      %dma_start3A_142 = tpu.memref_slice %arg3[%add3A_141] : memref<320000xi32, #tpu.memory_space<hbm>> -> memref<128xi32, #tpu.memory_space<hbm>>
      %dma_start3A_143 = tpu.memref_slice %arg3[%add3A_141] : memref<320000xi32, #tpu.memory_space<hbm>> -> memref<128xi32, #tpu.memory_space<hbm>>
      tpu.enqueue_dma source(%dma_start3A_143 : memref<128xi32, #tpu.memory_space<hbm>>) target(%arg5 : memref<128xi32, #tpu.memory_space<vmem>>) target_semaphore(%arg17 : memref<!tpu.dma_semaphore, #tpu.memory_space<semaphore_mem>>)
      %dma_start3A_144 = arith.constant 0 : i32
      %dma_start3A_145 = tpu.memref_slice %arg2[%add3A_141, %dma_start3A_144] : memref<320000x16xf32, #tpu.memory_space<hbm>> -> memref<128x16xf32, #tpu.memory_space<hbm>>
      %dma_start3A_146 = arith.constant 0 : i32
      %dma_start3A_147 = tpu.memref_slice %arg2[%add3A_141, %dma_start3A_146] : memref<320000x16xf32, #tpu.memory_space<hbm>> -> memref<128x16xf32, #tpu.memory_space<hbm>>
      tpu.enqueue_dma source(%dma_start3A_147 : memref<128x16xf32, #tpu.memory_space<hbm>>) target(%arg9 : memref<128x16xf32, #tpu.memory_space<vmem>>) target_semaphore(%arg17 : memref<!tpu.dma_semaphore, #tpu.memory_space<semaphore_mem>>)
      %mul3A_148 = arith.constant 128 : i32
      %mul3A_149 = arith.muli %add3A_133, %mul3A_148 : i32
      %add3A_150 = arith.addi %mul3A_2, %mul3A_149 : i32
      %dma_wait3A_151 = tpu.memref_slice %arg3[%add3A_150] : memref<320000xi32, #tpu.memory_space<hbm>> -> memref<128xi32, #tpu.memory_space<hbm>>
      %dma_wait3A_152 = tpu.memref_slice %arg3[%add3A_150] : memref<320000xi32, #tpu.memory_space<hbm>> -> memref<128xi32, #tpu.memory_space<hbm>>
      tpu.wait_dma2 semaphore(%arg19 : memref<!tpu.dma_semaphore, #tpu.memory_space<semaphore_mem>>) src(%dma_wait3A_152 : memref<128xi32, #tpu.memory_space<hbm>>) dst(%arg7 : memref<128xi32, #tpu.memory_space<vmem>>)
      %dma_wait3A_153 = arith.constant 0 : i32
      %dma_wait3A_154 = tpu.memref_slice %arg2[%add3A_150, %dma_wait3A_153] : memref<320000x16xf32, #tpu.memory_space<hbm>> -> memref<128x16xf32, #tpu.memory_space<hbm>>
      %dma_wait3A_155 = arith.constant 0 : i32
      %dma_wait3A_156 = tpu.memref_slice %arg2[%add3A_150, %dma_wait3A_155] : memref<320000x16xf32, #tpu.memory_space<hbm>> -> memref<128x16xf32, #tpu.memory_space<hbm>>
      tpu.wait_dma2 semaphore(%arg19 : memref<!tpu.dma_semaphore, #tpu.memory_space<semaphore_mem>>) src(%dma_wait3A_156 : memref<128x16xf32, #tpu.memory_space<hbm>>) dst(%arg11 : memref<128x16xf32, #tpu.memory_space<vmem>>)
      %dma_start3A_157 = arith.constant 0 : i32
      %dma_start3A_158 = arith.constant 0 : i32
      %dma_start3A_159 = tpu.memref_slice %arg16[%dma_start3A_157, %dma_start3A_158] : memref<10000x16xf32, #tpu.memory_space<vmem_shared>> -> memref<10000x16xf32, #tpu.memory_space<vmem_shared>>
      tpu.enqueue_indirect_dma source(%arg11 : memref<128x16xf32, #tpu.memory_space<vmem>>) target(%dma_start3A_159 : memref<10000x16xf32, #tpu.memory_space<vmem_shared>>) offsets(%arg7 : memref<128xi32, #tpu.memory_space<vmem>>) semaphore(%arg23 : memref<!tpu.dma_semaphore, #tpu.memory_space<semaphore_mem>>) {add = true}
      %mul3A_160 = arith.constant 4 : i32
      %mul3A_161 = arith.muli %mul3A_160, %scan3A_66 : i32
      %add3A_162 = arith.constant 3 : i32
      %add3A_163 = arith.addi %mul3A_161, %add3A_162 : i32
      %dma_wait3A_164 = arith.constant 0 : i32
      %dma_wait3A_165 = arith.constant 0 : i32
      %dma_wait3A_166 = tpu.memref_slice %arg16[%dma_wait3A_164, %dma_wait3A_165] : memref<10000x16xf32, #tpu.memory_space<vmem_shared>> -> memref<10000x16xf32, #tpu.memory_space<vmem_shared>>
      tpu.wait_indirect_dma semaphore(%arg22 : memref<!tpu.dma_semaphore, #tpu.memory_space<semaphore_mem>>) src(%arg10 : memref<128x16xf32, #tpu.memory_space<vmem>>) dst(%dma_wait3A_166 : memref<10000x16xf32, #tpu.memory_space<vmem_shared>>)
      %add3A_167 = arith.constant 2 : i32
      %add3A_168 = arith.addi %add3A_163, %add3A_167 : i32
      %mul3A_169 = arith.constant 128 : i32
      %mul3A_170 = arith.muli %add3A_168, %mul3A_169 : i32
      %add3A_171 = arith.addi %mul3A_2, %mul3A_170 : i32
      %dma_start3A_172 = tpu.memref_slice %arg3[%add3A_171] : memref<320000xi32, #tpu.memory_space<hbm>> -> memref<128xi32, #tpu.memory_space<hbm>>
      %dma_start3A_173 = tpu.memref_slice %arg3[%add3A_171] : memref<320000xi32, #tpu.memory_space<hbm>> -> memref<128xi32, #tpu.memory_space<hbm>>
      tpu.enqueue_dma source(%dma_start3A_173 : memref<128xi32, #tpu.memory_space<hbm>>) target(%arg6 : memref<128xi32, #tpu.memory_space<vmem>>) target_semaphore(%arg18 : memref<!tpu.dma_semaphore, #tpu.memory_space<semaphore_mem>>)
      %dma_start3A_174 = arith.constant 0 : i32
      %dma_start3A_175 = tpu.memref_slice %arg2[%add3A_171, %dma_start3A_174] : memref<320000x16xf32, #tpu.memory_space<hbm>> -> memref<128x16xf32, #tpu.memory_space<hbm>>
      %dma_start3A_176 = arith.constant 0 : i32
      %dma_start3A_177 = tpu.memref_slice %arg2[%add3A_171, %dma_start3A_176] : memref<320000x16xf32, #tpu.memory_space<hbm>> -> memref<128x16xf32, #tpu.memory_space<hbm>>
      tpu.enqueue_dma source(%dma_start3A_177 : memref<128x16xf32, #tpu.memory_space<hbm>>) target(%arg10 : memref<128x16xf32, #tpu.memory_space<vmem>>) target_semaphore(%arg18 : memref<!tpu.dma_semaphore, #tpu.memory_space<semaphore_mem>>)
      %mul3A_178 = arith.constant 128 : i32
      %mul3A_179 = arith.muli %add3A_163, %mul3A_178 : i32
      %add3A_180 = arith.addi %mul3A_2, %mul3A_179 : i32
      %dma_wait3A_181 = tpu.memref_slice %arg3[%add3A_180] : memref<320000xi32, #tpu.memory_space<hbm>> -> memref<128xi32, #tpu.memory_space<hbm>>
      %dma_wait3A_182 = tpu.memref_slice %arg3[%add3A_180] : memref<320000xi32, #tpu.memory_space<hbm>> -> memref<128xi32, #tpu.memory_space<hbm>>
      tpu.wait_dma2 semaphore(%arg20 : memref<!tpu.dma_semaphore, #tpu.memory_space<semaphore_mem>>) src(%dma_wait3A_182 : memref<128xi32, #tpu.memory_space<hbm>>) dst(%arg8 : memref<128xi32, #tpu.memory_space<vmem>>)
      %dma_wait3A_183 = arith.constant 0 : i32
      %dma_wait3A_184 = tpu.memref_slice %arg2[%add3A_180, %dma_wait3A_183] : memref<320000x16xf32, #tpu.memory_space<hbm>> -> memref<128x16xf32, #tpu.memory_space<hbm>>
      %dma_wait3A_185 = arith.constant 0 : i32
      %dma_wait3A_186 = tpu.memref_slice %arg2[%add3A_180, %dma_wait3A_185] : memref<320000x16xf32, #tpu.memory_space<hbm>> -> memref<128x16xf32, #tpu.memory_space<hbm>>
      tpu.wait_dma2 semaphore(%arg20 : memref<!tpu.dma_semaphore, #tpu.memory_space<semaphore_mem>>) src(%dma_wait3A_186 : memref<128x16xf32, #tpu.memory_space<hbm>>) dst(%arg12 : memref<128x16xf32, #tpu.memory_space<vmem>>)
      %dma_start3A_187 = arith.constant 0 : i32
      %dma_start3A_188 = arith.constant 0 : i32
      %dma_start3A_189 = tpu.memref_slice %arg16[%dma_start3A_187, %dma_start3A_188] : memref<10000x16xf32, #tpu.memory_space<vmem_shared>> -> memref<10000x16xf32, #tpu.memory_space<vmem_shared>>
      tpu.enqueue_indirect_dma source(%arg12 : memref<128x16xf32, #tpu.memory_space<vmem>>) target(%dma_start3A_189 : memref<10000x16xf32, #tpu.memory_space<vmem_shared>>) offsets(%arg8 : memref<128xi32, #tpu.memory_space<vmem>>) semaphore(%arg24 : memref<!tpu.dma_semaphore, #tpu.memory_space<semaphore_mem>>) {add = true}
    }
    %scan3A_24 = arith.constant 19 : i32
    %dma_wait3A = arith.constant 0 : i32
    %dma_wait3A_25 = arith.constant 0 : i32
    %dma_wait3A_26 = tpu.memref_slice %arg16[%dma_wait3A, %dma_wait3A_25] : memref<10000x16xf32, #tpu.memory_space<vmem_shared>> -> memref<10000x16xf32, #tpu.memory_space<vmem_shared>>
    tpu.wait_indirect_dma semaphore(%arg23 : memref<!tpu.dma_semaphore, #tpu.memory_space<semaphore_mem>>) src(%arg11 : memref<128x16xf32, #tpu.memory_space<vmem>>) dst(%dma_wait3A_26 : memref<10000x16xf32, #tpu.memory_space<vmem_shared>>)
    %dma_wait3A_27 = arith.constant 0 : i32
    %dma_wait3A_28 = arith.constant 0 : i32
    %dma_wait3A_29 = tpu.memref_slice %arg16[%dma_wait3A_27, %dma_wait3A_28] : memref<10000x16xf32, #tpu.memory_space<vmem_shared>> -> memref<10000x16xf32, #tpu.memory_space<vmem_shared>>
    tpu.wait_indirect_dma semaphore(%arg24 : memref<!tpu.dma_semaphore, #tpu.memory_space<semaphore_mem>>) src(%arg12 : memref<128x16xf32, #tpu.memory_space<vmem>>) dst(%dma_wait3A_29 : memref<10000x16xf32, #tpu.memory_space<vmem_shared>>)
    %add3A_30 = arith.constant 9728 : i32
    %add3A_31 = arith.addi %mul3A_2, %add3A_30 : i32
    %dma_wait3A_32 = tpu.memref_slice %arg3[%add3A_31] : memref<320000xi32, #tpu.memory_space<hbm>> -> memref<128xi32, #tpu.memory_space<hbm>>
    %dma_wait3A_33 = tpu.memref_slice %arg3[%add3A_31] : memref<320000xi32, #tpu.memory_space<hbm>> -> memref<128xi32, #tpu.memory_space<hbm>>
    tpu.wait_dma2 semaphore(%arg17 : memref<!tpu.dma_semaphore, #tpu.memory_space<semaphore_mem>>) src(%dma_wait3A_33 : memref<128xi32, #tpu.memory_space<hbm>>) dst(%arg5 : memref<128xi32, #tpu.memory_space<vmem>>)
    %dma_wait3A_34 = arith.constant 0 : i32
    %dma_wait3A_35 = tpu.memref_slice %arg2[%add3A_31, %dma_wait3A_34] : memref<320000x16xf32, #tpu.memory_space<hbm>> -> memref<128x16xf32, #tpu.memory_space<hbm>>
    %dma_wait3A_36 = arith.constant 0 : i32
    %dma_wait3A_37 = tpu.memref_slice %arg2[%add3A_31, %dma_wait3A_36] : memref<320000x16xf32, #tpu.memory_space<hbm>> -> memref<128x16xf32, #tpu.memory_space<hbm>>
    tpu.wait_dma2 semaphore(%arg17 : memref<!tpu.dma_semaphore, #tpu.memory_space<semaphore_mem>>) src(%dma_wait3A_37 : memref<128x16xf32, #tpu.memory_space<hbm>>) dst(%arg9 : memref<128x16xf32, #tpu.memory_space<vmem>>)
    %dma_start3A_38 = arith.constant 0 : i32
    %dma_start3A_39 = arith.constant 0 : i32
    %dma_start3A_40 = tpu.memref_slice %arg16[%dma_start3A_38, %dma_start3A_39] : memref<10000x16xf32, #tpu.memory_space<vmem_shared>> -> memref<10000x16xf32, #tpu.memory_space<vmem_shared>>
    tpu.enqueue_indirect_dma source(%arg9 : memref<128x16xf32, #tpu.memory_space<vmem>>) target(%dma_start3A_40 : memref<10000x16xf32, #tpu.memory_space<vmem_shared>>) offsets(%arg5 : memref<128xi32, #tpu.memory_space<vmem>>) semaphore(%arg21 : memref<!tpu.dma_semaphore, #tpu.memory_space<semaphore_mem>>) {add = true}
    %add3A_41 = arith.constant 9856 : i32
    %add3A_42 = arith.addi %mul3A_2, %add3A_41 : i32
    %dma_wait3A_43 = tpu.memref_slice %arg3[%add3A_42] : memref<320000xi32, #tpu.memory_space<hbm>> -> memref<128xi32, #tpu.memory_space<hbm>>
    %dma_wait3A_44 = tpu.memref_slice %arg3[%add3A_42] : memref<320000xi32, #tpu.memory_space<hbm>> -> memref<128xi32, #tpu.memory_space<hbm>>
    tpu.wait_dma2 semaphore(%arg18 : memref<!tpu.dma_semaphore, #tpu.memory_space<semaphore_mem>>) src(%dma_wait3A_44 : memref<128xi32, #tpu.memory_space<hbm>>) dst(%arg6 : memref<128xi32, #tpu.memory_space<vmem>>)
    %dma_wait3A_45 = arith.constant 0 : i32
    %dma_wait3A_46 = tpu.memref_slice %arg2[%add3A_42, %dma_wait3A_45] : memref<320000x16xf32, #tpu.memory_space<hbm>> -> memref<128x16xf32, #tpu.memory_space<hbm>>
    %dma_wait3A_47 = arith.constant 0 : i32
    %dma_wait3A_48 = tpu.memref_slice %arg2[%add3A_42, %dma_wait3A_47] : memref<320000x16xf32, #tpu.memory_space<hbm>> -> memref<128x16xf32, #tpu.memory_space<hbm>>
    tpu.wait_dma2 semaphore(%arg18 : memref<!tpu.dma_semaphore, #tpu.memory_space<semaphore_mem>>) src(%dma_wait3A_48 : memref<128x16xf32, #tpu.memory_space<hbm>>) dst(%arg10 : memref<128x16xf32, #tpu.memory_space<vmem>>)
    %dma_start3A_49 = arith.constant 0 : i32
    %dma_start3A_50 = arith.constant 0 : i32
    %dma_start3A_51 = tpu.memref_slice %arg16[%dma_start3A_49, %dma_start3A_50] : memref<10000x16xf32, #tpu.memory_space<vmem_shared>> -> memref<10000x16xf32, #tpu.memory_space<vmem_shared>>
    tpu.enqueue_indirect_dma source(%arg10 : memref<128x16xf32, #tpu.memory_space<vmem>>) target(%dma_start3A_51 : memref<10000x16xf32, #tpu.memory_space<vmem_shared>>) offsets(%arg6 : memref<128xi32, #tpu.memory_space<vmem>>) semaphore(%arg22 : memref<!tpu.dma_semaphore, #tpu.memory_space<semaphore_mem>>) {add = true}
    %add3A_52 = arith.constant 9984 : i32
    %add3A_53 = arith.addi %mul3A_2, %add3A_52 : i32
    "tpu.region"() ({
      %run_scoped3A = tpu.sem_alloc : memref<!tpu.dma_semaphore, #tpu.memory_space<semaphore_mem>>
      %dma_start3A_66 = tpu.memref_slice %arg3[%add3A_53] : memref<320000xi32, #tpu.memory_space<hbm>> -> memref<16xi32, #tpu.memory_space<hbm>>
      %dma_start3A_67 = tpu.memref_slice %arg3[%add3A_53] : memref<320000xi32, #tpu.memory_space<hbm>> -> memref<16xi32, #tpu.memory_space<hbm>>
      tpu.enqueue_dma source(%dma_start3A_67 : memref<16xi32, #tpu.memory_space<hbm>>) target(%arg13 : memref<16xi32, #tpu.memory_space<vmem>>) target_semaphore(%run_scoped3A : memref<!tpu.dma_semaphore, #tpu.memory_space<semaphore_mem>>)
      %dma_wait3A_68 = tpu.memref_slice %arg3[%add3A_53] : memref<320000xi32, #tpu.memory_space<hbm>> -> memref<16xi32, #tpu.memory_space<hbm>>
      %dma_wait3A_69 = tpu.memref_slice %arg3[%add3A_53] : memref<320000xi32, #tpu.memory_space<hbm>> -> memref<16xi32, #tpu.memory_space<hbm>>
      tpu.wait_dma2 semaphore(%run_scoped3A : memref<!tpu.dma_semaphore, #tpu.memory_space<semaphore_mem>>) src(%dma_wait3A_69 : memref<16xi32, #tpu.memory_space<hbm>>) dst(%arg13 : memref<16xi32, #tpu.memory_space<vmem>>)
      tpu.yield
    }) : () -> ()
    "tpu.region"() ({
      %run_scoped3A = tpu.sem_alloc : memref<!tpu.dma_semaphore, #tpu.memory_space<semaphore_mem>>
      %dma_start3A_66 = arith.constant 0 : i32
      %dma_start3A_67 = tpu.memref_slice %arg2[%add3A_53, %dma_start3A_66] : memref<320000x16xf32, #tpu.memory_space<hbm>> -> memref<16x16xf32, #tpu.memory_space<hbm>>
      %dma_start3A_68 = arith.constant 0 : i32
      %dma_start3A_69 = tpu.memref_slice %arg2[%add3A_53, %dma_start3A_68] : memref<320000x16xf32, #tpu.memory_space<hbm>> -> memref<16x16xf32, #tpu.memory_space<hbm>>
      tpu.enqueue_dma source(%dma_start3A_69 : memref<16x16xf32, #tpu.memory_space<hbm>>) target(%arg14 : memref<16x16xf32, #tpu.memory_space<vmem>>) target_semaphore(%run_scoped3A : memref<!tpu.dma_semaphore, #tpu.memory_space<semaphore_mem>>)
      %dma_wait3A_70 = arith.constant 0 : i32
      %dma_wait3A_71 = tpu.memref_slice %arg2[%add3A_53, %dma_wait3A_70] : memref<320000x16xf32, #tpu.memory_space<hbm>> -> memref<16x16xf32, #tpu.memory_space<hbm>>
      %dma_wait3A_72 = arith.constant 0 : i32
      %dma_wait3A_73 = tpu.memref_slice %arg2[%add3A_53, %dma_wait3A_72] : memref<320000x16xf32, #tpu.memory_space<hbm>> -> memref<16x16xf32, #tpu.memory_space<hbm>>
      tpu.wait_dma2 semaphore(%run_scoped3A : memref<!tpu.dma_semaphore, #tpu.memory_space<semaphore_mem>>) src(%dma_wait3A_73 : memref<16x16xf32, #tpu.memory_space<hbm>>) dst(%arg14 : memref<16x16xf32, #tpu.memory_space<vmem>>)
      tpu.yield
    }) : () -> ()
    "tpu.region"() ({
      %run_scoped3A = tpu.sem_alloc : memref<!tpu.dma_semaphore, #tpu.memory_space<semaphore_mem>>
      %dma_start3A_66 = arith.constant 0 : i32
      %dma_start3A_67 = arith.constant 0 : i32
      %dma_start3A_68 = tpu.memref_slice %arg16[%dma_start3A_66, %dma_start3A_67] : memref<10000x16xf32, #tpu.memory_space<vmem_shared>> -> memref<10000x16xf32, #tpu.memory_space<vmem_shared>>
      tpu.enqueue_indirect_dma source(%arg14 : memref<16x16xf32, #tpu.memory_space<vmem>>) target(%dma_start3A_68 : memref<10000x16xf32, #tpu.memory_space<vmem_shared>>) offsets(%arg13 : memref<16xi32, #tpu.memory_space<vmem>>) semaphore(%run_scoped3A : memref<!tpu.dma_semaphore, #tpu.memory_space<semaphore_mem>>) {add = true}
      %dma_wait3A_69 = arith.constant 0 : i32
      %dma_wait3A_70 = arith.constant 0 : i32
      %dma_wait3A_71 = tpu.memref_slice %arg16[%dma_wait3A_69, %dma_wait3A_70] : memref<10000x16xf32, #tpu.memory_space<vmem_shared>> -> memref<10000x16xf32, #tpu.memory_space<vmem_shared>>
      tpu.wait_indirect_dma semaphore(%run_scoped3A : memref<!tpu.dma_semaphore, #tpu.memory_space<semaphore_mem>>) src(%arg14 : memref<16x16xf32, #tpu.memory_space<vmem>>) dst(%dma_wait3A_71 : memref<10000x16xf32, #tpu.memory_space<vmem_shared>>)
      tpu.yield
    }) : () -> ()
    %dma_wait3A_54 = arith.constant 0 : i32
    %dma_wait3A_55 = arith.constant 0 : i32
    %dma_wait3A_56 = tpu.memref_slice %arg16[%dma_wait3A_54, %dma_wait3A_55] : memref<10000x16xf32, #tpu.memory_space<vmem_shared>> -> memref<10000x16xf32, #tpu.memory_space<vmem_shared>>
    tpu.wait_indirect_dma semaphore(%arg21 : memref<!tpu.dma_semaphore, #tpu.memory_space<semaphore_mem>>) src(%arg9 : memref<128x16xf32, #tpu.memory_space<vmem>>) dst(%dma_wait3A_56 : memref<10000x16xf32, #tpu.memory_space<vmem_shared>>)
    %dma_wait3A_57 = arith.constant 0 : i32
    %dma_wait3A_58 = arith.constant 0 : i32
    %dma_wait3A_59 = tpu.memref_slice %arg16[%dma_wait3A_57, %dma_wait3A_58] : memref<10000x16xf32, #tpu.memory_space<vmem_shared>> -> memref<10000x16xf32, #tpu.memory_space<vmem_shared>>
    tpu.wait_indirect_dma semaphore(%arg22 : memref<!tpu.dma_semaphore, #tpu.memory_space<semaphore_mem>>) src(%arg10 : memref<128x16xf32, #tpu.memory_space<vmem>>) dst(%dma_wait3A_59 : memref<10000x16xf32, #tpu.memory_space<vmem_shared>>)
    %barrier3A_60 = arith.constant 0 : index
    tpu.barrier barrier_id(%barrier3A_60)
    %lt3A_61 = arith.constant 10 : i32
    %lt3A_62 = arith.cmpi slt, %arg1, %lt3A_61 : i32
    %convert_element_type3A_63 = arith.extui %lt3A_62 : i1 to i32
    %cond3A_64 = arith.constant 0 : i32
    %cond3A_65 = arith.cmpi ne, %convert_element_type3A_63, %cond3A_64 : i32
    scf.if %cond3A_65 {
      %mul3A_66 = arith.constant 1000 : i32
      %mul3A_67 = arith.muli %arg1, %mul3A_66 : i32
      %mul3A_68 = arith.constant 1000 : i32
      %mul3A_69 = arith.muli %arg1, %mul3A_68 : i32
      "tpu.region"() ({
        %run_scoped3A = tpu.sem_alloc : memref<!tpu.dma_semaphore, #tpu.memory_space<semaphore_mem>>
        %dma_start3A_70 = arith.constant 0 : i32
        %dma_start3A_71 = tpu.memref_slice %arg4[%arg0, %mul3A_69, %dma_start3A_70] : memref<2x10000x16xf32, #tpu.memory_space<hbm>> -> memref<1x1000x16xf32, #tpu.memory_space<hbm>>
        %dma_start3A_72 = tpu.memref_squeeze %dma_start3A_71 : memref<1x1000x16xf32, #tpu.memory_space<hbm>> -> memref<1000x16xf32, #tpu.memory_space<hbm>>
        %dma_start3A_73 = arith.constant 0 : i32
        %dma_start3A_74 = tpu.memref_slice %arg16[%mul3A_67, %dma_start3A_73] : memref<10000x16xf32, #tpu.memory_space<vmem_shared>> -> memref<1000x16xf32, #tpu.memory_space<vmem_shared>>
        tpu.enqueue_dma source(%dma_start3A_74 : memref<1000x16xf32, #tpu.memory_space<vmem_shared>>) target(%dma_start3A_72 : memref<1000x16xf32, #tpu.memory_space<hbm>>) target_semaphore(%run_scoped3A : memref<!tpu.dma_semaphore, #tpu.memory_space<semaphore_mem>>)
        %dma_wait3A_75 = arith.constant 0 : i32
        %dma_wait3A_76 = tpu.memref_slice %arg4[%arg0, %mul3A_69, %dma_wait3A_75] : memref<2x10000x16xf32, #tpu.memory_space<hbm>> -> memref<1x1000x16xf32, #tpu.memory_space<hbm>>
        %dma_wait3A_77 = tpu.memref_squeeze %dma_wait3A_76 : memref<1x1000x16xf32, #tpu.memory_space<hbm>> -> memref<1000x16xf32, #tpu.memory_space<hbm>>
        %dma_wait3A_78 = arith.constant 0 : i32
        %dma_wait3A_79 = tpu.memref_slice %arg16[%mul3A_67, %dma_wait3A_78] : memref<10000x16xf32, #tpu.memory_space<vmem_shared>> -> memref<1000x16xf32, #tpu.memory_space<vmem_shared>>
        tpu.wait_dma2 semaphore(%run_scoped3A : memref<!tpu.dma_semaphore, #tpu.memory_space<semaphore_mem>>) src(%dma_wait3A_79 : memref<1000x16xf32, #tpu.memory_space<vmem_shared>>) dst(%dma_wait3A_77 : memref<1000x16xf32, #tpu.memory_space<hbm>>)
        tpu.yield
      }) : () -> ()
    } else {
    }
    return
  }
}

#map = affine_map<(d0, d1) -> (0, 0)>
#map1 = affine_map<(d0, d1) -> (0)>
#map2 = affine_map<(d0, d1) -> (0, 0, 0)>
module attributes {stable_mosaic.version = 14 : i64} {
  func.func @k(%arg0: i32, %arg1: i32, %arg2: memref<320000x16xf32, #tpu.memory_space<hbm>>, %arg3: memref<320000xi32, #tpu.memory_space<hbm>>, %arg4: memref<2x10000x16xf32, #tpu.memory_space<hbm>>, %arg5: memref<128xi32, #tpu.memory_space<vmem>>, %arg6: memref<128xi32, #tpu.memory_space<vmem>>, %arg7: memref<128xi32, #tpu.memory_space<vmem>>, %arg8: memref<128xi32, #tpu.memory_space<vmem>>, %arg9: memref<128x16xf32, #tpu.memory_space<vmem>>, %arg10: memref<128x16xf32, #tpu.memory_space<vmem>>, %arg11: memref<128x16xf32, #tpu.memory_space<vmem>>, %arg12: memref<128x16xf32, #tpu.memory_space<vmem>>, %arg13: memref<16xi32, #tpu.memory_space<vmem>>, %arg14: memref<16x16xf32, #tpu.memory_space<vmem>>, %arg15: memref<1000x16xf32, #tpu.memory_space<vmem>>, %arg16: memref<10000x16xf32, #tpu.memory_space<vmem_shared>>, %arg17: memref<!tpu.dma_semaphore, #tpu.memory_space<semaphore_mem>>, %arg18: memref<!tpu.dma_semaphore, #tpu.memory_space<semaphore_mem>>, %arg19: memref<!tpu.dma_semaphore, #tpu.memory_space<semaphore_mem>>, %arg20: memref<!tpu.dma_semaphore, #tpu.memory_space<semaphore_mem>>, %arg21: memref<!tpu.dma_semaphore, #tpu.memory_space<semaphore_mem>>, %arg22: memref<!tpu.dma_semaphore, #tpu.memory_space<semaphore_mem>>, %arg23: memref<!tpu.dma_semaphore, #tpu.memory_space<semaphore_mem>>, %arg24: memref<!tpu.dma_semaphore, #tpu.memory_space<semaphore_mem>>) attributes {dimension_semantics = [#tpu.dimension_semantics<core_parallel>, #tpu.dimension_semantics<subcore_parallel>], iteration_bounds = array<i64: 2, 16>, scalar_prefetch = 0 : i64, scratch_operands = 20 : i64, tpu.core_type = #tpu.core_type<sc_vector_subcore>, window_params = [{transform_indices = #map}, {transform_indices = #map1}, {transform_indices = #map2}]} {
    %mul3A = arith.constant 2 : i32
    %mul3A_0 = arith.muli %arg1, %mul3A : i32
    %add3A = arith.addi %mul3A_0, %arg0 : i32
    %mul3A_1 = arith.constant 10000 : i32
    %mul3A_2 = arith.muli %add3A, %mul3A_1 : i32
    %lt3A = arith.constant 10 : i32
    %lt3A_3 = arith.cmpi slt, %arg1, %lt3A : i32
    %convert_element_type3A = arith.extui %lt3A_3 : i1 to i32
    %cond3A = arith.constant 0 : i32
    %cond3A_4 = arith.cmpi ne, %convert_element_type3A, %cond3A : i32
    scf.if %cond3A_4 {
      %scan3A_66 = arith.constant 0 : i32
      %scan3A_67 = arith.constant 0 : i32
      %scan3A_68 = arith.constant 1000 : i32
      %scan3A_69 = arith.addi %scan3A_67, %scan3A_68 : i32
      %scan3A_70 = arith.constant 1 : i32
      scf.for %scan3A_74 = %scan3A_67 to %scan3A_69 step %scan3A_70  : i32 {
        %broadcast_in_dim3A = arith.constant 0.000000e+00 : f32
        %broadcast_in_dim3A_75 = vector.broadcast %broadcast_in_dim3A : f32 to vector<16xf32>
        %swap3A = arith.index_cast %scan3A_74 : i32 to index
        %swap3A_76 = arith.constant 0 : index
        %swap3A_77 = tpu.vector_load %arg15[%swap3A, %swap3A_76] {strides = array<i32>} : memref<1000x16xf32, #tpu.memory_space<vmem>>, vector<1x16xf32>,
        %swap3A_78 = vector.shape_cast %swap3A_77 : vector<1x16xf32> to vector<16xf32>
        %swap3A_79 = vector.shape_cast %broadcast_in_dim3A_75 : vector<16xf32> to vector<1x16xf32>
        tpu.vector_store %arg15[%swap3A, %swap3A_76], %swap3A_79 {strides = array<i32>} : memref<1000x16xf32, #tpu.memory_space<vmem>>, vector<1x16xf32>,
      }
      %scan3A_71 = arith.constant 1000 : i32
      %mul3A_72 = arith.constant 1000 : i32
      %mul3A_73 = arith.muli %arg1, %mul3A_72 : i32
      "tpu.region"() ({
        %run_scoped3A = tpu.sem_alloc : memref<!tpu.dma_semaphore, #tpu.memory_space<semaphore_mem>>
        %dma_start3A_74 = arith.constant 0 : i32
        %dma_start3A_75 = tpu.memref_slice %arg16[%mul3A_73, %dma_start3A_74] : memref<10000x16xf32, #tpu.memory_space<vmem_shared>> -> memref<1000x16xf32, #tpu.memory_space<vmem_shared>>
        %dma_start3A_76 = arith.constant 0 : i32
        %dma_start3A_77 = tpu.memref_slice %arg16[%mul3A_73, %dma_start3A_76] : memref<10000x16xf32, #tpu.memory_space<vmem_shared>> -> memref<1000x16xf32, #tpu.memory_space<vmem_shared>>
        tpu.enqueue_dma source(%arg15 : memref<1000x16xf32, #tpu.memory_space<vmem>>) target(%dma_start3A_77 : memref<1000x16xf32, #tpu.memory_space<vmem_shared>>) target_semaphore(%run_scoped3A : memref<!tpu.dma_semaphore, #tpu.memory_space<semaphore_mem>>)
        %dma_wait3A_78 = arith.constant 0 : i32
        %dma_wait3A_79 = tpu.memref_slice %arg16[%mul3A_73, %dma_wait3A_78] : memref<10000x16xf32, #tpu.memory_space<vmem_shared>> -> memref<1000x16xf32, #tpu.memory_space<vmem_shared>>
        %dma_wait3A_80 = arith.constant 0 : i32
        %dma_wait3A_81 = tpu.memref_slice %arg16[%mul3A_73, %dma_wait3A_80] : memref<10000x16xf32, #tpu.memory_space<vmem_shared>> -> memref<1000x16xf32, #tpu.memory_space<vmem_shared>>
        tpu.wait_dma2 semaphore(%run_scoped3A : memref<!tpu.dma_semaphore, #tpu.memory_space<semaphore_mem>>) src(%arg15 : memref<1000x16xf32, #tpu.memory_space<vmem>>) dst(%dma_wait3A_81 : memref<1000x16xf32, #tpu.memory_space<vmem_shared>>)
        tpu.yield
      }) : () -> ()
    } else {
    }
    %barrier3A = arith.constant 0 : index
    tpu.barrier barrier_id(%barrier3A)
    %add3A_5 = arith.constant 0 : i32
    %add3A_6 = arith.addi %mul3A_2, %add3A_5 : i32
    %dma_start3A = tpu.memref_slice %arg3[%add3A_6] : memref<320000xi32, #tpu.memory_space<hbm>> -> memref<128xi32, #tpu.memory_space<hbm>>
    %dma_start3A_7 = tpu.memref_slice %arg3[%add3A_6] : memref<320000xi32, #tpu.memory_space<hbm>> -> memref<128xi32, #tpu.memory_space<hbm>>
    tpu.enqueue_dma source(%dma_start3A_7 : memref<128xi32, #tpu.memory_space<hbm>>) target(%arg5 : memref<128xi32, #tpu.memory_space<vmem>>) target_semaphore(%arg17 : memref<!tpu.dma_semaphore, #tpu.memory_space<semaphore_mem>>)
    %dma_start3A_8 = arith.constant 0 : i32
    %dma_start3A_9 = tpu.memref_slice %arg2[%add3A_6, %dma_start3A_8] : memref<320000x16xf32, #tpu.memory_space<hbm>> -> memref<128x16xf32, #tpu.memory_space<hbm>>
    %dma_start3A_10 = arith.constant 0 : i32
    %dma_start3A_11 = tpu.memref_slice %arg2[%add3A_6, %dma_start3A_10] : memref<320000x16xf32, #tpu.memory_space<hbm>> -> memref<128x16xf32, #tpu.memory_space<hbm>>
    tpu.enqueue_dma source(%dma_start3A_11 : memref<128x16xf32, #tpu.memory_space<hbm>>) target(%arg9 : memref<128x16xf32, #tpu.memory_space<vmem>>) target_semaphore(%arg17 : memref<!tpu.dma_semaphore, #tpu.memory_space<semaphore_mem>>)
    %add3A_12 = arith.constant 128 : i32
    %add3A_13 = arith.addi %mul3A_2, %add3A_12 : i32
    %dma_start3A_14 = tpu.memref_slice %arg3[%add3A_13] : memref<320000xi32, #tpu.memory_space<hbm>> -> memref<128xi32, #tpu.memory_space<hbm>>
    %dma_start3A_15 = tpu.memref_slice %arg3[%add3A_13] : memref<320000xi32, #tpu.memory_space<hbm>> -> memref<128xi32, #tpu.memory_space<hbm>>
    tpu.enqueue_dma source(%dma_start3A_15 : memref<128xi32, #tpu.memory_space<hbm>>) target(%arg6 : memref<128xi32, #tpu.memory_space<vmem>>) target_semaphore(%arg18 : memref<!tpu.dma_semaphore, #tpu.memory_space<semaphore_mem>>)
    %dma_start3A_16 = arith.constant 0 : i32
    %dma_start3A_17 = tpu.memref_slice %arg2[%add3A_13, %dma_start3A_16] : memref<320000x16xf32, #tpu.memory_space<hbm>> -> memref<128x16xf32, #tpu.memory_space<hbm>>
    %dma_start3A_18 = arith.constant 0 : i32
    %dma_start3A_19 = tpu.memref_slice %arg2[%add3A_13, %dma_start3A_18] : memref<320000x16xf32, #tpu.memory_space<hbm>> -> memref<128x16xf32, #tpu.memory_space<hbm>>
    tpu.enqueue_dma source(%dma_start3A_19 : memref<128x16xf32, #tpu.memory_space<hbm>>) target(%arg10 : memref<128x16xf32, #tpu.memory_space<vmem>>) target_semaphore(%arg18 : memref<!tpu.dma_semaphore, #tpu.memory_space<semaphore_mem>>)
    %scan3A = arith.constant 0 : i32
    %scan3A_20 = arith.constant 0 : i32
    %scan3A_21 = arith.constant 19 : i32
    %scan3A_22 = arith.addi %scan3A_20, %scan3A_21 : i32
    %scan3A_23 = arith.constant 1 : i32
    scf.for %scan3A_66 = %scan3A_20 to %scan3A_22 step %scan3A_23  : i32 {
      %mul3A_67 = arith.constant 4 : i32
      %mul3A_68 = arith.muli %mul3A_67, %scan3A_66 : i32
      %add3A_69 = arith.constant 0 : i32
      %add3A_70 = arith.addi %mul3A_68, %add3A_69 : i32
      %gt3A = arith.constant 0 : i32
      %gt3A_71 = arith.cmpi sgt, %scan3A_66, %gt3A : i32
      %convert_element_type3A_72 = arith.extui %gt3A_71 : i1 to i32
      %cond3A_73 = arith.constant 0 : i32
      %cond3A_74 = arith.cmpi ne, %convert_element_type3A_72, %cond3A_73 : i32
      scf.if %cond3A_74 {
        %dma_wait3A_190 = arith.constant 0 : i32
        %dma_wait3A_191 = arith.constant 0 : i32
        %dma_wait3A_192 = tpu.memref_slice %arg16[%dma_wait3A_190, %dma_wait3A_191] : memref<10000x16xf32, #tpu.memory_space<vmem_shared>> -> memref<10000x16xf32, #tpu.memory_space<vmem_shared>>
        tpu.wait_indirect_dma semaphore(%arg23 : memref<!tpu.dma_semaphore, #tpu.memory_space<semaphore_mem>>) src(%arg11 : memref<128x16xf32, #tpu.memory_space<vmem>>) dst(%dma_wait3A_192 : memref<10000x16xf32, #tpu.memory_space<vmem_shared>>)
      } else {
      }
      %add3A_75 = arith.constant 2 : i32
      %add3A_76 = arith.addi %add3A_70, %add3A_75 : i32
      %mul3A_77 = arith.constant 128 : i32
      %mul3A_78 = arith.muli %add3A_76, %mul3A_77 : i32
      %add3A_79 = arith.addi %mul3A_2, %mul3A_78 : i32
      %dma_start3A_80 = tpu.memref_slice %arg3[%add3A_79] : memref<320000xi32, #tpu.memory_space<hbm>> -> memref<128xi32, #tpu.memory_space<hbm>>
      %dma_start3A_81 = tpu.memref_slice %arg3[%add3A_79] : memref<320000xi32, #tpu.memory_space<hbm>> -> memref<128xi32, #tpu.memory_space<hbm>>
      tpu.enqueue_dma source(%dma_start3A_81 : memref<128xi32, #tpu.memory_space<hbm>>) target(%arg7 : memref<128xi32, #tpu.memory_space<vmem>>) target_semaphore(%arg19 : memref<!tpu.dma_semaphore, #tpu.memory_space<semaphore_mem>>)
      %dma_start3A_82 = arith.constant 0 : i32
      %dma_start3A_83 = tpu.memref_slice %arg2[%add3A_79, %dma_start3A_82] : memref<320000x16xf32, #tpu.memory_space<hbm>> -> memref<128x16xf32, #tpu.memory_space<hbm>>
      %dma_start3A_84 = arith.constant 0 : i32
      %dma_start3A_85 = tpu.memref_slice %arg2[%add3A_79, %dma_start3A_84] : memref<320000x16xf32, #tpu.memory_space<hbm>> -> memref<128x16xf32, #tpu.memory_space<hbm>>
      tpu.enqueue_dma source(%dma_start3A_85 : memref<128x16xf32, #tpu.memory_space<hbm>>) target(%arg11 : memref<128x16xf32, #tpu.memory_space<vmem>>) target_semaphore(%arg19 : memref<!tpu.dma_semaphore, #tpu.memory_space<semaphore_mem>>)
      %mul3A_86 = arith.constant 128 : i32
      %mul3A_87 = arith.muli %add3A_70, %mul3A_86 : i32
      %add3A_88 = arith.addi %mul3A_2, %mul3A_87 : i32
      %dma_wait3A_89 = tpu.memref_slice %arg3[%add3A_88] : memref<320000xi32, #tpu.memory_space<hbm>> -> memref<128xi32, #tpu.memory_space<hbm>>
      %dma_wait3A_90 = tpu.memref_slice %arg3[%add3A_88] : memref<320000xi32, #tpu.memory_space<hbm>> -> memref<128xi32, #tpu.memory_space<hbm>>
      tpu.wait_dma2 semaphore(%arg17 : memref<!tpu.dma_semaphore, #tpu.memory_space<semaphore_mem>>) src(%dma_wait3A_90 : memref<128xi32, #tpu.memory_space<hbm>>) dst(%arg5 : memref<128xi32, #tpu.memory_space<vmem>>)
      %dma_wait3A_91 = arith.constant 0 : i32
      %dma_wait3A_92 = tpu.memref_slice %arg2[%add3A_88, %dma_wait3A_91] : memref<320000x16xf32, #tpu.memory_space<hbm>> -> memref<128x16xf32, #tpu.memory_space<hbm>>
      %dma_wait3A_93 = arith.constant 0 : i32
      %dma_wait3A_94 = tpu.memref_slice %arg2[%add3A_88, %dma_wait3A_93] : memref<320000x16xf32, #tpu.memory_space<hbm>> -> memref<128x16xf32, #tpu.memory_space<hbm>>
      tpu.wait_dma2 semaphore(%arg17 : memref<!tpu.dma_semaphore, #tpu.memory_space<semaphore_mem>>) src(%dma_wait3A_94 : memref<128x16xf32, #tpu.memory_space<hbm>>) dst(%arg9 : memref<128x16xf32, #tpu.memory_space<vmem>>)
      %dma_start3A_95 = arith.constant 0 : i32
      %dma_start3A_96 = arith.constant 0 : i32
      %dma_start3A_97 = tpu.memref_slice %arg16[%dma_start3A_95, %dma_start3A_96] : memref<10000x16xf32, #tpu.memory_space<vmem_shared>> -> memref<10000x16xf32, #tpu.memory_space<vmem_shared>>
      tpu.enqueue_indirect_dma source(%arg9 : memref<128x16xf32, #tpu.memory_space<vmem>>) target(%dma_start3A_97 : memref<10000x16xf32, #tpu.memory_space<vmem_shared>>) offsets(%arg5 : memref<128xi32, #tpu.memory_space<vmem>>) semaphore(%arg21 : memref<!tpu.dma_semaphore, #tpu.memory_space<semaphore_mem>>) {add = true}
      %mul3A_98 = arith.constant 4 : i32
      %mul3A_99 = arith.muli %mul3A_98, %scan3A_66 : i32
      %add3A_100 = arith.constant 1 : i32
      %add3A_101 = arith.addi %mul3A_99, %add3A_100 : i32
      %gt3A_102 = arith.constant 0 : i32
      %gt3A_103 = arith.cmpi sgt, %scan3A_66, %gt3A_102 : i32
      %convert_element_type3A_104 = arith.extui %gt3A_103 : i1 to i32
      %cond3A_105 = arith.constant 0 : i32
      %cond3A_106 = arith.cmpi ne, %convert_element_type3A_104, %cond3A_105 : i32
      scf.if %cond3A_106 {
        %dma_wait3A_190 = arith.constant 0 : i32
        %dma_wait3A_191 = arith.constant 0 : i32
        %dma_wait3A_192 = tpu.memref_slice %arg16[%dma_wait3A_190, %dma_wait3A_191] : memref<10000x16xf32, #tpu.memory_space<vmem_shared>> -> memref<10000x16xf32, #tpu.memory_space<vmem_shared>>
        tpu.wait_indirect_dma semaphore(%arg24 : memref<!tpu.dma_semaphore, #tpu.memory_space<semaphore_mem>>) src(%arg12 : memref<128x16xf32, #tpu.memory_space<vmem>>) dst(%dma_wait3A_192 : memref<10000x16xf32, #tpu.memory_space<vmem_shared>>)
      } else {
      }
      %add3A_107 = arith.constant 2 : i32
      %add3A_108 = arith.addi %add3A_101, %add3A_107 : i32
      %mul3A_109 = arith.constant 128 : i32
      %mul3A_110 = arith.muli %add3A_108, %mul3A_109 : i32
      %add3A_111 = arith.addi %mul3A_2, %mul3A_110 : i32
      %dma_start3A_112 = tpu.memref_slice %arg3[%add3A_111] : memref<320000xi32, #tpu.memory_space<hbm>> -> memref<128xi32, #tpu.memory_space<hbm>>
      %dma_start3A_113 = tpu.memref_slice %arg3[%add3A_111] : memref<320000xi32, #tpu.memory_space<hbm>> -> memref<128xi32, #tpu.memory_space<hbm>>
      tpu.enqueue_dma source(%dma_start3A_113 : memref<128xi32, #tpu.memory_space<hbm>>) target(%arg8 : memref<128xi32, #tpu.memory_space<vmem>>) target_semaphore(%arg20 : memref<!tpu.dma_semaphore, #tpu.memory_space<semaphore_mem>>)
      %dma_start3A_114 = arith.constant 0 : i32
      %dma_start3A_115 = tpu.memref_slice %arg2[%add3A_111, %dma_start3A_114] : memref<320000x16xf32, #tpu.memory_space<hbm>> -> memref<128x16xf32, #tpu.memory_space<hbm>>
      %dma_start3A_116 = arith.constant 0 : i32
      %dma_start3A_117 = tpu.memref_slice %arg2[%add3A_111, %dma_start3A_116] : memref<320000x16xf32, #tpu.memory_space<hbm>> -> memref<128x16xf32, #tpu.memory_space<hbm>>
      tpu.enqueue_dma source(%dma_start3A_117 : memref<128x16xf32, #tpu.memory_space<hbm>>) target(%arg12 : memref<128x16xf32, #tpu.memory_space<vmem>>) target_semaphore(%arg20 : memref<!tpu.dma_semaphore, #tpu.memory_space<semaphore_mem>>)
      %mul3A_118 = arith.constant 128 : i32
      %mul3A_119 = arith.muli %add3A_101, %mul3A_118 : i32
      %add3A_120 = arith.addi %mul3A_2, %mul3A_119 : i32
      %dma_wait3A_121 = tpu.memref_slice %arg3[%add3A_120] : memref<320000xi32, #tpu.memory_space<hbm>> -> memref<128xi32, #tpu.memory_space<hbm>>
      %dma_wait3A_122 = tpu.memref_slice %arg3[%add3A_120] : memref<320000xi32, #tpu.memory_space<hbm>> -> memref<128xi32, #tpu.memory_space<hbm>>
      tpu.wait_dma2 semaphore(%arg18 : memref<!tpu.dma_semaphore, #tpu.memory_space<semaphore_mem>>) src(%dma_wait3A_122 : memref<128xi32, #tpu.memory_space<hbm>>) dst(%arg6 : memref<128xi32, #tpu.memory_space<vmem>>)
      %dma_wait3A_123 = arith.constant 0 : i32
      %dma_wait3A_124 = tpu.memref_slice %arg2[%add3A_120, %dma_wait3A_123] : memref<320000x16xf32, #tpu.memory_space<hbm>> -> memref<128x16xf32, #tpu.memory_space<hbm>>
      %dma_wait3A_125 = arith.constant 0 : i32
      %dma_wait3A_126 = tpu.memref_slice %arg2[%add3A_120, %dma_wait3A_125] : memref<320000x16xf32, #tpu.memory_space<hbm>> -> memref<128x16xf32, #tpu.memory_space<hbm>>
      tpu.wait_dma2 semaphore(%arg18 : memref<!tpu.dma_semaphore, #tpu.memory_space<semaphore_mem>>) src(%dma_wait3A_126 : memref<128x16xf32, #tpu.memory_space<hbm>>) dst(%arg10 : memref<128x16xf32, #tpu.memory_space<vmem>>)
      %dma_start3A_127 = arith.constant 0 : i32
      %dma_start3A_128 = arith.constant 0 : i32
      %dma_start3A_129 = tpu.memref_slice %arg16[%dma_start3A_127, %dma_start3A_128] : memref<10000x16xf32, #tpu.memory_space<vmem_shared>> -> memref<10000x16xf32, #tpu.memory_space<vmem_shared>>
      tpu.enqueue_indirect_dma source(%arg10 : memref<128x16xf32, #tpu.memory_space<vmem>>) target(%dma_start3A_129 : memref<10000x16xf32, #tpu.memory_space<vmem_shared>>) offsets(%arg6 : memref<128xi32, #tpu.memory_space<vmem>>) semaphore(%arg22 : memref<!tpu.dma_semaphore, #tpu.memory_space<semaphore_mem>>) {add = true}
      %mul3A_130 = arith.constant 4 : i32
      %mul3A_131 = arith.muli %mul3A_130, %scan3A_66 : i32
      %add3A_132 = arith.constant 2 : i32
      %add3A_133 = arith.addi %mul3A_131, %add3A_132 : i32
      %dma_wait3A_134 = arith.constant 0 : i32
      %dma_wait3A_135 = arith.constant 0 : i32
      %dma_wait3A_136 = tpu.memref_slice %arg16[%dma_wait3A_134, %dma_wait3A_135] : memref<10000x16xf32, #tpu.memory_space<vmem_shared>> -> memref<10000x16xf32, #tpu.memory_space<vmem_shared>>
      tpu.wait_indirect_dma semaphore(%arg21 : memref<!tpu.dma_semaphore, #tpu.memory_space<semaphore_mem>>) src(%arg9 : memref<128x16xf32, #tpu.memory_space<vmem>>) dst(%dma_wait3A_136 : memref<10000x16xf32, #tpu.memory_space<vmem_shared>>)
      %add3A_137 = arith.constant 2 : i32
      %add3A_138 = arith.addi %add3A_133, %add3A_137 : i32
      %mul3A_139 = arith.constant 128 : i32
      %mul3A_140 = arith.muli %add3A_138, %mul3A_139 : i32
      %add3A_141 = arith.addi %mul3A_2, %mul3A_140 : i32
      %dma_start3A_142 = tpu.memref_slice %arg3[%add3A_141] : memref<320000xi32, #tpu.memory_space<hbm>> -> memref<128xi32, #tpu.memory_space<hbm>>
      %dma_start3A_143 = tpu.memref_slice %arg3[%add3A_141] : memref<320000xi32, #tpu.memory_space<hbm>> -> memref<128xi32, #tpu.memory_space<hbm>>
      tpu.enqueue_dma source(%dma_start3A_143 : memref<128xi32, #tpu.memory_space<hbm>>) target(%arg5 : memref<128xi32, #tpu.memory_space<vmem>>) target_semaphore(%arg17 : memref<!tpu.dma_semaphore, #tpu.memory_space<semaphore_mem>>)
      %dma_start3A_144 = arith.constant 0 : i32
      %dma_start3A_145 = tpu.memref_slice %arg2[%add3A_141, %dma_start3A_144] : memref<320000x16xf32, #tpu.memory_space<hbm>> -> memref<128x16xf32, #tpu.memory_space<hbm>>
      %dma_start3A_146 = arith.constant 0 : i32
      %dma_start3A_147 = tpu.memref_slice %arg2[%add3A_141, %dma_start3A_146] : memref<320000x16xf32, #tpu.memory_space<hbm>> -> memref<128x16xf32, #tpu.memory_space<hbm>>
      tpu.enqueue_dma source(%dma_start3A_147 : memref<128x16xf32, #tpu.memory_space<hbm>>) target(%arg9 : memref<128x16xf32, #tpu.memory_space<vmem>>) target_semaphore(%arg17 : memref<!tpu.dma_semaphore, #tpu.memory_space<semaphore_mem>>)
      %mul3A_148 = arith.constant 128 : i32
      %mul3A_149 = arith.muli %add3A_133, %mul3A_148 : i32
      %add3A_150 = arith.addi %mul3A_2, %mul3A_149 : i32
      %dma_wait3A_151 = tpu.memref_slice %arg3[%add3A_150] : memref<320000xi32, #tpu.memory_space<hbm>> -> memref<128xi32, #tpu.memory_space<hbm>>
      %dma_wait3A_152 = tpu.memref_slice %arg3[%add3A_150] : memref<320000xi32, #tpu.memory_space<hbm>> -> memref<128xi32, #tpu.memory_space<hbm>>
      tpu.wait_dma2 semaphore(%arg19 : memref<!tpu.dma_semaphore, #tpu.memory_space<semaphore_mem>>) src(%dma_wait3A_152 : memref<128xi32, #tpu.memory_space<hbm>>) dst(%arg7 : memref<128xi32, #tpu.memory_space<vmem>>)
      %dma_wait3A_153 = arith.constant 0 : i32
      %dma_wait3A_154 = tpu.memref_slice %arg2[%add3A_150, %dma_wait3A_153] : memref<320000x16xf32, #tpu.memory_space<hbm>> -> memref<128x16xf32, #tpu.memory_space<hbm>>
      %dma_wait3A_155 = arith.constant 0 : i32
      %dma_wait3A_156 = tpu.memref_slice %arg2[%add3A_150, %dma_wait3A_155] : memref<320000x16xf32, #tpu.memory_space<hbm>> -> memref<128x16xf32, #tpu.memory_space<hbm>>
      tpu.wait_dma2 semaphore(%arg19 : memref<!tpu.dma_semaphore, #tpu.memory_space<semaphore_mem>>) src(%dma_wait3A_156 : memref<128x16xf32, #tpu.memory_space<hbm>>) dst(%arg11 : memref<128x16xf32, #tpu.memory_space<vmem>>)
      %dma_start3A_157 = arith.constant 0 : i32
      %dma_start3A_158 = arith.constant 0 : i32
      %dma_start3A_159 = tpu.memref_slice %arg16[%dma_start3A_157, %dma_start3A_158] : memref<10000x16xf32, #tpu.memory_space<vmem_shared>> -> memref<10000x16xf32, #tpu.memory_space<vmem_shared>>
      tpu.enqueue_indirect_dma source(%arg11 : memref<128x16xf32, #tpu.memory_space<vmem>>) target(%dma_start3A_159 : memref<10000x16xf32, #tpu.memory_space<vmem_shared>>) offsets(%arg7 : memref<128xi32, #tpu.memory_space<vmem>>) semaphore(%arg23 : memref<!tpu.dma_semaphore, #tpu.memory_space<semaphore_mem>>) {add = true}
      %mul3A_160 = arith.constant 4 : i32
      %mul3A_161 = arith.muli %mul3A_160, %scan3A_66 : i32
      %add3A_162 = arith.constant 3 : i32
      %add3A_163 = arith.addi %mul3A_161, %add3A_162 : i32
      %dma_wait3A_164 = arith.constant 0 : i32
      %dma_wait3A_165 = arith.constant 0 : i32
      %dma_wait3A_166 = tpu.memref_slice %arg16[%dma_wait3A_164, %dma_wait3A_165] : memref<10000x16xf32, #tpu.memory_space<vmem_shared>> -> memref<10000x16xf32, #tpu.memory_space<vmem_shared>>
      tpu.wait_indirect_dma semaphore(%arg22 : memref<!tpu.dma_semaphore, #tpu.memory_space<semaphore_mem>>) src(%arg10 : memref<128x16xf32, #tpu.memory_space<vmem>>) dst(%dma_wait3A_166 : memref<10000x16xf32, #tpu.memory_space<vmem_shared>>)
      %add3A_167 = arith.constant 2 : i32
      %add3A_168 = arith.addi %add3A_163, %add3A_167 : i32
      %mul3A_169 = arith.constant 128 : i32
      %mul3A_170 = arith.muli %add3A_168, %mul3A_169 : i32
      %add3A_171 = arith.addi %mul3A_2, %mul3A_170 : i32
      %dma_start3A_172 = tpu.memref_slice %arg3[%add3A_171] : memref<320000xi32, #tpu.memory_space<hbm>> -> memref<128xi32, #tpu.memory_space<hbm>>
      %dma_start3A_173 = tpu.memref_slice %arg3[%add3A_171] : memref<320000xi32, #tpu.memory_space<hbm>> -> memref<128xi32, #tpu.memory_space<hbm>>
      tpu.enqueue_dma source(%dma_start3A_173 : memref<128xi32, #tpu.memory_space<hbm>>) target(%arg6 : memref<128xi32, #tpu.memory_space<vmem>>) target_semaphore(%arg18 : memref<!tpu.dma_semaphore, #tpu.memory_space<semaphore_mem>>)
      %dma_start3A_174 = arith.constant 0 : i32
      %dma_start3A_175 = tpu.memref_slice %arg2[%add3A_171, %dma_start3A_174] : memref<320000x16xf32, #tpu.memory_space<hbm>> -> memref<128x16xf32, #tpu.memory_space<hbm>>
      %dma_start3A_176 = arith.constant 0 : i32
      %dma_start3A_177 = tpu.memref_slice %arg2[%add3A_171, %dma_start3A_176] : memref<320000x16xf32, #tpu.memory_space<hbm>> -> memref<128x16xf32, #tpu.memory_space<hbm>>
      tpu.enqueue_dma source(%dma_start3A_177 : memref<128x16xf32, #tpu.memory_space<hbm>>) target(%arg10 : memref<128x16xf32, #tpu.memory_space<vmem>>) target_semaphore(%arg18 : memref<!tpu.dma_semaphore, #tpu.memory_space<semaphore_mem>>)
      %mul3A_178 = arith.constant 128 : i32
      %mul3A_179 = arith.muli %add3A_163, %mul3A_178 : i32
      %add3A_180 = arith.addi %mul3A_2, %mul3A_179 : i32
      %dma_wait3A_181 = tpu.memref_slice %arg3[%add3A_180] : memref<320000xi32, #tpu.memory_space<hbm>> -> memref<128xi32, #tpu.memory_space<hbm>>
      %dma_wait3A_182 = tpu.memref_slice %arg3[%add3A_180] : memref<320000xi32, #tpu.memory_space<hbm>> -> memref<128xi32, #tpu.memory_space<hbm>>
      tpu.wait_dma2 semaphore(%arg20 : memref<!tpu.dma_semaphore, #tpu.memory_space<semaphore_mem>>) src(%dma_wait3A_182 : memref<128xi32, #tpu.memory_space<hbm>>) dst(%arg8 : memref<128xi32, #tpu.memory_space<vmem>>)
      %dma_wait3A_183 = arith.constant 0 : i32
      %dma_wait3A_184 = tpu.memref_slice %arg2[%add3A_180, %dma_wait3A_183] : memref<320000x16xf32, #tpu.memory_space<hbm>> -> memref<128x16xf32, #tpu.memory_space<hbm>>
      %dma_wait3A_185 = arith.constant 0 : i32
      %dma_wait3A_186 = tpu.memref_slice %arg2[%add3A_180, %dma_wait3A_185] : memref<320000x16xf32, #tpu.memory_space<hbm>> -> memref<128x16xf32, #tpu.memory_space<hbm>>
      tpu.wait_dma2 semaphore(%arg20 : memref<!tpu.dma_semaphore, #tpu.memory_space<semaphore_mem>>) src(%dma_wait3A_186 : memref<128x16xf32, #tpu.memory_space<hbm>>) dst(%arg12 : memref<128x16xf32, #tpu.memory_space<vmem>>)
      %dma_start3A_187 = arith.constant 0 : i32
      %dma_start3A_188 = arith.constant 0 : i32
      %dma_start3A_189 = tpu.memref_slice %arg16[%dma_start3A_187, %dma_start3A_188] : memref<10000x16xf32, #tpu.memory_space<vmem_shared>> -> memref<10000x16xf32, #tpu.memory_space<vmem_shared>>
      tpu.enqueue_indirect_dma source(%arg12 : memref<128x16xf32, #tpu.memory_space<vmem>>) target(%dma_start3A_189 : memref<10000x16xf32, #tpu.memory_space<vmem_shared>>) offsets(%arg8 : memref<128xi32, #tpu.memory_space<vmem>>) semaphore(%arg24 : memref<!tpu.dma_semaphore, #tpu.memory_space<semaphore_mem>>) {add = true}
    }
    %scan3A_24 = arith.constant 19 : i32
    %dma_wait3A = arith.constant 0 : i32
    %dma_wait3A_25 = arith.constant 0 : i32
    %dma_wait3A_26 = tpu.memref_slice %arg16[%dma_wait3A, %dma_wait3A_25] : memref<10000x16xf32, #tpu.memory_space<vmem_shared>> -> memref<10000x16xf32, #tpu.memory_space<vmem_shared>>
    tpu.wait_indirect_dma semaphore(%arg23 : memref<!tpu.dma_semaphore, #tpu.memory_space<semaphore_mem>>) src(%arg11 : memref<128x16xf32, #tpu.memory_space<vmem>>) dst(%dma_wait3A_26 : memref<10000x16xf32, #tpu.memory_space<vmem_shared>>)
    %dma_wait3A_27 = arith.constant 0 : i32
    %dma_wait3A_28 = arith.constant 0 : i32
    %dma_wait3A_29 = tpu.memref_slice %arg16[%dma_wait3A_27, %dma_wait3A_28] : memref<10000x16xf32, #tpu.memory_space<vmem_shared>> -> memref<10000x16xf32, #tpu.memory_space<vmem_shared>>
    tpu.wait_indirect_dma semaphore(%arg24 : memref<!tpu.dma_semaphore, #tpu.memory_space<semaphore_mem>>) src(%arg12 : memref<128x16xf32, #tpu.memory_space<vmem>>) dst(%dma_wait3A_29 : memref<10000x16xf32, #tpu.memory_space<vmem_shared>>)
    %add3A_30 = arith.constant 9728 : i32
    %add3A_31 = arith.addi %mul3A_2, %add3A_30 : i32
    %dma_wait3A_32 = tpu.memref_slice %arg3[%add3A_31] : memref<320000xi32, #tpu.memory_space<hbm>> -> memref<128xi32, #tpu.memory_space<hbm>>
    %dma_wait3A_33 = tpu.memref_slice %arg3[%add3A_31] : memref<320000xi32, #tpu.memory_space<hbm>> -> memref<128xi32, #tpu.memory_space<hbm>>
    tpu.wait_dma2 semaphore(%arg17 : memref<!tpu.dma_semaphore, #tpu.memory_space<semaphore_mem>>) src(%dma_wait3A_33 : memref<128xi32, #tpu.memory_space<hbm>>) dst(%arg5 : memref<128xi32, #tpu.memory_space<vmem>>)
    %dma_wait3A_34 = arith.constant 0 : i32
    %dma_wait3A_35 = tpu.memref_slice %arg2[%add3A_31, %dma_wait3A_34] : memref<320000x16xf32, #tpu.memory_space<hbm>> -> memref<128x16xf32, #tpu.memory_space<hbm>>
    %dma_wait3A_36 = arith.constant 0 : i32
    %dma_wait3A_37 = tpu.memref_slice %arg2[%add3A_31, %dma_wait3A_36] : memref<320000x16xf32, #tpu.memory_space<hbm>> -> memref<128x16xf32, #tpu.memory_space<hbm>>
    tpu.wait_dma2 semaphore(%arg17 : memref<!tpu.dma_semaphore, #tpu.memory_space<semaphore_mem>>) src(%dma_wait3A_37 : memref<128x16xf32, #tpu.memory_space<hbm>>) dst(%arg9 : memref<128x16xf32, #tpu.memory_space<vmem>>)
    %dma_start3A_38 = arith.constant 0 : i32
    %dma_start3A_39 = arith.constant 0 : i32
    %dma_start3A_40 = tpu.memref_slice %arg16[%dma_start3A_38, %dma_start3A_39] : memref<10000x16xf32, #tpu.memory_space<vmem_shared>> -> memref<10000x16xf32, #tpu.memory_space<vmem_shared>>
    tpu.enqueue_indirect_dma source(%arg9 : memref<128x16xf32, #tpu.memory_space<vmem>>) target(%dma_start3A_40 : memref<10000x16xf32, #tpu.memory_space<vmem_shared>>) offsets(%arg5 : memref<128xi32, #tpu.memory_space<vmem>>) semaphore(%arg21 : memref<!tpu.dma_semaphore, #tpu.memory_space<semaphore_mem>>) {add = true}
    %add3A_41 = arith.constant 9856 : i32
    %add3A_42 = arith.addi %mul3A_2, %add3A_41 : i32
    %dma_wait3A_43 = tpu.memref_slice %arg3[%add3A_42] : memref<320000xi32, #tpu.memory_space<hbm>> -> memref<128xi32, #tpu.memory_space<hbm>>
    %dma_wait3A_44 = tpu.memref_slice %arg3[%add3A_42] : memref<320000xi32, #tpu.memory_space<hbm>> -> memref<128xi32, #tpu.memory_space<hbm>>
    tpu.wait_dma2 semaphore(%arg18 : memref<!tpu.dma_semaphore, #tpu.memory_space<semaphore_mem>>) src(%dma_wait3A_44 : memref<128xi32, #tpu.memory_space<hbm>>) dst(%arg6 : memref<128xi32, #tpu.memory_space<vmem>>)
    %dma_wait3A_45 = arith.constant 0 : i32
    %dma_wait3A_46 = tpu.memref_slice %arg2[%add3A_42, %dma_wait3A_45] : memref<320000x16xf32, #tpu.memory_space<hbm>> -> memref<128x16xf32, #tpu.memory_space<hbm>>
    %dma_wait3A_47 = arith.constant 0 : i32
    %dma_wait3A_48 = tpu.memref_slice %arg2[%add3A_42, %dma_wait3A_47] : memref<320000x16xf32, #tpu.memory_space<hbm>> -> memref<128x16xf32, #tpu.memory_space<hbm>>
    tpu.wait_dma2 semaphore(%arg18 : memref<!tpu.dma_semaphore, #tpu.memory_space<semaphore_mem>>) src(%dma_wait3A_48 : memref<128x16xf32, #tpu.memory_space<hbm>>) dst(%arg10 : memref<128x16xf32, #tpu.memory_space<vmem>>)
    %dma_start3A_49 = arith.constant 0 : i32
    %dma_start3A_50 = arith.constant 0 : i32
    %dma_start3A_51 = tpu.memref_slice %arg16[%dma_start3A_49, %dma_start3A_50] : memref<10000x16xf32, #tpu.memory_space<vmem_shared>> -> memref<10000x16xf32, #tpu.memory_space<vmem_shared>>
    tpu.enqueue_indirect_dma source(%arg10 : memref<128x16xf32, #tpu.memory_space<vmem>>) target(%dma_start3A_51 : memref<10000x16xf32, #tpu.memory_space<vmem_shared>>) offsets(%arg6 : memref<128xi32, #tpu.memory_space<vmem>>) semaphore(%arg22 : memref<!tpu.dma_semaphore, #tpu.memory_space<semaphore_mem>>) {add = true}
    %add3A_52 = arith.constant 9984 : i32
    %add3A_53 = arith.addi %mul3A_2, %add3A_52 : i32
    "tpu.region"() ({
      %run_scoped3A = tpu.sem_alloc : memref<!tpu.dma_semaphore, #tpu.memory_space<semaphore_mem>>
      %dma_start3A_66 = tpu.memref_slice %arg3[%add3A_53] : memref<320000xi32, #tpu.memory_space<hbm>> -> memref<16xi32, #tpu.memory_space<hbm>>
      %dma_start3A_67 = tpu.memref_slice %arg3[%add3A_53] : memref<320000xi32, #tpu.memory_space<hbm>> -> memref<16xi32, #tpu.memory_space<hbm>>
      tpu.enqueue_dma source(%dma_start3A_67 : memref<16xi32, #tpu.memory_space<hbm>>) target(%arg13 : memref<16xi32, #tpu.memory_space<vmem>>) target_semaphore(%run_scoped3A : memref<!tpu.dma_semaphore, #tpu.memory_space<semaphore_mem>>)
      %dma_wait3A_68 = tpu.memref_slice %arg3[%add3A_53] : memref<320000xi32, #tpu.memory_space<hbm>> -> memref<16xi32, #tpu.memory_space<hbm>>
      %dma_wait3A_69 = tpu.memref_slice %arg3[%add3A_53] : memref<320000xi32, #tpu.memory_space<hbm>> -> memref<16xi32, #tpu.memory_space<hbm>>
      tpu.wait_dma2 semaphore(%run_scoped3A : memref<!tpu.dma_semaphore, #tpu.memory_space<semaphore_mem>>) src(%dma_wait3A_69 : memref<16xi32, #tpu.memory_space<hbm>>) dst(%arg13 : memref<16xi32, #tpu.memory_space<vmem>>)
      tpu.yield
    }) : () -> ()
    "tpu.region"() ({
      %run_scoped3A = tpu.sem_alloc : memref<!tpu.dma_semaphore, #tpu.memory_space<semaphore_mem>>
      %dma_start3A_66 = arith.constant 0 : i32
      %dma_start3A_67 = tpu.memref_slice %arg2[%add3A_53, %dma_start3A_66] : memref<320000x16xf32, #tpu.memory_space<hbm>> -> memref<16x16xf32, #tpu.memory_space<hbm>>
      %dma_start3A_68 = arith.constant 0 : i32
      %dma_start3A_69 = tpu.memref_slice %arg2[%add3A_53, %dma_start3A_68] : memref<320000x16xf32, #tpu.memory_space<hbm>> -> memref<16x16xf32, #tpu.memory_space<hbm>>
      tpu.enqueue_dma source(%dma_start3A_69 : memref<16x16xf32, #tpu.memory_space<hbm>>) target(%arg14 : memref<16x16xf32, #tpu.memory_space<vmem>>) target_semaphore(%run_scoped3A : memref<!tpu.dma_semaphore, #tpu.memory_space<semaphore_mem>>)
      %dma_wait3A_70 = arith.constant 0 : i32
      %dma_wait3A_71 = tpu.memref_slice %arg2[%add3A_53, %dma_wait3A_70] : memref<320000x16xf32, #tpu.memory_space<hbm>> -> memref<16x16xf32, #tpu.memory_space<hbm>>
      %dma_wait3A_72 = arith.constant 0 : i32
      %dma_wait3A_73 = tpu.memref_slice %arg2[%add3A_53, %dma_wait3A_72] : memref<320000x16xf32, #tpu.memory_space<hbm>> -> memref<16x16xf32, #tpu.memory_space<hbm>>
      tpu.wait_dma2 semaphore(%run_scoped3A : memref<!tpu.dma_semaphore, #tpu.memory_space<semaphore_mem>>) src(%dma_wait3A_73 : memref<16x16xf32, #tpu.memory_space<hbm>>) dst(%arg14 : memref<16x16xf32, #tpu.memory_space<vmem>>)
      tpu.yield
    }) : () -> ()
    "tpu.region"() ({
      %run_scoped3A = tpu.sem_alloc : memref<!tpu.dma_semaphore, #tpu.memory_space<semaphore_mem>>
      %dma_start3A_66 = arith.constant 0 : i32
      %dma_start3A_67 = arith.constant 0 : i32
      %dma_start3A_68 = tpu.memref_slice %arg16[%dma_start3A_66, %dma_start3A_67] : memref<10000x16xf32, #tpu.memory_space<vmem_shared>> -> memref<10000x16xf32, #tpu.memory_space<vmem_shared>>
      tpu.enqueue_indirect_dma source(%arg14 : memref<16x16xf32, #tpu.memory_space<vmem>>) target(%dma_start3A_68 : memref<10000x16xf32, #tpu.memory_space<vmem_shared>>) offsets(%arg13 : memref<16xi32, #tpu.memory_space<vmem>>) semaphore(%run_scoped3A : memref<!tpu.dma_semaphore, #tpu.memory_space<semaphore_mem>>) {add = true}
      %dma_wait3A_69 = arith.constant 0 : i32
      %dma_wait3A_70 = arith.constant 0 : i32
      %dma_wait3A_71 = tpu.memref_slice %arg16[%dma_wait3A_69, %dma_wait3A_70] : memref<10000x16xf32, #tpu.memory_space<vmem_shared>> -> memref<10000x16xf32, #tpu.memory_space<vmem_shared>>
      tpu.wait_indirect_dma semaphore(%run_scoped3A : memref<!tpu.dma_semaphore, #tpu.memory_space<semaphore_mem>>) src(%arg14 : memref<16x16xf32, #tpu.memory_space<vmem>>) dst(%dma_wait3A_71 : memref<10000x16xf32, #tpu.memory_space<vmem_shared>>)
      tpu.yield
    }) : () -> ()
    %dma_wait3A_54 = arith.constant 0 : i32
    %dma_wait3A_55 = arith.constant 0 : i32
    %dma_wait3A_56 = tpu.memref_slice %arg16[%dma_wait3A_54, %dma_wait3A_55] : memref<10000x16xf32, #tpu.memory_space<vmem_shared>> -> memref<10000x16xf32, #tpu.memory_space<vmem_shared>>
    tpu.wait_indirect_dma semaphore(%arg21 : memref<!tpu.dma_semaphore, #tpu.memory_space<semaphore_mem>>) src(%arg9 : memref<128x16xf32, #tpu.memory_space<vmem>>) dst(%dma_wait3A_56 : memref<10000x16xf32, #tpu.memory_space<vmem_shared>>)
    %dma_wait3A_57 = arith.constant 0 : i32
    %dma_wait3A_58 = arith.constant 0 : i32
    %dma_wait3A_59 = tpu.memref_slice %arg16[%dma_wait3A_57, %dma_wait3A_58] : memref<10000x16xf32, #tpu.memory_space<vmem_shared>> -> memref<10000x16xf32, #tpu.memory_space<vmem_shared>>
    tpu.wait_indirect_dma semaphore(%arg22 : memref<!tpu.dma_semaphore, #tpu.memory_space<semaphore_mem>>) src(%arg10 : memref<128x16xf32, #tpu.memory_space<vmem>>) dst(%dma_wait3A_59 : memref<10000x16xf32, #tpu.memory_space<vmem_shared>>)
    %barrier3A_60 = arith.constant 0 : index
    tpu.barrier barrier_id(%barrier3A_60)
    %lt3A_61 = arith.constant 10 : i32
    %lt3A_62 = arith.cmpi slt, %arg1, %lt3A_61 : i32
    %convert_element_type3A_63 = arith.extui %lt3A_62 : i1 to i32
    %cond3A_64 = arith.constant 0 : i32
    %cond3A_65 = arith.cmpi ne, %convert_element_type3A_63, %cond3A_64 : i32
    scf.if %cond3A_65 {
      %mul3A_66 = arith.constant 1000 : i32
      %mul3A_67 = arith.muli %arg1, %mul3A_66 : i32
      %mul3A_68 = arith.constant 1000 : i32
      %mul3A_69 = arith.muli %arg1, %mul3A_68 : i32
      "tpu.region"() ({
        %run_scoped3A = tpu.sem_alloc : memref<!tpu.dma_semaphore, #tpu.memory_space<semaphore_mem>>
        %dma_start3A_70 = arith.constant 0 : i32
        %dma_start3A_71 = tpu.memref_slice %arg4[%arg0, %mul3A_69, %dma_start3A_70] : memref<2x10000x16xf32, #tpu.memory_space<hbm>> -> memref<1x1000x16xf32, #tpu.memory_space<hbm>>
        %dma_start3A_72 = tpu.memref_squeeze %dma_start3A_71 : memref<1x1000x16xf32, #tpu.memory_space<hbm>> -> memref<1000x16xf32, #tpu.memory_space<hbm>>
        %dma_start3A_73 = arith.constant 0 : i32
        %dma_start3A_74 = tpu.memref_slice %arg16[%mul3A_67, %dma_start3A_73] : memref<10000x16xf32, #tpu.memory_space<vmem_shared>> -> memref<1000x16xf32, #tpu.memory_space<vmem_shared>>
        tpu.enqueue_dma source(%dma_start3A_74 : memref<1000x16xf32, #tpu.memory_space<vmem_shared>>) target(%dma_start3A_72 : memref<1000x16xf32, #tpu.memory_space<hbm>>) target_semaphore(%run_scoped3A : memref<!tpu.dma_semaphore, #tpu.memory_space<semaphore_mem>>)
        %dma_wait3A_75 = arith.constant 0 : i32
        %dma_wait3A_76 = tpu.memref_slice %arg4[%arg0, %mul3A_69, %dma_wait3A_75] : memref<2x10000x16xf32, #tpu.memory_space<hbm>> -> memref<1x1000x16xf32, #tpu.memory_space<hbm>>
        %dma_wait3A_77 = tpu.memref_squeeze %dma_wait3A_76 : memref<1x1000x16xf32, #tpu.memory_space<hbm>> -> memref<1000x16xf32, #tpu.memory_space<hbm>>
        %dma_wait3A_78 = arith.constant 0 : i32
        %dma_wait3A_79 = tpu.memref_slice %arg16[%mul3A_67, %dma_wait3A_78] : memref<10000x16xf32, #tpu.memory_space<vmem_shared>> -> memref<1000x16xf32, #tpu.memory_space<vmem_shared>>
        tpu.wait_dma2 semaphore(%run_scoped3A : memref<!tpu.dma_semaphore, #tpu.memory_space<semaphore_mem>>) src(%dma_wait3A_79 : memref<1000x16xf32, #tpu.memory_space<vmem_shared>>) dst(%dma_wait3A_77 : memref<1000x16xf32, #tpu.memory_space<hbm>>)
        tpu.yield
      }) : () -> ()
    } else {
    }
    return
  }
}

module attributes {stable_mosaic.version = 14 : i64} {
  func.func @_prep_body(%arg0: i32, %arg1: memref<1000x128xf32, #tpu.memory_space<vmem>>, %arg2: memref<1000x1xf32, #tpu.memory_space<vmem>>, %arg3: memref<16x32xf32, #tpu.memory_space<vmem>>, %arg4: memref<128x128xf32, #tpu.memory_space<vmem>>, %arg5: memref<128x128xf32, #tpu.memory_space<vmem>>, %arg6: memref<32x128xf32, #tpu.memory_space<vmem>>, %arg7: memref<1x128xf32, #tpu.memory_space<vmem>>, %arg8: memref<1000x128xf32, #tpu.memory_space<vmem>>, %arg9: memref<1000x128xf32, #tpu.memory_space<vmem>>) attributes {dimension_semantics = [#tpu.dimension_semantics<arbitrary>], iteration_bounds = array<i64: 10>, scalar_prefetch = 0 : i64, scratch_operands = 0 : i64, tpu.core_type = #tpu.core_type<tc>, window_params = [{transform_indices = @transform_0, window_bounds = array<i64: 1000, 128>}, {transform_indices = @transform_1, window_bounds = array<i64: 1000, 1>}, {pipeline_mode = #tpu.pipeline_mode<synchronous>, transform_indices = @transform_2, window_bounds = array<i64: 16, 32>}, {pipeline_mode = #tpu.pipeline_mode<synchronous>, transform_indices = @transform_3, window_bounds = array<i64: 128, 128>}, {pipeline_mode = #tpu.pipeline_mode<synchronous>, transform_indices = @transform_4, window_bounds = array<i64: 128, 128>}, {pipeline_mode = #tpu.pipeline_mode<synchronous>, transform_indices = @transform_5, window_bounds = array<i64: 32, 128>}, {pipeline_mode = #tpu.pipeline_mode<synchronous>, transform_indices = @transform_6, window_bounds = array<i64: 1, 128>}, {transform_indices = @transform_7, window_bounds = array<i64: 1000, 128>}, {transform_indices = @transform_8, window_bounds = array<i64: 1000, 128>}]} {
    %get3A = arith.constant 0 : index
    %get3A_0 = arith.constant 0 : index
    %get3A_1 = vector.load %arg1[%get3A, %get3A_0] : memref<1000x128xf32, #tpu.memory_space<vmem>>, vector<1000x128xf32>
    %get3A_2 = arith.constant 0 : index
    %get3A_3 = arith.constant 0 : index
    %get3A_4 = vector.load %arg2[%get3A_2, %get3A_3] : memref<1000x1xf32, #tpu.memory_space<vmem>>, vector<1000x1xf32>
    %iota3A = tpu.iota {dimensions = array<i32: 1>} : vector<1x16xi32>
    %convert_element_type3A = arith.sitofp %iota3A : vector<1x16xi32> to vector<1x16xf32>
    %eq3A = vector.broadcast %get3A_4 : vector<1000x1xf32> to vector<1000x16xf32>
    %eq3A_5 = vector.broadcast %convert_element_type3A : vector<1x16xf32> to vector<1000x16xf32>
    %eq3A_6 = arith.cmpf oeq, %eq3A, %eq3A_5 : vector<1000x16xf32>
    %convert_element_type3A_7 = arith.extui %eq3A_6 : vector<1000x16xi1> to vector<1000x16xi32>
    %convert_element_type3A_8 = arith.sitofp %convert_element_type3A_7 : vector<1000x16xi32> to vector<1000x16xf32>
    %get3A_9 = arith.constant 0 : index
    %get3A_10 = arith.constant 0 : index
    %get3A_11 = vector.load %arg3[%get3A_9, %get3A_10] : memref<16x32xf32, #tpu.memory_space<vmem>>, vector<16x32xf32>
    %get3A_12 = arith.constant 0 : index
    %get3A_13 = arith.constant 0 : index
    %get3A_14 = vector.load %arg6[%get3A_12, %get3A_13] : memref<32x128xf32, #tpu.memory_space<vmem>>, vector<32x128xf32>
    %dot_general3A = arith.constant dense<0.000000e+00> : vector<16x128xf32>
    %dot_general3A_15 = tpu.matmul %get3A_11, %get3A_14, %dot_general3A {dimension_numbers = #tpu.dot_dimension_numbers<[1], [0], [0], [1], [0, 0, 1, 1], [], []>, transpose_lhs_hint = false} : vector<16x32xf32>, vector<32x128xf32>, vector<16x128xf32> -> vector<16x128xf32>
    %get3A_16 = arith.constant 0 : index
    %get3A_17 = arith.constant 0 : index
    %get3A_18 = vector.load %arg4[%get3A_16, %get3A_17] : memref<128x128xf32, #tpu.memory_space<vmem>>, vector<128x128xf32>
    %dot_general3A_19 = arith.constant dense<0.000000e+00> : vector<1000x128xf32>
    %dot_general3A_20 = tpu.matmul %get3A_1, %get3A_18, %dot_general3A_19 {dimension_numbers = #tpu.dot_dimension_numbers<[1], [0], [0], [1], [0, 0, 1, 1], [], []>, transpose_lhs_hint = false} : vector<1000x128xf32>, vector<128x128xf32>, vector<1000x128xf32> -> vector<1000x128xf32>
    %dot_general3A_21 = arith.constant dense<0.000000e+00> : vector<1000x128xf32>
    %dot_general3A_22 = tpu.matmul %convert_element_type3A_8, %dot_general3A_15, %dot_general3A_21 {dimension_numbers = #tpu.dot_dimension_numbers<[1], [0], [0], [1], [0, 0, 1, 1], [], []>, transpose_lhs_hint = false} : vector<1000x16xf32>, vector<16x128xf32>, vector<1000x128xf32> -> vector<1000x128xf32>
    %add3A = arith.addf %dot_general3A_20, %dot_general3A_22 : vector<1000x128xf32>
    %get3A_23 = arith.constant 0 : index
    %get3A_24 = arith.constant 0 : index
    %get3A_25 = vector.load %arg7[%get3A_23, %get3A_24] : memref<1x128xf32, #tpu.memory_space<vmem>>, vector<1x128xf32>
    %add3A_26 = vector.broadcast %get3A_25 : vector<1x128xf32> to vector<1000x128xf32>
    %add3A_27 = arith.addf %add3A, %add3A_26 : vector<1000x128xf32>
    %swap3A = arith.constant 0 : index
    %swap3A_28 = arith.constant 0 : index
    %swap3A_29 = vector.load %arg8[%swap3A, %swap3A_28] : memref<1000x128xf32, #tpu.memory_space<vmem>>, vector<1000x128xf32>
    tpu.vector_store %arg8[%swap3A, %swap3A_28], %add3A_27 {strides = array<i32>} : memref<1000x128xf32, #tpu.memory_space<vmem>>, vector<1000x128xf32>,
    %get3A_30 = arith.constant 0 : index
    %get3A_31 = arith.constant 0 : index
    %get3A_32 = vector.load %arg5[%get3A_30, %get3A_31] : memref<128x128xf32, #tpu.memory_space<vmem>>, vector<128x128xf32>
    %dot_general3A_33 = arith.constant dense<0.000000e+00> : vector<1000x128xf32>
    %dot_general3A_34 = tpu.matmul %get3A_1, %get3A_32, %dot_general3A_33 {dimension_numbers = #tpu.dot_dimension_numbers<[1], [0], [0], [1], [0, 0, 1, 1], [], []>, transpose_lhs_hint = false} : vector<1000x128xf32>, vector<128x128xf32>, vector<1000x128xf32> -> vector<1000x128xf32>
    %swap3A_35 = arith.constant 0 : index
    %swap3A_36 = arith.constant 0 : index
    %swap3A_37 = vector.load %arg9[%swap3A_35, %swap3A_36] : memref<1000x128xf32, #tpu.memory_space<vmem>>, vector<1000x128xf32>
    tpu.vector_store %arg9[%swap3A_35, %swap3A_36], %dot_general3A_34 {strides = array<i32>} : memref<1000x128xf32, #tpu.memory_space<vmem>>, vector<1000x128xf32>,
    return
  }
  func.func @transform_0(%arg0: i32) -> (i32, i32) {
    %c0_i32 = arith.constant 0 : i32
    %c0_i32_0 = arith.constant 0 : i32
    return %arg0, %c0_i32 : i32, i32
  }
  func.func @transform_1(%arg0: i32) -> (i32, i32) {
    %c0_i32 = arith.constant 0 : i32
    %c0_i32_0 = arith.constant 0 : i32
    return %arg0, %c0_i32 : i32, i32
  }
  func.func @transform_2(%arg0: i32) -> (i32, i32) {
    %c0_i32 = arith.constant 0 : i32
    %c0_i32_0 = arith.constant 0 : i32
    %c0_i32_1 = arith.constant 0 : i32
    return %c0_i32, %c0_i32_0 : i32, i32
  }
  func.func @transform_3(%arg0: i32) -> (i32, i32) {
    %c0_i32 = arith.constant 0 : i32
    %c0_i32_0 = arith.constant 0 : i32
    %c0_i32_1 = arith.constant 0 : i32
    return %c0_i32, %c0_i32_0 : i32, i32
  }
  func.func @transform_4(%arg0: i32) -> (i32, i32) {
    %c0_i32 = arith.constant 0 : i32
    %c0_i32_0 = arith.constant 0 : i32
    %c0_i32_1 = arith.constant 0 : i32
    return %c0_i32, %c0_i32_0 : i32, i32
  }
  func.func @transform_5(%arg0: i32) -> (i32, i32) {
    %c0_i32 = arith.constant 0 : i32
    %c0_i32_0 = arith.constant 0 : i32
    %c0_i32_1 = arith.constant 0 : i32
    return %c0_i32, %c0_i32_0 : i32, i32
  }
  func.func @transform_6(%arg0: i32) -> (i32, i32) {
    %c0_i32 = arith.constant 0 : i32
    %c0_i32_0 = arith.constant 0 : i32
    %c0_i32_1 = arith.constant 0 : i32
    return %c0_i32, %c0_i32_0 : i32, i32
  }
  func.func @transform_7(%arg0: i32) -> (i32, i32) {
    %c0_i32 = arith.constant 0 : i32
    %c0_i32_0 = arith.constant 0 : i32
    return %arg0, %c0_i32 : i32, i32
  }
  func.func @transform_8(%arg0: i32) -> (i32, i32) {
    %c0_i32 = arith.constant 0 : i32
    %c0_i32_0 = arith.constant 0 : i32
    return %arg0, %c0_i32 : i32, i32
  }
}

module attributes {stable_mosaic.version = 14 : i64} {
  func.func @_edge_body(%arg0: i32, %arg1: memref<6400x128xf32, #tpu.memory_space<vmem>>, %arg2: memref<6400x16xf32, #tpu.memory_space<vmem>>, %arg3: memref<16x128xf32, #tpu.memory_space<vmem>>, %arg4: memref<128x16xf32, #tpu.memory_space<vmem>>, %arg5: memref<1x16xf32, #tpu.memory_space<vmem>>, %arg6: memref<6400x16xf32, #tpu.memory_space<vmem>>) attributes {dimension_semantics = [#tpu.dimension_semantics<arbitrary>], iteration_bounds = array<i64: 50>, scalar_prefetch = 0 : i64, scratch_operands = 0 : i64, tpu.core_type = #tpu.core_type<tc>, window_params = [{transform_indices = @transform_0, window_bounds = array<i64: 6400, 128>}, {transform_indices = @transform_1, window_bounds = array<i64: 6400, 16>}, {pipeline_mode = #tpu.pipeline_mode<synchronous>, transform_indices = @transform_2, window_bounds = array<i64: 16, 128>}, {pipeline_mode = #tpu.pipeline_mode<synchronous>, transform_indices = @transform_3, window_bounds = array<i64: 128, 16>}, {pipeline_mode = #tpu.pipeline_mode<synchronous>, transform_indices = @transform_4, window_bounds = array<i64: 1, 16>}, {transform_indices = @transform_5, window_bounds = array<i64: 6400, 16>}]} {
    %get3A = arith.constant 0 : index
    %get3A_0 = arith.constant 0 : index
    %get3A_1 = vector.load %arg2[%get3A, %get3A_0] : memref<6400x16xf32, #tpu.memory_space<vmem>>, vector<6400x16xf32>
    %get3A_2 = arith.constant 0 : index
    %get3A_3 = arith.constant 0 : index
    %get3A_4 = vector.load %arg3[%get3A_2, %get3A_3] : memref<16x128xf32, #tpu.memory_space<vmem>>, vector<16x128xf32>
    %dot_general3A = arith.constant dense<0.000000e+00> : vector<6400x128xf32>
    %dot_general3A_5 = tpu.matmul %get3A_1, %get3A_4, %dot_general3A {dimension_numbers = #tpu.dot_dimension_numbers<[1], [0], [0], [1], [0, 0, 1, 1], [], []>, transpose_lhs_hint = false} : vector<6400x16xf32>, vector<16x128xf32>, vector<6400x128xf32> -> vector<6400x128xf32>
    %get3A_6 = arith.constant 0 : index
    %get3A_7 = arith.constant 0 : index
    %get3A_8 = vector.load %arg1[%get3A_6, %get3A_7] : memref<6400x128xf32, #tpu.memory_space<vmem>>, vector<6400x128xf32>
    %add3A = arith.addf %get3A_8, %dot_general3A_5 : vector<6400x128xf32>
    %max3A = arith.constant 0.000000e+00 : f32
    %max3A_9 = vector.broadcast %max3A : f32 to vector<6400x128xf32>
    %max3A_10 = arith.maximumf %add3A, %max3A_9 : vector<6400x128xf32>
    %get3A_11 = arith.constant 0 : index
    %get3A_12 = arith.constant 0 : index
    %get3A_13 = vector.load %arg4[%get3A_11, %get3A_12] : memref<128x16xf32, #tpu.memory_space<vmem>>, vector<128x16xf32>
    %dot_general3A_14 = arith.constant dense<0.000000e+00> : vector<6400x16xf32>
    %dot_general3A_15 = tpu.matmul %max3A_10, %get3A_13, %dot_general3A_14 {dimension_numbers = #tpu.dot_dimension_numbers<[1], [0], [0], [1], [0, 0, 1, 1], [], []>, transpose_lhs_hint = false} : vector<6400x128xf32>, vector<128x16xf32>, vector<6400x16xf32> -> vector<6400x16xf32>
    %get3A_16 = arith.constant 0 : index
    %get3A_17 = arith.constant 0 : index
    %get3A_18 = vector.load %arg5[%get3A_16, %get3A_17] : memref<1x16xf32, #tpu.memory_space<vmem>>, vector<1x16xf32>
    %add3A_19 = vector.broadcast %get3A_18 : vector<1x16xf32> to vector<6400x16xf32>
    %add3A_20 = arith.addf %dot_general3A_15, %add3A_19 : vector<6400x16xf32>
    %swap3A = arith.constant 0 : index
    %swap3A_21 = arith.constant 0 : index
    %swap3A_22 = vector.load %arg6[%swap3A, %swap3A_21] : memref<6400x16xf32, #tpu.memory_space<vmem>>, vector<6400x16xf32>
    tpu.vector_store %arg6[%swap3A, %swap3A_21], %add3A_20 {strides = array<i32>} : memref<6400x16xf32, #tpu.memory_space<vmem>>, vector<6400x16xf32>,
    return
  }
  func.func @transform_0(%arg0: i32) -> (i32, i32) {
    %c0_i32 = arith.constant 0 : i32
    %c0_i32_0 = arith.constant 0 : i32
    return %arg0, %c0_i32 : i32, i32
  }
  func.func @transform_1(%arg0: i32) -> (i32, i32) {
    %c0_i32 = arith.constant 0 : i32
    %c0_i32_0 = arith.constant 0 : i32
    return %arg0, %c0_i32 : i32, i32
  }
  func.func @transform_2(%arg0: i32) -> (i32, i32) {
    %c0_i32 = arith.constant 0 : i32
    %c0_i32_0 = arith.constant 0 : i32
    %c0_i32_1 = arith.constant 0 : i32
    return %c0_i32, %c0_i32_0 : i32, i32
  }
  func.func @transform_3(%arg0: i32) -> (i32, i32) {
    %c0_i32 = arith.constant 0 : i32
    %c0_i32_0 = arith.constant 0 : i32
    %c0_i32_1 = arith.constant 0 : i32
    return %c0_i32, %c0_i32_0 : i32, i32
  }
  func.func @transform_4(%arg0: i32) -> (i32, i32) {
    %c0_i32 = arith.constant 0 : i32
    %c0_i32_0 = arith.constant 0 : i32
    %c0_i32_1 = arith.constant 0 : i32
    return %c0_i32, %c0_i32_0 : i32, i32
  }
  func.func @transform_5(%arg0: i32) -> (i32, i32) {
    %c0_i32 = arith.constant 0 : i32
    %c0_i32_0 = arith.constant 0 : i32
    return %arg0, %c0_i32 : i32, i32
  }
}

module attributes {stable_mosaic.version = 14 : i64} {
  func.func @_stats_body(%arg0: i32, %arg1: memref<1000x1xf32, #tpu.memory_space<vmem>>, %arg2: memref<1000x2xf32, #tpu.memory_space<vmem>>, %arg3: memref<16x128xf32, #tpu.memory_space<vmem>>, %arg4: memref<16x2xf32, #tpu.memory_space<vmem>>) attributes {dimension_semantics = [#tpu.dimension_semantics<arbitrary>], iteration_bounds = array<i64: 10>, scalar_prefetch = 0 : i64, scratch_operands = 0 : i64, tpu.core_type = #tpu.core_type<tc>, window_params = [{transform_indices = @transform_0, window_bounds = array<i64: 1000, 1>}, {transform_indices = @transform_1, window_bounds = array<i64: 1000, 2>}, {pipeline_mode = #tpu.pipeline_mode<synchronous>, transform_indices = @transform_2, window_bounds = array<i64: 16, 128>}, {pipeline_mode = #tpu.pipeline_mode<synchronous>, transform_indices = @transform_3, window_bounds = array<i64: 16, 2>}]} {
    %get3A = arith.constant 0 : index
    %get3A_0 = arith.constant 0 : index
    %get3A_1 = vector.load %arg1[%get3A, %get3A_0] : memref<1000x1xf32, #tpu.memory_space<vmem>>, vector<1000x1xf32>
    %iota3A = tpu.iota {dimensions = array<i32: 1>} : vector<1x16xi32>
    %convert_element_type3A = arith.sitofp %iota3A : vector<1x16xi32> to vector<1x16xf32>
    %eq3A = vector.broadcast %get3A_1 : vector<1000x1xf32> to vector<1000x16xf32>
    %eq3A_2 = vector.broadcast %convert_element_type3A : vector<1x16xf32> to vector<1000x16xf32>
    %eq3A_3 = arith.cmpf oeq, %eq3A, %eq3A_2 : vector<1000x16xf32>
    %convert_element_type3A_4 = arith.extui %eq3A_3 : vector<1000x16xi1> to vector<1000x16xi32>
    %convert_element_type3A_5 = arith.sitofp %convert_element_type3A_4 : vector<1000x16xi32> to vector<1000x16xf32>
    %eq3A_6 = arith.constant 0 : i32
    %eq3A_7 = arith.cmpi eq, %arg0, %eq3A_6 : i32
    %convert_element_type3A_8 = arith.extui %eq3A_7 : i1 to i32
    %cond3A = arith.constant 0 : i32
    %cond3A_9 = arith.cmpi ne, %convert_element_type3A_8, %cond3A : i32
    scf.if %cond3A_9 {
      %broadcast_in_dim3A_29 = arith.constant 0.000000e+00 : f32
      %broadcast_in_dim3A_30 = vector.broadcast %broadcast_in_dim3A_29 : f32 to vector<16x128xf32>
      %swap3A_31 = arith.constant 0 : index
      %swap3A_32 = arith.constant 0 : index
      %swap3A_33 = vector.load %arg3[%swap3A_31, %swap3A_32] : memref<16x128xf32, #tpu.memory_space<vmem>>, vector<16x128xf32>
      tpu.vector_store %arg3[%swap3A_31, %swap3A_32], %broadcast_in_dim3A_30 {strides = array<i32>} : memref<16x128xf32, #tpu.memory_space<vmem>>, vector<16x128xf32>,
      %broadcast_in_dim3A_34 = arith.constant 0.000000e+00 : f32
      %broadcast_in_dim3A_35 = vector.broadcast %broadcast_in_dim3A_34 : f32 to vector<16x2xf32>
      %swap3A_36 = arith.constant 0 : index
      %swap3A_37 = arith.constant 0 : index
      %swap3A_38 = vector.load %arg4[%swap3A_36, %swap3A_37] : memref<16x2xf32, #tpu.memory_space<vmem>>, vector<16x2xf32>
      tpu.vector_store %arg4[%swap3A_36, %swap3A_37], %broadcast_in_dim3A_35 {strides = array<i32>} : memref<16x2xf32, #tpu.memory_space<vmem>>, vector<16x2xf32>,
    } else {
    }
    %broadcast_in_dim3A = arith.constant 1.000000e+00 : f32
    %broadcast_in_dim3A_10 = vector.broadcast %broadcast_in_dim3A : f32 to vector<1000x128xf32>
    %get3A_11 = arith.constant 0 : index
    %get3A_12 = arith.constant 0 : index
    %get3A_13 = vector.load %arg3[%get3A_11, %get3A_12] : memref<16x128xf32, #tpu.memory_space<vmem>>, vector<16x128xf32>
    %dot_general3A = arith.constant dense<0.000000e+00> : vector<16x128xf32>
    %dot_general3A_14 = tpu.matmul %convert_element_type3A_5, %broadcast_in_dim3A_10, %dot_general3A {dimension_numbers = #tpu.dot_dimension_numbers<[0], [0], [1], [1], [0, 1, 1, 1], [], []>, transpose_lhs_hint = false} : vector<1000x16xf32>, vector<1000x128xf32>, vector<16x128xf32> -> vector<16x128xf32>
    %add3A = arith.addf %get3A_13, %dot_general3A_14 : vector<16x128xf32>
    %swap3A = arith.constant 0 : index
    %swap3A_15 = arith.constant 0 : index
    %swap3A_16 = vector.load %arg3[%swap3A, %swap3A_15] : memref<16x128xf32, #tpu.memory_space<vmem>>, vector<16x128xf32>
    tpu.vector_store %arg3[%swap3A, %swap3A_15], %add3A {strides = array<i32>} : memref<16x128xf32, #tpu.memory_space<vmem>>, vector<16x128xf32>,
    %get3A_17 = arith.constant 0 : index
    %get3A_18 = arith.constant 0 : index
    %get3A_19 = vector.load %arg4[%get3A_17, %get3A_18] : memref<16x2xf32, #tpu.memory_space<vmem>>, vector<16x2xf32>
    %get3A_20 = arith.constant 0 : index
    %get3A_21 = arith.constant 0 : index
    %get3A_22 = vector.load %arg2[%get3A_20, %get3A_21] : memref<1000x2xf32, #tpu.memory_space<vmem>>, vector<1000x2xf32>
    %dot_general3A_23 = arith.constant dense<0.000000e+00> : vector<16x2xf32>
    %dot_general3A_24 = tpu.matmul %convert_element_type3A_5, %get3A_22, %dot_general3A_23 {dimension_numbers = #tpu.dot_dimension_numbers<[0], [0], [1], [1], [0, 1, 1, 1], [], []>, transpose_lhs_hint = false} : vector<1000x16xf32>, vector<1000x2xf32>, vector<16x2xf32> -> vector<16x2xf32>
    %add3A_25 = arith.addf %get3A_19, %dot_general3A_24 : vector<16x2xf32>
    %swap3A_26 = arith.constant 0 : index
    %swap3A_27 = arith.constant 0 : index
    %swap3A_28 = vector.load %arg4[%swap3A_26, %swap3A_27] : memref<16x2xf32, #tpu.memory_space<vmem>>, vector<16x2xf32>
    tpu.vector_store %arg4[%swap3A_26, %swap3A_27], %add3A_25 {strides = array<i32>} : memref<16x2xf32, #tpu.memory_space<vmem>>, vector<16x2xf32>,
    return
  }
  func.func @transform_0(%arg0: i32) -> (i32, i32) {
    %c0_i32 = arith.constant 0 : i32
    %c0_i32_0 = arith.constant 0 : i32
    return %arg0, %c0_i32 : i32, i32
  }
  func.func @transform_1(%arg0: i32) -> (i32, i32) {
    %c0_i32 = arith.constant 0 : i32
    %c0_i32_0 = arith.constant 0 : i32
    return %arg0, %c0_i32 : i32, i32
  }
  func.func @transform_2(%arg0: i32) -> (i32, i32) {
    %c0_i32 = arith.constant 0 : i32
    %c0_i32_0 = arith.constant 0 : i32
    %c0_i32_1 = arith.constant 0 : i32
    return %c0_i32, %c0_i32_0 : i32, i32
  }
  func.func @transform_3(%arg0: i32) -> (i32, i32) {
    %c0_i32 = arith.constant 0 : i32
    %c0_i32_0 = arith.constant 0 : i32
    %c0_i32_1 = arith.constant 0 : i32
    return %c0_i32, %c0_i32_0 : i32, i32
  }
}

module attributes {stable_mosaic.version = 14 : i64} {
  func.func @_node_body(%arg0: i32, %arg1: memref<1000x128xf32, #tpu.memory_space<vmem>>, %arg2: memref<1000x16xf32, #tpu.memory_space<vmem>>, %arg3: memref<1000x16xf32, #tpu.memory_space<vmem>>, %arg4: memref<1000x1xf32, #tpu.memory_space<vmem>>, %arg5: memref<16x32xf32, #tpu.memory_space<vmem>>, %arg6: memref<128x128xf32, #tpu.memory_space<vmem>>, %arg7: memref<16x128xf32, #tpu.memory_space<vmem>>, %arg8: memref<32x128xf32, #tpu.memory_space<vmem>>, %arg9: memref<1x128xf32, #tpu.memory_space<vmem>>, %arg10: memref<128x128xf32, #tpu.memory_space<vmem>>, %arg11: memref<1x128xf32, #tpu.memory_space<vmem>>, %arg12: memref<1000x128xf32, #tpu.memory_space<vmem>>, %arg13: memref<16x128xf32, #tpu.memory_space<vmem>>) attributes {dimension_semantics = [#tpu.dimension_semantics<arbitrary>], iteration_bounds = array<i64: 10>, scalar_prefetch = 0 : i64, scratch_operands = 0 : i64, tpu.core_type = #tpu.core_type<tc>, window_params = [{transform_indices = @transform_0, window_bounds = array<i64: 1000, 128>}, {transform_indices = @transform_1, window_bounds = array<i64: 1000, 16>}, {transform_indices = @transform_2, window_bounds = array<i64: 1000, 16>}, {transform_indices = @transform_3, window_bounds = array<i64: 1000, 1>}, {pipeline_mode = #tpu.pipeline_mode<synchronous>, transform_indices = @transform_4, window_bounds = array<i64: 16, 32>}, {pipeline_mode = #tpu.pipeline_mode<synchronous>, transform_indices = @transform_5, window_bounds = array<i64: 128, 128>}, {pipeline_mode = #tpu.pipeline_mode<synchronous>, transform_indices = @transform_6, window_bounds = array<i64: 16, 128>}, {pipeline_mode = #tpu.pipeline_mode<synchronous>, transform_indices = @transform_7, window_bounds = array<i64: 32, 128>}, {pipeline_mode = #tpu.pipeline_mode<synchronous>, transform_indices = @transform_8, window_bounds = array<i64: 1, 128>}, {pipeline_mode = #tpu.pipeline_mode<synchronous>, transform_indices = @transform_9, window_bounds = array<i64: 128, 128>}, {pipeline_mode = #tpu.pipeline_mode<synchronous>, transform_indices = @transform_10, window_bounds = array<i64: 1, 128>}, {transform_indices = @transform_11, window_bounds = array<i64: 1000, 128>}, {pipeline_mode = #tpu.pipeline_mode<synchronous>, transform_indices = @transform_12, window_bounds = array<i64: 16, 128>}]} {
    %get3A = arith.constant 0 : index
    %get3A_0 = arith.constant 0 : index
    %get3A_1 = vector.load %arg1[%get3A, %get3A_0] : memref<1000x128xf32, #tpu.memory_space<vmem>>, vector<1000x128xf32>
    %get3A_2 = arith.constant 0 : index
    %get3A_3 = arith.constant 0 : index
    %get3A_4 = vector.load %arg4[%get3A_2, %get3A_3] : memref<1000x1xf32, #tpu.memory_space<vmem>>, vector<1000x1xf32>
    %iota3A = tpu.iota {dimensions = array<i32: 1>} : vector<1x16xi32>
    %convert_element_type3A = arith.sitofp %iota3A : vector<1x16xi32> to vector<1x16xf32>
    %eq3A = vector.broadcast %get3A_4 : vector<1000x1xf32> to vector<1000x16xf32>
    %eq3A_5 = vector.broadcast %convert_element_type3A : vector<1x16xf32> to vector<1000x16xf32>
    %eq3A_6 = arith.cmpf oeq, %eq3A, %eq3A_5 : vector<1000x16xf32>
    %convert_element_type3A_7 = arith.extui %eq3A_6 : vector<1000x16xi1> to vector<1000x16xi32>
    %convert_element_type3A_8 = arith.sitofp %convert_element_type3A_7 : vector<1000x16xi32> to vector<1000x16xf32>
    %get3A_9 = arith.constant 0 : index
    %get3A_10 = arith.constant 0 : index
    %get3A_11 = vector.load %arg5[%get3A_9, %get3A_10] : memref<16x32xf32, #tpu.memory_space<vmem>>, vector<16x32xf32>
    %get3A_12 = arith.constant 0 : index
    %get3A_13 = arith.constant 0 : index
    %get3A_14 = vector.load %arg8[%get3A_12, %get3A_13] : memref<32x128xf32, #tpu.memory_space<vmem>>, vector<32x128xf32>
    %dot_general3A = arith.constant dense<0.000000e+00> : vector<16x128xf32>
    %dot_general3A_15 = tpu.matmul %get3A_11, %get3A_14, %dot_general3A {dimension_numbers = #tpu.dot_dimension_numbers<[1], [0], [0], [1], [0, 0, 1, 1], [], []>, transpose_lhs_hint = false} : vector<16x32xf32>, vector<32x128xf32>, vector<16x128xf32> -> vector<16x128xf32>
    %get3A_16 = arith.constant 0 : index
    %get3A_17 = arith.constant 0 : index
    %get3A_18 = vector.load %arg2[%get3A_16, %get3A_17] : memref<1000x16xf32, #tpu.memory_space<vmem>>, vector<1000x16xf32>
    %get3A_19 = arith.constant 0 : index
    %get3A_20 = arith.constant 0 : index
    %get3A_21 = vector.load %arg3[%get3A_19, %get3A_20] : memref<1000x16xf32, #tpu.memory_space<vmem>>, vector<1000x16xf32>
    %add3A = arith.addf %get3A_18, %get3A_21 : vector<1000x16xf32>
    %get3A_22 = arith.constant 0 : index
    %get3A_23 = arith.constant 0 : index
    %get3A_24 = vector.load %arg6[%get3A_22, %get3A_23] : memref<128x128xf32, #tpu.memory_space<vmem>>, vector<128x128xf32>
    %dot_general3A_25 = arith.constant dense<0.000000e+00> : vector<1000x128xf32>
    %dot_general3A_26 = tpu.matmul %get3A_1, %get3A_24, %dot_general3A_25 {dimension_numbers = #tpu.dot_dimension_numbers<[1], [0], [0], [1], [0, 0, 1, 1], [], []>, transpose_lhs_hint = false} : vector<1000x128xf32>, vector<128x128xf32>, vector<1000x128xf32> -> vector<1000x128xf32>
    %get3A_27 = arith.constant 0 : index
    %get3A_28 = arith.constant 0 : index
    %get3A_29 = vector.load %arg7[%get3A_27, %get3A_28] : memref<16x128xf32, #tpu.memory_space<vmem>>, vector<16x128xf32>
    %dot_general3A_30 = arith.constant dense<0.000000e+00> : vector<1000x128xf32>
    %dot_general3A_31 = tpu.matmul %add3A, %get3A_29, %dot_general3A_30 {dimension_numbers = #tpu.dot_dimension_numbers<[1], [0], [0], [1], [0, 0, 1, 1], [], []>, transpose_lhs_hint = false} : vector<1000x16xf32>, vector<16x128xf32>, vector<1000x128xf32> -> vector<1000x128xf32>
    %add3A_32 = arith.addf %dot_general3A_26, %dot_general3A_31 : vector<1000x128xf32>
    %dot_general3A_33 = arith.constant dense<0.000000e+00> : vector<1000x128xf32>
    %dot_general3A_34 = tpu.matmul %convert_element_type3A_8, %dot_general3A_15, %dot_general3A_33 {dimension_numbers = #tpu.dot_dimension_numbers<[1], [0], [0], [1], [0, 0, 1, 1], [], []>, transpose_lhs_hint = false} : vector<1000x16xf32>, vector<16x128xf32>, vector<1000x128xf32> -> vector<1000x128xf32>
    %add3A_35 = arith.addf %add3A_32, %dot_general3A_34 : vector<1000x128xf32>
    %get3A_36 = arith.constant 0 : index
    %get3A_37 = arith.constant 0 : index
    %get3A_38 = vector.load %arg9[%get3A_36, %get3A_37] : memref<1x128xf32, #tpu.memory_space<vmem>>, vector<1x128xf32>
    %add3A_39 = vector.broadcast %get3A_38 : vector<1x128xf32> to vector<1000x128xf32>
    %add3A_40 = arith.addf %add3A_35, %add3A_39 : vector<1000x128xf32>
    %max3A = arith.constant 0.000000e+00 : f32
    %max3A_41 = vector.broadcast %max3A : f32 to vector<1000x128xf32>
    %max3A_42 = arith.maximumf %add3A_40, %max3A_41 : vector<1000x128xf32>
    %get3A_43 = arith.constant 0 : index
    %get3A_44 = arith.constant 0 : index
    %get3A_45 = vector.load %arg10[%get3A_43, %get3A_44] : memref<128x128xf32, #tpu.memory_space<vmem>>, vector<128x128xf32>
    %dot_general3A_46 = arith.constant dense<0.000000e+00> : vector<1000x128xf32>
    %dot_general3A_47 = tpu.matmul %max3A_42, %get3A_45, %dot_general3A_46 {dimension_numbers = #tpu.dot_dimension_numbers<[1], [0], [0], [1], [0, 0, 1, 1], [], []>, transpose_lhs_hint = false} : vector<1000x128xf32>, vector<128x128xf32>, vector<1000x128xf32> -> vector<1000x128xf32>
    %get3A_48 = arith.constant 0 : index
    %get3A_49 = arith.constant 0 : index
    %get3A_50 = vector.load %arg11[%get3A_48, %get3A_49] : memref<1x128xf32, #tpu.memory_space<vmem>>, vector<1x128xf32>
    %add3A_51 = vector.broadcast %get3A_50 : vector<1x128xf32> to vector<1000x128xf32>
    %add3A_52 = arith.addf %dot_general3A_47, %add3A_51 : vector<1000x128xf32>
    %swap3A = arith.constant 0 : index
    %swap3A_53 = arith.constant 0 : index
    %swap3A_54 = vector.load %arg12[%swap3A, %swap3A_53] : memref<1000x128xf32, #tpu.memory_space<vmem>>, vector<1000x128xf32>
    tpu.vector_store %arg12[%swap3A, %swap3A_53], %add3A_52 {strides = array<i32>} : memref<1000x128xf32, #tpu.memory_space<vmem>>, vector<1000x128xf32>,
    %eq3A_55 = arith.constant 0 : i32
    %eq3A_56 = arith.cmpi eq, %arg0, %eq3A_55 : i32
    %convert_element_type3A_57 = arith.extui %eq3A_56 : i1 to i32
    %cond3A = arith.constant 0 : i32
    %cond3A_58 = arith.cmpi ne, %convert_element_type3A_57, %cond3A : i32
    scf.if %cond3A_58 {
      %broadcast_in_dim3A = arith.constant 0.000000e+00 : f32
      %broadcast_in_dim3A_68 = vector.broadcast %broadcast_in_dim3A : f32 to vector<16x128xf32>
      %swap3A_69 = arith.constant 0 : index
      %swap3A_70 = arith.constant 0 : index
      %swap3A_71 = vector.load %arg13[%swap3A_69, %swap3A_70] : memref<16x128xf32, #tpu.memory_space<vmem>>, vector<16x128xf32>
      tpu.vector_store %arg13[%swap3A_69, %swap3A_70], %broadcast_in_dim3A_68 {strides = array<i32>} : memref<16x128xf32, #tpu.memory_space<vmem>>, vector<16x128xf32>,
    } else {
    }
    %get3A_59 = arith.constant 0 : index
    %get3A_60 = arith.constant 0 : index
    %get3A_61 = vector.load %arg13[%get3A_59, %get3A_60] : memref<16x128xf32, #tpu.memory_space<vmem>>, vector<16x128xf32>
    %dot_general3A_62 = arith.constant dense<0.000000e+00> : vector<16x128xf32>
    %dot_general3A_63 = tpu.matmul %convert_element_type3A_8, %add3A_52, %dot_general3A_62 {dimension_numbers = #tpu.dot_dimension_numbers<[0], [0], [1], [1], [0, 1, 1, 1], [], []>, transpose_lhs_hint = false} : vector<1000x16xf32>, vector<1000x128xf32>, vector<16x128xf32> -> vector<16x128xf32>
    %add3A_64 = arith.addf %get3A_61, %dot_general3A_63 : vector<16x128xf32>
    %swap3A_65 = arith.constant 0 : index
    %swap3A_66 = arith.constant 0 : index
    %swap3A_67 = vector.load %arg13[%swap3A_65, %swap3A_66] : memref<16x128xf32, #tpu.memory_space<vmem>>, vector<16x128xf32>
    tpu.vector_store %arg13[%swap3A_65, %swap3A_66], %add3A_64 {strides = array<i32>} : memref<16x128xf32, #tpu.memory_space<vmem>>, vector<16x128xf32>,
    return
  }
  func.func @transform_0(%arg0: i32) -> (i32, i32) {
    %c0_i32 = arith.constant 0 : i32
    %c0_i32_0 = arith.constant 0 : i32
    return %arg0, %c0_i32 : i32, i32
  }
  func.func @transform_1(%arg0: i32) -> (i32, i32) {
    %c0_i32 = arith.constant 0 : i32
    %c0_i32_0 = arith.constant 0 : i32
    return %arg0, %c0_i32 : i32, i32
  }
  func.func @transform_2(%arg0: i32) -> (i32, i32) {
    %c0_i32 = arith.constant 0 : i32
    %c0_i32_0 = arith.constant 0 : i32
    return %arg0, %c0_i32 : i32, i32
  }
  func.func @transform_3(%arg0: i32) -> (i32, i32) {
    %c0_i32 = arith.constant 0 : i32
    %c0_i32_0 = arith.constant 0 : i32
    return %arg0, %c0_i32 : i32, i32
  }
  func.func @transform_4(%arg0: i32) -> (i32, i32) {
    %c0_i32 = arith.constant 0 : i32
    %c0_i32_0 = arith.constant 0 : i32
    %c0_i32_1 = arith.constant 0 : i32
    return %c0_i32, %c0_i32_0 : i32, i32
  }
  func.func @transform_5(%arg0: i32) -> (i32, i32) {
    %c0_i32 = arith.constant 0 : i32
    %c0_i32_0 = arith.constant 0 : i32
    %c0_i32_1 = arith.constant 0 : i32
    return %c0_i32, %c0_i32_0 : i32, i32
  }
  func.func @transform_6(%arg0: i32) -> (i32, i32) {
    %c0_i32 = arith.constant 0 : i32
    %c0_i32_0 = arith.constant 0 : i32
    %c0_i32_1 = arith.constant 0 : i32
    return %c0_i32, %c0_i32_0 : i32, i32
  }
  func.func @transform_7(%arg0: i32) -> (i32, i32) {
    %c0_i32 = arith.constant 0 : i32
    %c0_i32_0 = arith.constant 0 : i32
    %c0_i32_1 = arith.constant 0 : i32
    return %c0_i32, %c0_i32_0 : i32, i32
  }
  func.func @transform_8(%arg0: i32) -> (i32, i32) {
    %c0_i32 = arith.constant 0 : i32
    %c0_i32_0 = arith.constant 0 : i32
    %c0_i32_1 = arith.constant 0 : i32
    return %c0_i32, %c0_i32_0 : i32, i32
  }
  func.func @transform_9(%arg0: i32) -> (i32, i32) {
    %c0_i32 = arith.constant 0 : i32
    %c0_i32_0 = arith.constant 0 : i32
    %c0_i32_1 = arith.constant 0 : i32
    return %c0_i32, %c0_i32_0 : i32, i32
  }
  func.func @transform_10(%arg0: i32) -> (i32, i32) {
    %c0_i32 = arith.constant 0 : i32
    %c0_i32_0 = arith.constant 0 : i32
    %c0_i32_1 = arith.constant 0 : i32
    return %c0_i32, %c0_i32_0 : i32, i32
  }
  func.func @transform_11(%arg0: i32) -> (i32, i32) {
    %c0_i32 = arith.constant 0 : i32
    %c0_i32_0 = arith.constant 0 : i32
    return %arg0, %c0_i32 : i32, i32
  }
  func.func @transform_12(%arg0: i32) -> (i32, i32) {
    %c0_i32 = arith.constant 0 : i32
    %c0_i32_0 = arith.constant 0 : i32
    %c0_i32_1 = arith.constant 0 : i32
    return %c0_i32, %c0_i32_0 : i32, i32
  }
}

module attributes {stable_mosaic.version = 14 : i64} {
  func.func @_glob_body(%arg0: memref<16x32xf32, #tpu.memory_space<vmem>>, %arg1: memref<16x128xf32, #tpu.memory_space<vmem>>, %arg2: memref<16x2xf32, #tpu.memory_space<vmem>>, %arg3: memref<16x128xf32, #tpu.memory_space<vmem>>, %arg4: memref<32x128xf32, #tpu.memory_space<vmem>>, %arg5: memref<128x128xf32, #tpu.memory_space<vmem>>, %arg6: memref<2x128xf32, #tpu.memory_space<vmem>>, %arg7: memref<1x128xf32, #tpu.memory_space<vmem>>, %arg8: memref<128x32xf32, #tpu.memory_space<vmem>>, %arg9: memref<1x32xf32, #tpu.memory_space<vmem>>, %arg10: memref<16x32xf32, #tpu.memory_space<vmem>>) attributes {dimension_semantics = [], scalar_prefetch = 0 : i64, scratch_operands = 0 : i64, tpu.core_type = #tpu.core_type<tc>} {
    %get3A = arith.constant 0 : index
    %get3A_0 = arith.constant 0 : index
    %get3A_1 = vector.load %arg3[%get3A, %get3A_0] : memref<16x128xf32, #tpu.memory_space<vmem>>, vector<16x128xf32>
    %max3A = arith.constant 1.000000e+00 : f32
    %max3A_2 = vector.broadcast %max3A : f32 to vector<16x128xf32>
    %max3A_3 = arith.maximumf %get3A_1, %max3A_2 : vector<16x128xf32>
    %get3A_4 = arith.constant 0 : index
    %get3A_5 = arith.constant 0 : index
    %get3A_6 = vector.load %arg1[%get3A_4, %get3A_5] : memref<16x128xf32, #tpu.memory_space<vmem>>, vector<16x128xf32>
    %div3A = arith.divf %get3A_6, %max3A_3 : vector<16x128xf32>
    %get3A_7 = arith.constant 0 : index
    %get3A_8 = arith.constant 0 : index
    %get3A_9 = vector.load %arg2[%get3A_7, %get3A_8] : memref<16x2xf32, #tpu.memory_space<vmem>>, vector<16x2xf32>
    %slice3A = vector.extract_strided_slice %max3A_3 {offsets = [0, 0], sizes = [16, 2], strides = [1, 1]} : vector<16x128xf32> to vector<16x2xf32>
    %div3A_10 = arith.divf %get3A_9, %slice3A : vector<16x2xf32>
    %get3A_11 = arith.constant 0 : index
    %get3A_12 = arith.constant 0 : index
    %get3A_13 = vector.load %arg0[%get3A_11, %get3A_12] : memref<16x32xf32, #tpu.memory_space<vmem>>, vector<16x32xf32>
    %get3A_14 = arith.constant 0 : index
    %get3A_15 = arith.constant 0 : index
    %get3A_16 = vector.load %arg4[%get3A_14, %get3A_15] : memref<32x128xf32, #tpu.memory_space<vmem>>, vector<32x128xf32>
    %dot_general3A = arith.constant dense<0.000000e+00> : vector<16x128xf32>
    %dot_general3A_17 = tpu.matmul %get3A_13, %get3A_16, %dot_general3A {dimension_numbers = #tpu.dot_dimension_numbers<[1], [0], [0], [1], [0, 0, 1, 1], [], []>, transpose_lhs_hint = false} : vector<16x32xf32>, vector<32x128xf32>, vector<16x128xf32> -> vector<16x128xf32>
    %get3A_18 = arith.constant 0 : index
    %get3A_19 = arith.constant 0 : index
    %get3A_20 = vector.load %arg5[%get3A_18, %get3A_19] : memref<128x128xf32, #tpu.memory_space<vmem>>, vector<128x128xf32>
    %dot_general3A_21 = arith.constant dense<0.000000e+00> : vector<16x128xf32>
    %dot_general3A_22 = tpu.matmul %div3A, %get3A_20, %dot_general3A_21 {dimension_numbers = #tpu.dot_dimension_numbers<[1], [0], [0], [1], [0, 0, 1, 1], [], []>, transpose_lhs_hint = false} : vector<16x128xf32>, vector<128x128xf32>, vector<16x128xf32> -> vector<16x128xf32>
    %add3A = arith.addf %dot_general3A_17, %dot_general3A_22 : vector<16x128xf32>
    %get3A_23 = arith.constant 0 : index
    %get3A_24 = arith.constant 0 : index
    %get3A_25 = vector.load %arg6[%get3A_23, %get3A_24] : memref<2x128xf32, #tpu.memory_space<vmem>>, vector<2x128xf32>
    %dot_general3A_26 = arith.constant dense<0.000000e+00> : vector<16x128xf32>
    %dot_general3A_27 = tpu.matmul %div3A_10, %get3A_25, %dot_general3A_26 {dimension_numbers = #tpu.dot_dimension_numbers<[1], [0], [0], [1], [0, 0, 1, 1], [], []>, transpose_lhs_hint = false} : vector<16x2xf32>, vector<2x128xf32>, vector<16x128xf32> -> vector<16x128xf32>
    %add3A_28 = arith.addf %add3A, %dot_general3A_27 : vector<16x128xf32>
    %get3A_29 = arith.constant 0 : index
    %get3A_30 = arith.constant 0 : index
    %get3A_31 = vector.load %arg7[%get3A_29, %get3A_30] : memref<1x128xf32, #tpu.memory_space<vmem>>, vector<1x128xf32>
    %add3A_32 = vector.broadcast %get3A_31 : vector<1x128xf32> to vector<16x128xf32>
    %add3A_33 = arith.addf %add3A_28, %add3A_32 : vector<16x128xf32>
    %max3A_34 = arith.constant 0.000000e+00 : f32
    %max3A_35 = vector.broadcast %max3A_34 : f32 to vector<16x128xf32>
    %max3A_36 = arith.maximumf %add3A_33, %max3A_35 : vector<16x128xf32>
    %get3A_37 = arith.constant 0 : index
    %get3A_38 = arith.constant 0 : index
    %get3A_39 = vector.load %arg8[%get3A_37, %get3A_38] : memref<128x32xf32, #tpu.memory_space<vmem>>, vector<128x32xf32>
    %dot_general3A_40 = arith.constant dense<0.000000e+00> : vector<16x32xf32>
    %dot_general3A_41 = tpu.matmul %max3A_36, %get3A_39, %dot_general3A_40 {dimension_numbers = #tpu.dot_dimension_numbers<[1], [0], [0], [1], [0, 0, 1, 1], [], []>, transpose_lhs_hint = false} : vector<16x128xf32>, vector<128x32xf32>, vector<16x32xf32> -> vector<16x32xf32>
    %get3A_42 = arith.constant 0 : index
    %get3A_43 = arith.constant 0 : index
    %get3A_44 = vector.load %arg9[%get3A_42, %get3A_43] : memref<1x32xf32, #tpu.memory_space<vmem>>, vector<1x32xf32>
    %add3A_45 = vector.broadcast %get3A_44 : vector<1x32xf32> to vector<16x32xf32>
    %add3A_46 = arith.addf %dot_general3A_41, %add3A_45 : vector<16x32xf32>
    %swap3A = arith.constant 0 : index
    %swap3A_47 = arith.constant 0 : index
    %swap3A_48 = vector.load %arg10[%swap3A, %swap3A_47] : memref<16x32xf32, #tpu.memory_space<vmem>>, vector<16x32xf32>
    tpu.vector_store %arg10[%swap3A, %swap3A_47], %add3A_46 {strides = array<i32>} : memref<16x32xf32, #tpu.memory_space<vmem>>, vector<16x32xf32>,
    return
  }
}

</mosaic_0001>

<sc_bundles>
// kernel: kernel.15.cloned.1.call-start
scs
__scs_entry_jumppad:
0x0: {  	(pc) =	sbr.rel $0x88, $3  }
0x1: {  	(tag) =	ssettag $0x0;
	lr =	simm.s32 $0x1  }
0x2: {  	[smem:$0x3F8F] =	sst lr;
	_ =	strace $0xD0000000  }
0x3: {  	_ = 	snop  }
0x4: {  	_ = 	snop  }
0x5: {  	_ = 	snop  }
0x6: {  	_ = 	snop  }
0x7: {  	_ = 	snop  }
__scs_overlays_trampoline_lowered:
0x8: {  	[smem:$0x3F9E] =	sst s0  }
0x9: {  	[smem:$0x3F9F] =	sst s1  }
0xa: {  	[smem:$0x3FA0] =	sst s2  }
0xb: {  	[smem:$0x3FA1] =	sst s3  }
0xc: {  	[smem:$0x3FA2] =	sst s4  }
0xd: {  	[smem:$0x3FA3] =	sst s5  }
0xe: {  	[smem:$0x3FA4] =	sst s6  }
0xf: {  	[smem:$0x3FA5] =	sst s7  }
0x10: {  	[smem:$0x3FA6] =	sst s8  }
0x11: {  	[smem:$0x3FA7] =	sst s9;
	s0 =	simm.s32 @!p0 $0x0  }
0x12: {  	s1 =	sld [smem:$0x3F8D];
	s0 =	simm.s32 @p0 $0x1  }
0x13: {  	[smem:$0x3FA8] =	sst s0;
	s0 =	simm.s32 @!p1 $0x0  }
0x14: {  	s2 =	sld [smem:$0x3F8C];
	s0 =	simm.s32 @p1 $0x1  }
0x15: {  	[smem:$0x3FA9] =	sst s0;
	s0 =	simm.s32 @!p2 $0x0  }
0x16: {  	s3 =	sld [smem:$0x3FDB];
	s0 =	simm.s32 @p2 $0x1  }
0x17: {  	s4 =	simm.s32 $0x1BF5;
	[smem:$0x3FAB] =	sst s0  }
0x18: {  	s0 =	sld [smem:$0x3F8E];
	_ =	swait.ge [sflag:s4], $0x0  }
0x19: {  	s7 =	sld [smem:$0x3F8F]  }
0x1a: {  	s8 =	sadd.s32 $0xFFFFE003, lr  }
0x1b: {  	s9 =	sadd.s32 $0xFFFFFEF7, lr;
	s5 =	simm.s32 $0xFFFFFFFF;
	p2 =	slt.u32 s8, $0xFFFFF086  }
0x1c: {  	p1 =	slt.u32 s9, $0xF7A;
	s5 =	simm.s32 @!p2 $0x0  }
0x1d: {  	s5 =	simm.s32 @p1 $0x1;
	p0 =	seq.s32 s7, s2  }
0x1e: {  	s7 =	smul.u32 @!p0 $0xF7A, s2;
	p2 =	seq.s32 @!p0 s5, $0x0  }
0x1f: {  	s9 =	smul.u32 $0xF7A, s1;
	s8 =	simm.s32 @!p0 $0x1BF5;
	p2 =	por !p2, p0  }
0x20: {  	[sflag:s8] =	ssyncset.s32 @!p0 $0xFFFFF086;
	s6 =	sadd.s32 @!p0 s3, s7;
	s7 =	simm.s32 @!p0 $0x108  }
0x21: {  	s3 =	sadd.s32 s3, s9;
	s6 =	sadd.s32 @!p0 $0x88, s6;
	s7 =	simm.s32 @p2 $0x1082  }
0x22: {  	[simem:s7], [sflag:s8] =	dma.local @!p0 [hbm:s6], $0xF7A  }
0x23: {  	s9 =	sor.u32 $0xD0000000, s2;
	s6 =	simm.s32 $0x108;
	_ =	swait.ge @!p0 [sflag:s8], $0x0  }
0x24: {  	s3 =	sadd.s32 $0x88, s3;
	s6 =	simm.s32 @!p1 $0x1082;
	[sflag:s4] =	ssyncset.s32 $0xFFFFF086  }
0x25: {  	[simem:s6], [sflag:s4] =	dma.local [hbm:s3], $0xF7A  }
0x26: {  	[smem:$0x3F8F] =	sst s1;
	(tag) =	ssettag s2;
	_ =	strace s9  }
0x27: {  	s1 =	sld [smem:$0x3F9F]  }
0x28: {  	s2 =	sld [smem:$0x3FA0]  }
0x29: {  	s4 =	sld [smem:$0x3FA2]  }
0x2a: {  	p0 =	seq.s32 s5, $0x0;
	s5 =	sld [smem:$0x3FA3]  }
0x2b: {  	s6 =	sld [smem:$0x3FA4]  }
0x2c: {  	s7 =	sld [smem:$0x3FA5]  }
0x2d: {  	s3 =	simm.s32 $0x108;
	s8 =	sld [smem:$0x3FA6]  }
0x2e: {  	s3 =	simm.s32 @!p0 $0x1082;
	s9 =	sld [smem:$0x3FA7]  }
0x2f: {  	lr =	sadd.s32 s0, s3;
	s0 =	sld [smem:$0x3F9E]  }
0x30: {  	s3 =	sld [smem:$0x3FA1]  }
0x31: {  	[smem:$0x3FAA] =	sst s10  }
0x32: {  	s10 =	sld [smem:$0x3FA8];
	_ =	sdelay $0x3  }
0x33: {  	p0 =	seq.s32 s10, $0x1;
	s10 =	sld [smem:$0x3FAA];
	_ =	sdelay $0x3  }
0x34: {  	[smem:$0x3FAA] =	sst s10  }
0x35: {  	s10 =	sld [smem:$0x3FA9];
	_ =	sdelay $0x3  }
0x36: {  	p1 =	seq.s32 s10, $0x1;
	s10 =	sld [smem:$0x3FAA];
	_ =	sdelay $0x3  }
0x37: {  	[smem:$0x3FAA] =	sst s10  }
0x38: {  	s10 =	sld [smem:$0x3FAB]  }
0x39: {  	_ = 	snop;
	(pc) =	sbr.ind lr, $3  }
0x3a: {  	_ = 	snop  }
0x3b: {  	_ = 	snop  }
0x3c: {  	p2 =	seq.s32 s10, $0x1;
	s10 =	sld [smem:$0x3FAA]  }
0x3d: {  	_ =	shalt  }
0x3e: {  	_ =	shalt  }
0x3f: {  	_ =	shalt  }
0x40: {  	_ =	shalt  }
0x41: {  	_ =	shalt  }
0x42: {  	_ =	shalt  }
0x43: {  	_ =	shalt  }
0x44: {  	_ =	shalt  }
0x45: {  	_ =	shalt  }
0x46: {  	_ =	shalt  }
0x47: {  	_ =	shalt  }
0x48: {  	_ =	shalt  }
0x49: {  	_ =	shalt  }
0x4a: {  	_ =	shalt  }
0x4b: {  	_ =	shalt  }
0x4c: {  	_ =	shalt  }
0x4d: {  	_ =	shalt  }
0x4e: {  	_ =	shalt  }
0x4f: {  	_ =	shalt  }
0x50: {  	_ =	shalt  }
0x51: {  	_ =	shalt  }
0x52: {  	_ =	shalt  }
0x53: {  	_ =	shalt  }
0x54: {  	_ =	shalt  }
0x55: {  	_ =	shalt  }
0x56: {  	_ =	shalt  }
0x57: {  	_ =	shalt  }
0x58: {  	_ =	shalt  }
0x59: {  	_ =	shalt  }
0x5a: {  	_ =	shalt  }
0x5b: {  	_ =	shalt  }
0x5c: {  	_ =	shalt  }
0x5d: {  	_ =	shalt  }
0x5e: {  	_ =	shalt  }
0x5f: {  	_ =	shalt  }
0x60: {  	_ =	shalt  }
0x61: {  	_ =	shalt  }
0x62: {  	_ =	shalt  }
0x63: {  	_ =	shalt  }
0x64: {  	_ =	shalt  }
0x65: {  	_ =	shalt  }
0x66: {  	_ =	shalt  }
0x67: {  	_ =	shalt  }
0x68: {  	_ =	shalt  }
0x69: {  	_ =	shalt  }
0x6a: {  	_ =	shalt  }
0x6b: {  	_ =	shalt  }
0x6c: {  	_ =	shalt  }
0x6d: {  	_ =	shalt  }
0x6e: {  	_ =	shalt  }
0x6f: {  	_ =	shalt  }
0x70: {  	_ =	shalt  }
0x71: {  	_ =	shalt  }
0x72: {  	_ =	shalt  }
0x73: {  	_ =	shalt  }
0x74: {  	_ =	shalt  }
0x75: {  	_ =	shalt  }
0x76: {  	_ =	shalt  }
0x77: {  	_ =	shalt  }
0x78: {  	_ =	shalt  }
0x79: {  	_ =	shalt  }
0x7a: {  	_ =	shalt  }
0x7b: {  	_ =	shalt  }
0x7c: {  	_ =	shalt  }
0x7d: {  	_ =	shalt  }
0x7e: {  	_ =	shalt  }
0x7f: {  	_ =	shalt  }
0x80: {  	_ =	shalt  }
0x81: {  	_ =	shalt  }
0x82: {  	_ =	shalt  }
0x83: {  	_ =	shalt  }
0x84: {  	_ =	shalt  }
0x85: {  	_ =	shalt  }
0x86: {  	_ =	shalt  }
0x87: {  	_ =	shalt  }
.Lfunc_end0:
.L_simem_size_0:
called_computation_lowered:
.L_overlay_start_0:
0x88: {  	s2 =	sld [smem:$0x3FD9]  }
0x89: {  	s3 =	sld [smem:$0x3FFE];
	_ =	sdelay $0x1  }
0x8a: {  	s1 =	srdreg.scid  }
0x8b: {  	s0 =	sand.u32 $0x1, s1  }
0x8c: {  	s14 =	sshll.u32 s0, $0xA;
	s2 =	sadd.s32 s3, s2  }
0x8d: {  	s2 =	sadd.s32 s2, s14  }
0x8e: {  	[smem:$0x3FB6] =	sst s2  }
0x8f: {  	_ = 	snop  }
0x90: {  	s2 =	sld [smem:$0x3FD0];
	_ =	sdelay $0x2  }
0x91: {  	s15 =	simm.s32 $0xA;
	s4 =	simm.s32 $0x10  }
0x92: {  	[smem:s4], [sflag:s15] =	dma.local [hbm:s2], $0x1  }
0x93: {  	_ =	swait.eq [sflag:s15], $0x1  }
0x94: {  	[sflag:s15] =	ssyncset.done $0x0  }
0x95: {  	[sflag:s15] =	ssyncadd.s32 $0xFFFFFFFF  }
0x96: {  	s16 =	sld [smem:$0x10];
	(tm) =	ssettm $0x1  }
0x97: {  	s17 =	sld [smem:$0x3FFB];
	_ =	sdelay $0x3  }
0x98: {  	_ =	strace s17  }
0x99: {  	s3 =	sld [smem:$0x3FFC];
	_ =	sdelay $0x3  }
0x9a: {  	_ =	strace s3  }
0x9b: {  	s3 =	sld [smem:$0x3FFD];
	_ =	sdelay $0x3  }
0x9c: {  	_ =	strace s3  }
0x9d: {  	_ =	strace $0x8FFFFFFF  }
0x9e: {  	s18 =	sld [smem:$0x3FDB];
	_ =	sdelay $0x1  }
0x9f: {  	s19 =	simm.s32 $_scs_section_size  }
0xa0: {  	s5 =	simm.s32 $_size__tile_overlayer_lowered;
	s6 =	simm.s32 $_tile_overlayer_lowered  }
0xa1: {  	s22 =	simm.s32 $0x1BFF;
	s21 =	sshll.u32 s6, $0x1;
	s3 =	sadd.s32 s19, s18  }
0xa2: {  	s7 =	simm.s32 $0x0;
	s20 =	sshll.u32 s5, $0x1;
	s5 =	sadd.s32 s21, s3  }
0xa3: {  	[timem:s7], [sflag:s22] =	dma.local [hbm:s5], s20  }
0xa4: {  	_ =	swait.ge [sflag:s22], s20  }
0xa5: {  	s4 =	ssub.s32 $0x0, s20;
	[sflag:s22] =	ssyncset.done $0x0  }
0xa6: {  	[sflag:s22] =	ssyncadd.s32 s4;
	_ =	sdelay $0x1  }
0xa7: {  	s23 =	simm.s32 $0x1B8B  }
0xa8: {  	_ =	swait.ge [sflag:s23], $0x1  }
0xa9: {  	[sflag:s23] =	ssyncset.done $0x0  }
0xaa: {  	s25 =	simm.s32 $0x1B8E;
	s24 =	sld [smem:$0x3FFE];
	[sflag:s23] =	ssyncadd.s32 $0xFFFFFFFF  }
0xab: {  	s26 =	simm.s32 $execute0_lowered;
	[smem:$0x3FD2] =	sst s25  }
0xac: {  	s5 =	sshll.u32 s26, $0x1;
	_ =	strace $0x80000046;
	[dreg:$0x1] =	wrdreg $0xFFFFFFFF  }
0xad: {  	s28 =	simm.s32 $_size_execute0_lowered;
	s3 =	sadd.s32 s3, s5;
	[dreg:$0x0] =	wrdreg $0x0  }
0xae: {  	s5 =	sshll.u32 s28, $0x1;
	[dreg:$0x2] =	wrdreg s3  }
0xaf: {  	[dreg:$0x3] =	wrdreg s5  }
0xb0: {  	[dreg:$0x4] =	wrdreg $0xC0  }
0xb1: {  	_ =	task [dreg:s7], $0x5FFFF  }
0xb2: {  	[dreg:$0x1] =	wrdreg $0xFFFFFFFF  }
0xb3: {  	[dreg:$0x0] =	wrdreg $0x60  }
0xb4: {  	[dreg:$0x2] =	wrdreg s16  }
0xb5: {  	[dreg:$0x3] =	wrdreg s24  }
0xb6: {  	[dreg:$0x4] =	wrdreg $0x9  }
0xb7: {  	_ =	task.clear_ibuf [dreg:s7], $0x5FFFF;
	_ =	strace $0x90000046  }
0xb8: {  	s29 =	simm.s32 $0x9;
	_ =	strace $0x80000048  }
0xb9: {  	_ =	swait.ge [sflag:s29], $0x1  }
0xba: {  	[sflag:s29] =	ssyncadd.s32 $0xFFFFFFFF  }
0xbb: {  	_ =	strace $0x90000048  }
0xbc: {  	_ =	sfence  }
0xbd: {  	s30 =	sld [smem:$0x0];
	_ =	sdelay $0x2  }
0xbe: {  	s31 =	sshll.u32 s1, $0xD;
	s1 =	sshrl.u32 s1, $0x2  }
0xbf: {  	s3 =	sand.u32 $0x4000, s31;
	s1 =	sadd.s32 s1, s30  }
0xc0: {  	s0 =	sor.u32 s3, s0;
	s1 =	sshll.u32 s1, $0x11  }
0xc1: {  	s0 =	sor.u32 s1, s0  }
0xc2: {  	s0 =	sadd.s32 $0x8F2B, s0  }
0xc3: {  	[sflag:s0] =	ssyncadd.remote.s32 $0x1  }
0xc4: {  	_ =	sfence.sel $0xFFFF  }
0xc5: {  	[dreg:$0x0] =	wrdreg $0xFFFFFFFF;
	(pc) =	sbr.abs _section_cstart, $3  }
0xc6: {  	[dreg:$0x1] =	wrdreg $0xFFFFFFFF  }
0xc7: {  	_ =	task.clear_ibuf [dreg:s7], $0x2FFFF;
	_ =	strace $0x9FFFFFFF  }
0xc8: {  	(tm) =	ssettm $0x7FFFFFFF  }
0xc9: {  	_ =	shalt  }
tec
execute0_lowered:
.L_overlay_start_1:
0x0: {  	(tag) =	ssettag $0x1  }
0x1: {  	s2 =	rddreg [dreg:$0x0];
	s1 =	srdreg.scid  }
0x2: {  	s0 =	stileid.u32;
	s6 =	rddreg [dreg:$0x1]  }
0x3: {  	s3 =	simm.s32 $0x0;
	s10 =	simm.s32 $0x4;
	s11 =	simm.s32 $0x2710  }
0x4: {  	s12 =	simm.s32 $0x80;
	s13 =	simm.s32 $0x4E20;
	s14 =	simm.s32 $0x8E20  }
0x5: {  	s15 =	simm.s32 $0x1;
	s5 =	sand.u32 $0x1, s1;
	s4 =	sshll.u32 s0, $0x1  }
0x6: {  	s16 =	simm.s32 $0x2;
	s17 =	simm.s32 $0x3;
	s4 =	sor.u32 s5, s4  }
0x7: {  	s1 =	rddreg [dreg:$0x2];
	s7 =	ssub.s32 $0x2, s5;
	s4 =	smul.u32 $0x2710, s4  }
0x8: {  	s18 =	simm.s32 $0x0;
	[smem:$0x7FF] =	sst s3;
	s9 =	sshrl.u32 s7, $0x1  }
0x9: {  	_ =	strace $0x80000047;
	s9 =	ssub.s32 s7, s9;
	s8 =	sshrl.u32 s4, $0x3  }
0xa: {  	s5 =	sadd.s32 $0x47C00, s6;
	s9 =	smax.u32 s9, $0x1;
	s8 =	sadd.s32 s8, s6  }
0xb: {  	s6 =	sadd.s32 $0x6EE00, s6;
	s7 =	sadd.s32 $0xCE00, s8;
	s8 =	sadd.s32 $0x16C00, s8  }
.LBB2_1:
0xc: {  	[tilespmem:s3], [sflag:$0x4] =	stream.linear.gather [hbm4b:s7+s3], $0x2710, $0x38;
	[tilespmem:$0xCE20] =	vst v63  }
0xd: {  	_ =	swait.ge [sflag:s10], $0x2710  }
0xe: {  	[sflag:s10] =	ssyncset.done $0x0  }
0xf: {  	[sflag:s10] =	ssyncadd.s32 $0xFFFFD8F0  }
0x10: {  	[tilespmem:s11], [sflag:$0x4] =	stream.linear.gather [hbm4b:s8+s3], $0x2710, $0x38;
	[tilespmem:$0xCE20] =	vst v63  }
0x11: {  	_ =	swait.ge [sflag:s10], $0x2710  }
0x12: {  	[sflag:s10] =	ssyncset.done $0x0  }
0x13: {  	s19 =	simm.s32 $0x0;
	[sflag:s10] =	ssyncadd.s32 $0xFFFFD8F0  }
.LBB2_2:
0x14: {  	s20 =	sshll.u32 s19, $0x7  }
0x15: {  	s20 =	smin.u32 s20, $0x2690  }
0x16: {  	[tilespmem:s13], [sflag:$0x1] =	stream.indirect.gather [hbm4b:s2+s12], $0x80, s20, s12, $0xb8;
	[tilespmem:$0xCE20] =	vst v63  }
0x17: {  	s21 =	sadd.s32 $0x2710, s20  }
0x18: {  	[tilespmem:s14], [sflag:$0x2] =	stream.indirect.gather [hbm4b:s5+s12], $0x80, s21, s12, $0xb8;
	[tilespmem:$0xCE20] =	vst v63  }
0x19: {  	_ =	swait.ge [sflag:s15], $0x4000  }
0x1a: {  	[sflag:s15] =	ssyncset.done $0x0  }
0x1b: {  	[sflag:s15] =	ssyncadd.s32 $0xFFFFC000  }
0x1c: {  	_ =	swait.ge [sflag:s16], $0x4000  }
0x1d: {  	[sflag:s16] =	ssyncset.done $0x0  }
0x1e: {  	s21 =	simm.s32 $0x0;
	[sflag:s16] =	ssyncadd.s32 $0xFFFFC000  }
0x1f: {  	v7 =	vld [tilespmem:s21+$0x8E20]  }
0x20: {  	v11 =	vld [tilespmem:s21+$0x8E30]  }
0x21: {  	v5 =	vld [tilespmem:s21+$0x8E40]  }
0x22: {  	v4 =	vld [tilespmem:s21+$0x8E50]  }
0x23: {  	v3 =	vld [tilespmem:s21+$0x8E60]  }
0x24: {  	v2 =	vld [tilespmem:s21+$0x8E70]  }
0x25: {  	v1 =	vld [tilespmem:s21+$0x8E80]  }
0x26: {  	v0 =	vld [tilespmem:s21+$0x8E90]  }
0x27: {  	v12 =	vld [tilespmem:s21+$0x4E20]  }
0x28: {  	v13 =	vld [tilespmem:s21+$0x4E30]  }
0x29: {  	v10 =	vld [tilespmem:s21+$0x4E40]  }
0x2a: {  	v9 =	vld [tilespmem:s21+$0x4E50]  }
0x2b: {  	v8 =	vld [tilespmem:s21+$0x4E60]  }
0x2c: {  	v6 =	vld [tilespmem:s21+$0x4E70];
	v12 =	vadd.f32 v7, v12  }
0x2d: {  	s22 =	simm.s32 $0x200;
	v11 =	vadd.f32 v11, v13;
	v7 =	vld [tilespmem:s21+$0x4E80]  }
.LBB2_3:
0x2e: {  	s23 =	sshra.s32 s22, $0x2;
	p0 =	sne.s32 s22, $0xFE00;
	[tilespmem:s21+$0x4E20] =	vst v12;
	v5 =	vadd.f32 v5, v10;
	v10 =	vld [tilespmem:s21+$0x4E90]  }
0x2f: {  	v12 =	vld [tilespmem:s23+$0x8E20];
	[tilespmem:s21+$0x4E30] =	vst v11;
	v4 =	vadd.f32 v4, v9  }
0x30: {  	v11 =	vld [tilespmem:s23+$0x8E30];
	[tilespmem:s21+$0x4E40] =	vst v5;
	v3 =	vadd.f32 v3, v8  }
0x31: {  	v5 =	vld [tilespmem:s23+$0x8E40];
	[tilespmem:s21+$0x4E50] =	vst v4;
	v2 =	vadd.f32 v2, v6  }
0x32: {  	v4 =	vld [tilespmem:s23+$0x8E50];
	[tilespmem:s21+$0x4E60] =	vst v3;
	v1 =	vadd.f32 v1, v7  }
0x33: {  	v3 =	vld [tilespmem:s23+$0x8E60];
	[tilespmem:s21+$0x4E70] =	vst v2;
	v0 =	vadd.f32 v0, v10  }
0x34: {  	v2 =	vld [tilespmem:s23+$0x8E70];
	[tilespmem:s21+$0x4E80] =	vst v1  }
0x35: {  	v1 =	vld [tilespmem:s23+$0x8E80];
	[tilespmem:s21+$0x4E90] =	vst v0;
	s21 =	smov.u32 s23  }
0x36: {  	v0 =	vld [tilespmem:s21+$0x8E90]  }
0x37: {  	v6 =	vld [tilespmem:s21+$0x4E20]  }
0x38: {  	v7 =	vld [tilespmem:s21+$0x4E30]  }
.Ltmp0:
0x39: {  	v10 =	vld [tilespmem:s21+$0x4E40];
	(pc) =	sbr.rel @p0 .LBB2_3-.Ltmp0, $4  }
0x3a: {  	v9 =	vld [tilespmem:s21+$0x4E50]  }
0x3b: {  	v8 =	vld [tilespmem:s21+$0x4E60]  }
0x3c: {  	v12 =	vadd.f32 v12, v6;
	v6 =	vld [tilespmem:s21+$0x4E70]  }
0x3d: {  	s22 =	sadd.s32 $0x200, s22;
	v11 =	vadd.f32 v11, v7;
	v7 =	vld [tilespmem:s21+$0x4E80]  }
0x3e: {  	[tilespmem:s21+$0x4E20] =	vst v12;
	v5 =	vadd.f32 v5, v10;
	v63 =	vld [tilespmem:s21+$0x4E90]  }
0x3f: {  	[tilespmem:s21+$0x4E30] =	vst v11;
	v4 =	vadd.f32 v4, v9  }
0x40: {  	[tilespmem:s21+$0x4E40] =	vst v5;
	v3 =	vadd.f32 v3, v8  }
0x41: {  	[tilespmem:s21+$0x4E50] =	vst v4;
	v2 =	vadd.f32 v2, v6  }
0x42: {  	s20 =	sadd.s32 s4, s20;
	[tilespmem:s21+$0x4E60] =	vst v3;
	v1 =	vadd.f32 v1, v7  }
0x43: {  	s19 =	sadd.s32 $0x1, s19;
	s20 =	sshll.u32 s20, $0x4;
	[tilespmem:s21+$0x4E70] =	vst v2;
	v0 =	vadd.f32 v0, v63  }
0x44: {  	p0 =	sne.s32 s19, $0x4F;
	s20 =	sand.u32 $0xFFFF00, s20;
	[tilespmem:s21+$0x4E80] =	vst v1  }
.Ltmp1:
0x45: {  	s20 =	sadd.s32 s6, s20;
	[tilespmem:s21+$0x4E90] =	vst v0;
	(pc) =	sbr.rel @p0 .LBB2_2-.Ltmp1, $4  }
0x46: {  	[hbm4b:s20+s3] =	stream.linear.scatter [tilespmem:s13], [sflag:$0x3], $0x4000, $0x38;
	[tilespmem:$0xCE20] =	vst v63  }
0x47: {  	_ =	swait.ge [sflag:s17], $0x4000  }
0x48: {  	[sflag:s17] =	ssyncset.done $0x0  }
0x49: {  	[sflag:s17] =	ssyncadd.s32 $0xFFFFC000  }
0x4a: {  	s18 =	sadd.s32 $0x1, s18  }
0x4b: {  	p0 =	sne.s32 s18, s9  }
.Ltmp2:
0x4c: {  	_ = 	snop;
	(pc) =	sbr.rel @p0 .LBB2_1-.Ltmp2, $1  }
0x4d: {  	_ =	sdelay $0x3  }
0x4e: {  	_ =	sfence.sel $0x180000  }
0x4f: {  	[bflag:$0x0] =	sbarrier.arrive $0xFFFF  }
0x50: {  	p0 =	sne.s32 s0, $0x0;
	_ =	strace $0x90000047  }
0x51: {  	s0 =	sadd.s32 @!p0 $0x100000, s1;
	[bflag:$0x2] =	sbarrier.arrive $0xFFFF  }
0x52: {  	[sflag:s0] =	ssyncadd.tile.s32 @!p0 $0x1;
	_ =	shalt  }
.Lfunc_end2:
_tile_overlayer_lowered:
.L_overlay_start_2:
0x53: {  	(tag) =	ssettag $0x2  }
0x54: {  	s0 =	rddreg [dreg:$0x0];
	s2 =	stileid.u32  }
0x55: {  	s1 =	rddreg [dreg:$0x1];
	p0 =	sne.s32 s2, $0x0  }
0x56: {  	s3 =	rddreg [dreg:$0x2];
	[bflag:$0x3] =	sbarrier.arrive $0xFFFF;
	s2 =	simm.s32 @!p0 $0x1C04  }
0x57: {  	[timem:s3], [sflag:s2] =	dma.local @!p0 [hbm:s0], s1  }
0x58: {  	s0 =	simm.s32 @!p0 $0x4  }
0x59: {  	_ =	swait.ge @!p0 [sflag:s0], s1  }
0x5a: {  	s1 =	ssub.s32 @!p0 $0x0, s1;
	[sflag:s0] =	ssyncset.done @!p0 $0x0  }
0x5b: {  	[sflag:s0] =	ssyncadd.s32 @!p0 s1  }
0x5c: {  	[bflag:$0x3] =	sbarrier.arrive $0xFFFF  }
0x5d: {  	_ =	shalt  }

// kernel: kernel.18.cloned.1.call-start
scs
__scs_entry_jumppad:
0x0: {  	(pc) =	sbr.rel $0x88, $3  }
0x1: {  	(tag) =	ssettag $0x0;
	lr =	simm.s32 $0x1  }
0x2: {  	[smem:$0x3F8F] =	sst lr;
	_ =	strace $0xD0000000  }
0x3: {  	_ = 	snop  }
0x4: {  	_ = 	snop  }
0x5: {  	_ = 	snop  }
0x6: {  	_ = 	snop  }
0x7: {  	_ = 	snop  }
__scs_overlays_trampoline_lowered:
0x8: {  	[smem:$0x3F9E] =	sst s0  }
0x9: {  	[smem:$0x3F9F] =	sst s1  }
0xa: {  	[smem:$0x3FA0] =	sst s2  }
0xb: {  	[smem:$0x3FA1] =	sst s3  }
0xc: {  	[smem:$0x3FA2] =	sst s4  }
0xd: {  	[smem:$0x3FA3] =	sst s5  }
0xe: {  	[smem:$0x3FA4] =	sst s6  }
0xf: {  	[smem:$0x3FA5] =	sst s7  }
0x10: {  	[smem:$0x3FA6] =	sst s8  }
0x11: {  	[smem:$0x3FA7] =	sst s9;
	s0 =	simm.s32 @!p0 $0x0  }
0x12: {  	s1 =	sld [smem:$0x3F8D];
	s0 =	simm.s32 @p0 $0x1  }
0x13: {  	[smem:$0x3FA8] =	sst s0;
	s0 =	simm.s32 @!p1 $0x0  }
0x14: {  	s2 =	sld [smem:$0x3F8C];
	s0 =	simm.s32 @p1 $0x1  }
0x15: {  	[smem:$0x3FA9] =	sst s0;
	s0 =	simm.s32 @!p2 $0x0  }
0x16: {  	s3 =	sld [smem:$0x3FDB];
	s0 =	simm.s32 @p2 $0x1  }
0x17: {  	s4 =	simm.s32 $0x1BF5;
	[smem:$0x3FAB] =	sst s0  }
0x18: {  	s0 =	sld [smem:$0x3F8E];
	_ =	swait.ge [sflag:s4], $0x0  }
0x19: {  	s7 =	sld [smem:$0x3F8F]  }
0x1a: {  	s8 =	sadd.s32 $0xFFFFE003, lr  }
0x1b: {  	s9 =	sadd.s32 $0xFFFFFEF7, lr;
	s5 =	simm.s32 $0xFFFFFFFF;
	p2 =	slt.u32 s8, $0xFFFFF086  }
0x1c: {  	p1 =	slt.u32 s9, $0xF7A;
	s5 =	simm.s32 @!p2 $0x0  }
0x1d: {  	s5 =	simm.s32 @p1 $0x1;
	p0 =	seq.s32 s7, s2  }
0x1e: {  	s7 =	smul.u32 @!p0 $0xF7A, s2;
	p2 =	seq.s32 @!p0 s5, $0x0  }
0x1f: {  	s9 =	smul.u32 $0xF7A, s1;
	s8 =	simm.s32 @!p0 $0x1BF5;
	p2 =	por !p2, p0  }
0x20: {  	[sflag:s8] =	ssyncset.s32 @!p0 $0xFFFFF086;
	s6 =	sadd.s32 @!p0 s3, s7;
	s7 =	simm.s32 @!p0 $0x108  }
0x21: {  	s3 =	sadd.s32 s3, s9;
	s6 =	sadd.s32 @!p0 $0x88, s6;
	s7 =	simm.s32 @p2 $0x1082  }
0x22: {  	[simem:s7], [sflag:s8] =	dma.local @!p0 [hbm:s6], $0xF7A  }
0x23: {  	s9 =	sor.u32 $0xD0000000, s2;
	s6 =	simm.s32 $0x108;
	_ =	swait.ge @!p0 [sflag:s8], $0x0  }
0x24: {  	s3 =	sadd.s32 $0x88, s3;
	s6 =	simm.s32 @!p1 $0x1082;
	[sflag:s4] =	ssyncset.s32 $0xFFFFF086  }
0x25: {  	[simem:s6], [sflag:s4] =	dma.local [hbm:s3], $0xF7A  }
0x26: {  	[smem:$0x3F8F] =	sst s1;
	(tag) =	ssettag s2;
	_ =	strace s9  }
0x27: {  	s1 =	sld [smem:$0x3F9F]  }
0x28: {  	s2 =	sld [smem:$0x3FA0]  }
0x29: {  	s4 =	sld [smem:$0x3FA2]  }
0x2a: {  	p0 =	seq.s32 s5, $0x0;
	s5 =	sld [smem:$0x3FA3]  }
0x2b: {  	s6 =	sld [smem:$0x3FA4]  }
0x2c: {  	s7 =	sld [smem:$0x3FA5]  }
0x2d: {  	s3 =	simm.s32 $0x108;
	s8 =	sld [smem:$0x3FA6]  }
0x2e: {  	s3 =	simm.s32 @!p0 $0x1082;
	s9 =	sld [smem:$0x3FA7]  }
0x2f: {  	lr =	sadd.s32 s0, s3;
	s0 =	sld [smem:$0x3F9E]  }
0x30: {  	s3 =	sld [smem:$0x3FA1]  }
0x31: {  	[smem:$0x3FAA] =	sst s10  }
0x32: {  	s10 =	sld [smem:$0x3FA8];
	_ =	sdelay $0x3  }
0x33: {  	p0 =	seq.s32 s10, $0x1;
	s10 =	sld [smem:$0x3FAA];
	_ =	sdelay $0x3  }
0x34: {  	[smem:$0x3FAA] =	sst s10  }
0x35: {  	s10 =	sld [smem:$0x3FA9];
	_ =	sdelay $0x3  }
0x36: {  	p1 =	seq.s32 s10, $0x1;
	s10 =	sld [smem:$0x3FAA];
	_ =	sdelay $0x3  }
0x37: {  	[smem:$0x3FAA] =	sst s10  }
0x38: {  	s10 =	sld [smem:$0x3FAB]  }
0x39: {  	_ = 	snop;
	(pc) =	sbr.ind lr, $3  }
0x3a: {  	_ = 	snop  }
0x3b: {  	_ = 	snop  }
0x3c: {  	p2 =	seq.s32 s10, $0x1;
	s10 =	sld [smem:$0x3FAA]  }
0x3d: {  	_ =	shalt  }
0x3e: {  	_ =	shalt  }
0x3f: {  	_ =	shalt  }
0x40: {  	_ =	shalt  }
0x41: {  	_ =	shalt  }
0x42: {  	_ =	shalt  }
0x43: {  	_ =	shalt  }
0x44: {  	_ =	shalt  }
0x45: {  	_ =	shalt  }
0x46: {  	_ =	shalt  }
0x47: {  	_ =	shalt  }
0x48: {  	_ =	shalt  }
0x49: {  	_ =	shalt  }
0x4a: {  	_ =	shalt  }
0x4b: {  	_ =	shalt  }
0x4c: {  	_ =	shalt  }
0x4d: {  	_ =	shalt  }
0x4e: {  	_ =	shalt  }
0x4f: {  	_ =	shalt  }
0x50: {  	_ =	shalt  }
0x51: {  	_ =	shalt  }
0x52: {  	_ =	shalt  }
0x53: {  	_ =	shalt  }
0x54: {  	_ =	shalt  }
0x55: {  	_ =	shalt  }
0x56: {  	_ =	shalt  }
0x57: {  	_ =	shalt  }
0x58: {  	_ =	shalt  }
0x59: {  	_ =	shalt  }
0x5a: {  	_ =	shalt  }
0x5b: {  	_ =	shalt  }
0x5c: {  	_ =	shalt  }
0x5d: {  	_ =	shalt  }
0x5e: {  	_ =	shalt  }
0x5f: {  	_ =	shalt  }
0x60: {  	_ =	shalt  }
0x61: {  	_ =	shalt  }
0x62: {  	_ =	shalt  }
0x63: {  	_ =	shalt  }
0x64: {  	_ =	shalt  }
0x65: {  	_ =	shalt  }
0x66: {  	_ =	shalt  }
0x67: {  	_ =	shalt  }
0x68: {  	_ =	shalt  }
0x69: {  	_ =	shalt  }
0x6a: {  	_ =	shalt  }
0x6b: {  	_ =	shalt  }
0x6c: {  	_ =	shalt  }
0x6d: {  	_ =	shalt  }
0x6e: {  	_ =	shalt  }
0x6f: {  	_ =	shalt  }
0x70: {  	_ =	shalt  }
0x71: {  	_ =	shalt  }
0x72: {  	_ =	shalt  }
0x73: {  	_ =	shalt  }
0x74: {  	_ =	shalt  }
0x75: {  	_ =	shalt  }
0x76: {  	_ =	shalt  }
0x77: {  	_ =	shalt  }
0x78: {  	_ =	shalt  }
0x79: {  	_ =	shalt  }
0x7a: {  	_ =	shalt  }
0x7b: {  	_ =	shalt  }
0x7c: {  	_ =	shalt  }
0x7d: {  	_ =	shalt  }
0x7e: {  	_ =	shalt  }
0x7f: {  	_ =	shalt  }
0x80: {  	_ =	shalt  }
0x81: {  	_ =	shalt  }
0x82: {  	_ =	shalt  }
0x83: {  	_ =	shalt  }
0x84: {  	_ =	shalt  }
0x85: {  	_ =	shalt  }
0x86: {  	_ =	shalt  }
0x87: {  	_ =	shalt  }
.Lfunc_end0:
.L_simem_size_0:
called_computation.1_lowered:
.L_overlay_start_0:
0x88: {  	s2 =	sld [smem:$0x3FD9]  }
0x89: {  	s3 =	sld [smem:$0x3FFE];
	_ =	sdelay $0x1  }
0x8a: {  	s1 =	srdreg.scid  }
0x8b: {  	s0 =	sand.u32 $0x1, s1  }
0x8c: {  	s16 =	sshll.u32 s0, $0xA;
	s2 =	sadd.s32 s3, s2  }
0x8d: {  	s2 =	sadd.s32 s2, s16  }
0x8e: {  	[smem:$0x3FB6] =	sst s2  }
0x8f: {  	_ = 	snop  }
0x90: {  	(tm) =	ssettm $0x1  }
0x91: {  	s17 =	sld [smem:$0x3FFB];
	_ =	sdelay $0x3  }
0x92: {  	_ =	strace s17  }
0x93: {  	s2 =	sld [smem:$0x3FFC];
	_ =	sdelay $0x3  }
0x94: {  	_ =	strace s2  }
0x95: {  	s2 =	sld [smem:$0x3FFD];
	_ =	sdelay $0x3  }
0x96: {  	_ =	strace s2  }
0x97: {  	_ =	strace $0x8FFFFFFF  }
0x98: {  	s18 =	sld [smem:$0x3FDB];
	_ =	sdelay $0x1  }
0x99: {  	s19 =	simm.s32 $_scs_section_size  }
0x9a: {  	s4 =	simm.s32 $_size__tile_overlayer_lowered;
	s5 =	simm.s32 $_tile_overlayer_lowered  }
0x9b: {  	s22 =	simm.s32 $0x1BFF;
	s21 =	sshll.u32 s5, $0x1;
	s2 =	sadd.s32 s19, s18  }
0x9c: {  	s6 =	simm.s32 $0x0;
	s20 =	sshll.u32 s4, $0x1;
	s4 =	sadd.s32 s21, s2  }
0x9d: {  	[timem:s6], [sflag:s22] =	dma.local [hbm:s4], s20  }
0x9e: {  	_ =	swait.ge [sflag:s22], s20  }
0x9f: {  	s3 =	ssub.s32 $0x0, s20;
	[sflag:s22] =	ssyncset.done $0x0  }
0xa0: {  	[sflag:s22] =	ssyncadd.s32 s3;
	_ =	sdelay $0x1  }
0xa1: {  	s23 =	simm.s32 $0x1B8B  }
0xa2: {  	_ =	swait.ge [sflag:s23], $0x1  }
0xa3: {  	[sflag:s23] =	ssyncset.done $0x0  }
0xa4: {  	s25 =	simm.s32 $0x1B8E;
	s24 =	sld [smem:$0x3FFE];
	[sflag:s23] =	ssyncadd.s32 $0xFFFFFFFF  }
0xa5: {  	s26 =	simm.s32 $execute0_lowered;
	[smem:$0x3FD2] =	sst s25  }
0xa6: {  	s4 =	sshll.u32 s26, $0x1;
	_ =	strace $0x80000049;
	[dreg:$0x1] =	wrdreg $0xFFFFFFFF  }
0xa7: {  	s28 =	simm.s32 $_size_execute0_lowered;
	s2 =	sadd.s32 s2, s4;
	[dreg:$0x0] =	wrdreg $0x0  }
0xa8: {  	s4 =	sshll.u32 s28, $0x1;
	[dreg:$0x2] =	wrdreg s2  }
0xa9: {  	[dreg:$0x3] =	wrdreg s4  }
0xaa: {  	[dreg:$0x4] =	wrdreg $0xC0  }
0xab: {  	_ =	task [dreg:s6], $0x5FFFF  }
0xac: {  	[dreg:$0x1] =	wrdreg $0xFFFFFFFF  }
0xad: {  	[dreg:$0x0] =	wrdreg $0x60  }
0xae: {  	[dreg:$0x2] =	wrdreg s24  }
0xaf: {  	[dreg:$0x3] =	wrdreg $0x61900  }
0xb0: {  	[dreg:$0x4] =	wrdreg $0x9  }
0xb1: {  	_ =	task.clear_ibuf [dreg:s6], $0x5FFFF;
	_ =	strace $0x90000049  }
0xb2: {  	s29 =	simm.s32 $0x9;
	_ =	strace $0x8000004B  }
0xb3: {  	_ =	swait.ge [sflag:s29], $0x1  }
0xb4: {  	[sflag:s29] =	ssyncadd.s32 $0xFFFFFFFF  }
0xb5: {  	_ =	strace $0x9000004B  }
0xb6: {  	_ =	sfence  }
0xb7: {  	s30 =	sld [smem:$0x0];
	_ =	sdelay $0x2  }
0xb8: {  	s31 =	sshll.u32 s1, $0xD;
	s1 =	sshrl.u32 s1, $0x2  }
0xb9: {  	s3 =	sand.u32 $0x4000, s31;
	s1 =	sadd.s32 s1, s30  }
0xba: {  	s0 =	sor.u32 s3, s0;
	s1 =	sshll.u32 s1, $0x11  }
0xbb: {  	s0 =	sor.u32 s1, s0  }
0xbc: {  	s0 =	sadd.s32 $0x8F2B, s0  }
0xbd: {  	[sflag:s0] =	ssyncadd.remote.s32 $0x1  }
0xbe: {  	_ =	sfence.sel $0xFFFF  }
0xbf: {  	[dreg:$0x0] =	wrdreg $0xFFFFFFFF;
	(pc) =	sbr.abs _section_cstart, $3  }
0xc0: {  	[dreg:$0x1] =	wrdreg $0xFFFFFFFF  }
0xc1: {  	_ =	task.clear_ibuf [dreg:s6], $0x2FFFF;
	_ =	strace $0x9FFFFFFF  }
0xc2: {  	(tm) =	ssettm $0x7FFFFFFF  }
0xc3: {  	_ =	shalt  }
tec
execute0_lowered:
.L_overlay_start_1:
0x0: {  	(tag) =	ssettag $0x1  }
0x1: {  	s0 =	rddreg [dreg:$0x0]  }
0x2: {  	s1 =	rddreg [dreg:$0x1];
	s2 =	srdreg.scid  }
0x3: {  	s3 =	simm.s32 $0x0;
	s13 =	stileid.u32;
	s28 =	simm.s32 $0x180  }
0x4: {  	s29 =	simm.s32 $0x1A00;
	s30 =	simm.s32 $0x2;
	s6 =	smul.u32 $0x3E80, s13  }
0x5: {  	s31 =	simm.s32 $0x5;
	s2 =	sand.u32 $0x1, s2;
	s10 =	smul.u32 $0xFA00, s13  }
0x6: {  	[smem:$0x7FF] =	sst s3;
	s7 =	sadd.s32 $0x551600, s0;
	s25 =	smul.u32 $0x4E20, s13  }
0x7: {  	s4 =	sadd.s32 $0x16C00, s0;
	s8 =	sshll.u32 s13, $0x1;
	s5 =	smul.u32 $0x27100, s2  }
0x8: {  	s9 =	ssub.s32 $0x2, s2;
	s8 =	sor.u32 s2, s8;
	s2 =	smul.u32 $0x2710, s2  }
0x9: {  	p0 =	sgt.u32 s13, $0x9;
	_ =	strace $0x8000004A;
	s12 =	smul.u32 $0x2710, s8  }
0xa: {  	s11 =	sshrl.u32 s9, $0x1;
	s22 =	sshrl.u32 s10, $0x2;
	s8 =	smul.u32 $0x4E20, s8  }
0xb: {  	s5 =	sadd.s32 s6, s5;
	s21 =	ssub.s32 s9, s11;
	s9 =	sadd.s32 s22, s1  }
0xc: {  	s2 =	sadd.s32 s2, s25;
	s6 =	sadd.s32 s6, s1;
	s5 =	sshrl.u32 s5, $0x3  }
0xd: {  	[dreg:$0x7] =	wrdreg s9;
	s23 =	sshrl.u32 s12, $0x3;
	s24 =	sadd.s32 $0x80, s12  }
0xe: {  	s8 =	sadd.s32 s7, s8;
	s12 =	sadd.s32 $0x2700, s12;
	s16 =	sadd.s32 $0x280, s2  }
0xf: {  	s20 =	sadd.s32 $0x180, s2;
	s0 =	sadd.s32 s5, s0;
	s9 =	sadd.s32 s4, s23  }
0x10: {  	[dreg:$0x9] =	wrdreg s8;
	s26 =	sshrl.u32 s24, $0x3;
	s11 =	sshll.u32 s24, $0x1  }
0x11: {  	s14 =	sshrl.u32 s12, $0x3;
	s15 =	sshll.u32 s12, $0x1;
	s17 =	sshll.u32 s16, $0x1  }
0x12: {  	s5 =	smax.u32 s21, $0x1;
	s18 =	sshrl.u32 s16, $0x3;
	s21 =	sshll.u32 s20, $0x1  }
0x13: {  	s24 =	sshrl.u32 s20, $0x3;
	s20 =	simm.s32 $0x200;
	[dreg:$0x8] =	wrdreg s9  }
0x14: {  	s8 =	sadd.s32 s4, s26;
	s0 =	sadd.s32 $0x5EDA00, s0;
	[dreg:$0xf] =	wrdreg s5  }
0x15: {  	s22 =	sadd.s32 s21, s7;
	s16 =	sadd.s32 s24, s4;
	[dreg:$0xa] =	wrdreg s8  }
0x16: {  	s21 =	simm.s32 $0x80;
	s24 =	simm.s32 $0x1200;
	[dreg:$0xe] =	wrdreg s0  }
0x17: {  	s5 =	simm.s32 $0x4;
	s8 =	sadd.s32 s7, s11;
	[dreg:$0x5] =	wrdreg s22  }
0x18: {  	s9 =	simm.s32 $0x0;
	s0 =	sadd.s32 s17, s7;
	[dreg:$0xb] =	wrdreg s8  }
0x19: {  	s22 =	simm.s32 $0xA00;
	s8 =	sadd.s32 s4, s14;
	[dreg:$0x3] =	wrdreg s0  }
0x1a: {  	s14 =	sadd.s32 $0x200, s2;
	s2 =	sadd.s32 $0x100, s2;
	[dreg:$0xc] =	wrdreg s8  }
0x1b: {  	s8 =	sadd.s32 s7, s15;
	s15 =	sadd.s32 s18, s4;
	s19 =	sshll.u32 s14, $0x1  }
0x1c: {  	s23 =	sshll.u32 s2, $0x1;
	s26 =	sshrl.u32 s2, $0x3;
	s18 =	simm.s32 $0x6  }
0x1d: {  	[dreg:$0xd] =	wrdreg s8;
	s0 =	sadd.s32 s19, s7;
	s25 =	sadd.s32 s23, s7  }
0x1e: {  	s17 =	sadd.s32 s26, s4;
	s19 =	simm.s32 $0x9;
	[dreg:$0x4] =	wrdreg s0  }
0x1f: {  	s23 =	simm.s32 $0x100;
	[dreg:$0x6] =	wrdreg s25;
	s0 =	sshrl.u32 @!p0 s6, $0x3  }
0x20: {  	v0 =	vimm.f32 $0.0e+00;
	s26 =	simm.s32 $0x1;
	[dreg:$0x10] =	wrdreg s0;
	s0 =	simm.s32 $0x3  }
.LBB2_1:
.Ltmp0:
0x21: {  	(pc) =	sbr.rel @p0 .LBB2_5-.Ltmp0, $1  }
0x22: {  	_ =	sdelay $0x3  }
0x23: {  	s7 =	simm.s32 $0x40;
	s8 =	simm.s32 $0x0  }
.LBB2_3:
0x24: {  	p1 =	sne.s32 s7, $0xF9C0;
	[tilespmem:s8+$0x2310] =	vst v0;
	s8 =	smov.u32 s7;
	s7 =	sadd.s32 $0x40, s7  }
.Ltmp1:
0x25: {  	(pc) =	sbr.rel @p1 .LBB2_3-.Ltmp1, $2  }
0x26: {  	_ =	sdelay $0x2  }
0x27: {  	s8 =	sshra.s32 s8, $0x2  }
0x28: {  	[tilespmem:s8+$0x2310] =	vst v0;
	s2 =	rddreg [dreg:$0x7];
	s6 =	simm.s32 $0x2310  }
0x29: {  	[spmem:s2] =	stream.linear.scatter [tilespmem:s6], [sflag:$0x9], $0x3E80, $0x38;
	[tilespmem:$0x88A0] =	vst v63  }
0x2a: {  	_ =	swait.ge [sflag:s19], $0x3E80  }
0x2b: {  	[sflag:s19] =	ssyncset.done $0x0  }
0x2c: {  	[sflag:s19] =	ssyncadd.s32 $0xFFFFC180  }
.LBB2_5:
0x2d: {  	[bflag:$0x0] =	sbarrier.arrive $0xFFFF  }
0x2e: {  	s7 =	simm.s32 $0x0;
	s2 =	rddreg [dreg:$0x8]  }
0x2f: {  	[tilespmem:s7], [sflag:$0x1] =	stream.linear.gather [hbm4b:s2+s7], $0x80, $0x38;
	[tilespmem:$0x88A0] =	vst v63  }
0x30: {  	s12 =	rddreg [dreg:$0x9]  }
0x31: {  	[tilespmem:s20], [sflag:$0x1] =	stream.linear.gather [hbm4b:s12+s7], $0x800, $0x38;
	[tilespmem:$0x88A0] =	vst v63  }
0x32: {  	s13 =	rddreg [dreg:$0xa]  }
0x33: {  	[tilespmem:s21], [sflag:$0x2] =	stream.linear.gather [hbm4b:s13+s7], $0x80, $0x38;
	[tilespmem:$0x88A0] =	vst v63  }
0x34: {  	p1 =	por $0x1, $0x1;
	s25 =	rddreg [dreg:$0xb]  }
0x35: {  	[tilespmem:s22], [sflag:$0x2] =	stream.linear.gather [hbm4b:s25+s7], $0x800, $0x38;
	[tilespmem:$0x88A0] =	vst v63  }
0x36: {  	s7 =	simm.s32 @!p1 $0x7  }
0x37: {  	_ =	swait.ge @!p1 [sflag:s7], $0x800  }
0x38: {  	[sflag:s7] =	ssyncset.done @!p1 $0x0  }
0x39: {  	s8 =	rddreg [dreg:$0x6];
	[sflag:s7] =	ssyncadd.s32 @!p1 $0xFFFFF800  }
0x3a: {  	[tilespmem:s23], [sflag:$0x3] =	stream.linear.gather [hbm4b:s17+s3], $0x80, $0x38;
	[tilespmem:$0x88A0] =	vst v63  }
0x3b: {  	s2 =	sadd.s32 $0x0, s8  }
0x3c: {  	[tilespmem:s24], [sflag:$0x3] =	stream.linear.gather [hbm4b:s2+s3], $0x800, $0x38;
	[tilespmem:$0x88A0] =	vst v63  }
0x3d: {  	_ =	swait.ge [sflag:s26], $0x80  }
0x3e: {  	[sflag:s26] =	ssyncset.done $0x0  }
0x3f: {  	[sflag:s26] =	ssyncadd.s32 $0xFFFFFF80  }
0x40: {  	_ =	swait.ge [sflag:s26], $0x800  }
0x41: {  	[sflag:s26] =	ssyncset.done $0x0  }
0x42: {  	s7 =	simm.s32 @!p1 $0x8;
	[sflag:s26] =	ssyncadd.s32 $0xFFFFF800  }
0x43: {  	[spmem:s1] =	stream.indirect.scatter.add.f32 [tilespmem:s20], [sflag:$0x5], $0x10, s3, s21, $0xb8;
	[tilespmem:$0x88A0] =	vst v63  }
0x44: {  	_ =	swait.ge @!p1 [sflag:s7], $0x800  }
0x45: {  	[sflag:s7] =	ssyncset.done @!p1 $0x0  }
0x46: {  	s6 =	rddreg [dreg:$0x5];
	[sflag:s7] =	ssyncadd.s32 @!p1 $0xFFFFF800  }
0x47: {  	[tilespmem:s28], [sflag:$0x4] =	stream.linear.gather [hbm4b:s16+s3], $0x80, $0x38;
	[tilespmem:$0x88A0] =	vst v63  }
0x48: {  	s10 =	sadd.s32 $0x0, s6  }
0x49: {  	[tilespmem:s29], [sflag:$0x4] =	stream.linear.gather [hbm4b:s10+s3], $0x800, $0x38;
	[tilespmem:$0x88A0] =	vst v63  }
0x4a: {  	_ =	swait.ge [sflag:s30], $0x80  }
0x4b: {  	[sflag:s30] =	ssyncset.done $0x0  }
0x4c: {  	[sflag:s30] =	ssyncadd.s32 $0xFFFFFF80  }
0x4d: {  	_ =	swait.ge [sflag:s30], $0x800  }
0x4e: {  	[sflag:s30] =	ssyncset.done $0x0  }
0x4f: {  	[sflag:s30] =	ssyncadd.s32 $0xFFFFF800  }
0x50: {  	[spmem:s1] =	stream.indirect.scatter.add.f32 [tilespmem:s22], [sflag:$0x6], $0x10, s21, s21, $0xb8;
	[tilespmem:$0x88A0] =	vst v63  }
0x51: {  	_ =	swait.ge [sflag:s31], $0x800  }
0x52: {  	s11 =	sshrl.u32 s14, $0x3;
	[sflag:s31] =	ssyncset.done $0x0  }
0x53: {  	s7 =	sadd.s32 s4, s11;
	s12 =	rddreg [dreg:$0x4];
	[sflag:s31] =	ssyncadd.s32 $0xFFFFF800  }
0x54: {  	[tilespmem:s3], [sflag:$0x1] =	stream.linear.gather [hbm4b:s7+s3], $0x80, $0x38;
	[tilespmem:$0x88A0] =	vst v63  }
0x55: {  	s13 =	sadd.s32 $0x0, s12  }
0x56: {  	[tilespmem:s20], [sflag:$0x1] =	stream.linear.gather [hbm4b:s13+s3], $0x800, $0x38;
	[tilespmem:$0x88A0] =	vst v63  }
0x57: {  	_ =	swait.ge [sflag:s0], $0x80  }
0x58: {  	[sflag:s0] =	ssyncset.done $0x0  }
0x59: {  	[sflag:s0] =	ssyncadd.s32 $0xFFFFFF80  }
0x5a: {  	_ =	swait.ge [sflag:s0], $0x800  }
0x5b: {  	[sflag:s0] =	ssyncset.done $0x0  }
0x5c: {  	[sflag:s0] =	ssyncadd.s32 $0xFFFFF800  }
0x5d: {  	[spmem:s1] =	stream.indirect.scatter.add.f32 [tilespmem:s24], [sflag:$0x7], $0x10, s23, s21, $0xb8;
	[tilespmem:$0x88A0] =	vst v63  }
0x5e: {  	_ =	swait.ge [sflag:s18], $0x800  }
0x5f: {  	[sflag:s18] =	ssyncset.done $0x0  }
0x60: {  	s25 =	rddreg [dreg:$0x3];
	[sflag:s18] =	ssyncadd.s32 $0xFFFFF800  }
0x61: {  	[tilespmem:s21], [sflag:$0x2] =	stream.linear.gather [hbm4b:s15+s3], $0x80, $0x38;
	[tilespmem:$0x88A0] =	vst v63  }
0x62: {  	s7 =	sadd.s32 $0x0, s25  }
0x63: {  	[tilespmem:s22], [sflag:$0x2] =	stream.linear.gather [hbm4b:s7+s3], $0x800, $0x38;
	[tilespmem:$0x88A0] =	vst v63  }
0x64: {  	_ =	swait.ge [sflag:s5], $0x80  }
0x65: {  	p2 =	por $0x0, $0x0;
	[sflag:s5] =	ssyncset.done $0x0  }
0x66: {  	s11 =	sadd.s32 $0x40, s15;
	s10 =	simm.s32 $0x400;
	[sflag:s5] =	ssyncadd.s32 $0xFFFFFF80  }
0x67: {  	s12 =	sadd.s32 $0x200, s14;
	s13 =	sadd.s32 $0x40, s16;
	_ =	swait.ge [sflag:s5], $0x800  }
0x68: {  	s25 =	sadd.s32 $0x40, s17;
	s7 =	simm.s32 $0x800;
	[sflag:s5] =	ssyncset.done $0x0  }
.LBB2_6:
0x69: {  	s2 =	simm.s32 @!p2 $0x7;
	[sflag:s5] =	ssyncadd.s32 $0xFFFFF800  }
0x6a: {  	[spmem:s1] =	stream.indirect.scatter.add.f32 [tilespmem:s29], [sflag:$0x8], $0x10, s28, s21, $0xb8;
	[tilespmem:$0x88A0] =	vst v63  }
0x6b: {  	_ =	swait.ge @!p2 [sflag:s2], $0x800  }
0x6c: {  	[sflag:s2] =	ssyncset.done @!p2 $0x0  }
0x6d: {  	s6 =	rddreg [dreg:$0x6];
	[sflag:s2] =	ssyncadd.s32 @!p2 $0xFFFFF800  }
0x6e: {  	[tilespmem:s23], [sflag:$0x3] =	stream.linear.gather [hbm4b:s25+s3], $0x80, $0x38;
	[tilespmem:$0x88A0] =	vst v63  }
0x6f: {  	s6 =	sadd.s32 s10, s6  }
0x70: {  	[tilespmem:s24], [sflag:$0x3] =	stream.linear.gather [hbm4b:s6+s3], $0x800, $0x38;
	[tilespmem:$0x88A0] =	vst v63  }
0x71: {  	_ =	swait.ge [sflag:s26], $0x80  }
0x72: {  	[sflag:s26] =	ssyncset.done $0x0  }
0x73: {  	[sflag:s26] =	ssyncadd.s32 $0xFFFFFF80  }
0x74: {  	_ =	swait.ge [sflag:s26], $0x800  }
0x75: {  	[sflag:s26] =	ssyncset.done $0x0  }
0x76: {  	s2 =	simm.s32 @!p2 $0x8;
	[sflag:s26] =	ssyncadd.s32 $0xFFFFF800  }
0x77: {  	[spmem:s1] =	stream.indirect.scatter.add.f32 [tilespmem:s20], [sflag:$0x5], $0x10, s3, s21, $0xb8;
	[tilespmem:$0x88A0] =	vst v63  }
0x78: {  	_ =	swait.ge @!p2 [sflag:s2], $0x800  }
0x79: {  	[sflag:s2] =	ssyncset.done @!p2 $0x0  }
0x7a: {  	s6 =	rddreg [dreg:$0x5];
	[sflag:s2] =	ssyncadd.s32 @!p2 $0xFFFFF800  }
0x7b: {  	[tilespmem:s28], [sflag:$0x4] =	stream.linear.gather [hbm4b:s13+s3], $0x80, $0x38;
	[tilespmem:$0x88A0] =	vst v63  }
0x7c: {  	s6 =	sadd.s32 s10, s6  }
0x7d: {  	[tilespmem:s29], [sflag:$0x4] =	stream.linear.gather [hbm4b:s6+s3], $0x800, $0x38;
	[tilespmem:$0x88A0] =	vst v63  }
0x7e: {  	_ =	swait.ge [sflag:s30], $0x80  }
0x7f: {  	[sflag:s30] =	ssyncset.done $0x0  }
0x80: {  	[sflag:s30] =	ssyncadd.s32 $0xFFFFFF80  }
0x81: {  	_ =	swait.ge [sflag:s30], $0x800  }
0x82: {  	[sflag:s30] =	ssyncset.done $0x0  }
0x83: {  	[sflag:s30] =	ssyncadd.s32 $0xFFFFF800  }
0x84: {  	[spmem:s1] =	stream.indirect.scatter.add.f32 [tilespmem:s22], [sflag:$0x6], $0x10, s21, s21, $0xb8;
	[tilespmem:$0x88A0] =	vst v63  }
0x85: {  	_ =	swait.ge [sflag:s31], $0x800  }
0x86: {  	s2 =	sshrl.u32 s12, $0x3;
	[sflag:s31] =	ssyncset.done $0x0  }
0x87: {  	s2 =	sadd.s32 s4, s2;
	s6 =	rddreg [dreg:$0x4];
	[sflag:s31] =	ssyncadd.s32 $0xFFFFF800  }
0x88: {  	[tilespmem:s3], [sflag:$0x1] =	stream.linear.gather [hbm4b:s2+s3], $0x80, $0x38;
	[tilespmem:$0x88A0] =	vst v63  }
0x89: {  	s6 =	sadd.s32 s10, s6  }
0x8a: {  	[tilespmem:s20], [sflag:$0x1] =	stream.linear.gather [hbm4b:s6+s3], $0x800, $0x38;
	[tilespmem:$0x88A0] =	vst v63  }
0x8b: {  	_ =	swait.ge [sflag:s0], $0x80  }
0x8c: {  	[sflag:s0] =	ssyncset.done $0x0  }
0x8d: {  	[sflag:s0] =	ssyncadd.s32 $0xFFFFFF80  }
0x8e: {  	_ =	swait.ge [sflag:s0], $0x800  }
0x8f: {  	[sflag:s0] =	ssyncset.done $0x0  }
0x90: {  	[sflag:s0] =	ssyncadd.s32 $0xFFFFF800  }
0x91: {  	[spmem:s1] =	stream.indirect.scatter.add.f32 [tilespmem:s24], [sflag:$0x7], $0x10, s23, s21, $0xb8;
	[tilespmem:$0x88A0] =	vst v63  }
0x92: {  	_ =	swait.ge [sflag:s18], $0x800  }
0x93: {  	s8 =	smov.u32 s7;
	[sflag:s18] =	ssyncset.done $0x0  }
0x94: {  	s7 =	sadd.s32 $0x400, s7;
	s6 =	rddreg [dreg:$0x3];
	[sflag:s18] =	ssyncadd.s32 $0xFFFFF800  }
0x95: {  	[tilespmem:s21], [sflag:$0x2] =	stream.linear.gather [hbm4b:s11+s3], $0x80, $0x38;
	[tilespmem:$0x88A0] =	vst v63  }
0x96: {  	p1 =	sne.s32 s7, $0x4C00;
	s2 =	sadd.s32 s10, s6  }
0x97: {  	[tilespmem:s22], [sflag:$0x2] =	stream.linear.gather [hbm4b:s2+s3], $0x800, $0x38;
	[tilespmem:$0x88A0] =	vst v63  }
.Ltmp2:
0x98: {  	_ =	swait.ge [sflag:s5], $0x80;
	(pc) =	sbr.rel @p1 .LBB2_6-.Ltmp2, $4  }
0x99: {  	[sflag:s5] =	ssyncset.done $0x0  }
0x9a: {  	s25 =	sadd.s32 $0x40, s25;
	s12 =	sadd.s32 $0x200, s12;
	[sflag:s5] =	ssyncadd.s32 $0xFFFFFF80  }
0x9b: {  	s13 =	sadd.s32 $0x40, s13;
	s10 =	smov.u32 s8;
	_ =	swait.ge [sflag:s5], $0x800  }
0x9c: {  	p2 =	seq.s32 s10, $0x0;
	s11 =	sadd.s32 $0x40, s11;
	[sflag:s5] =	ssyncset.done $0x0  }
0x9d: {  	s2 =	simm.s32 @!p2 $0x7;
	[sflag:s5] =	ssyncadd.s32 $0xFFFFF800  }
0x9e: {  	[spmem:s1] =	stream.indirect.scatter.add.f32 [tilespmem:s29], [sflag:$0x8], $0x10, s28, s21, $0xb8;
	[tilespmem:$0x88A0] =	vst v63  }
0x9f: {  	_ =	swait.ge @!p2 [sflag:s2], $0x800  }
0xa0: {  	[sflag:s2] =	ssyncset.done @!p2 $0x0  }
0xa1: {  	s6 =	rddreg [dreg:$0x6];
	[sflag:s2] =	ssyncadd.s32 @!p2 $0xFFFFF800  }
0xa2: {  	[tilespmem:s23], [sflag:$0x3] =	stream.linear.gather [hbm4b:s25+s3], $0x80, $0x38;
	[tilespmem:$0x88A0] =	vst v63  }
0xa3: {  	s6 =	sadd.s32 s10, s6  }
0xa4: {  	[tilespmem:s24], [sflag:$0x3] =	stream.linear.gather [hbm4b:s6+s3], $0x800, $0x38;
	[tilespmem:$0x88A0] =	vst v63  }
0xa5: {  	_ =	swait.ge [sflag:s26], $0x80  }
0xa6: {  	[sflag:s26] =	ssyncset.done $0x0  }
0xa7: {  	[sflag:s26] =	ssyncadd.s32 $0xFFFFFF80  }
0xa8: {  	_ =	swait.ge [sflag:s26], $0x800  }
0xa9: {  	[sflag:s26] =	ssyncset.done $0x0  }
0xaa: {  	s2 =	simm.s32 @!p2 $0x8;
	[sflag:s26] =	ssyncadd.s32 $0xFFFFF800  }
0xab: {  	[spmem:s1] =	stream.indirect.scatter.add.f32 [tilespmem:s20], [sflag:$0x5], $0x10, s3, s21, $0xb8;
	[tilespmem:$0x88A0] =	vst v63  }
0xac: {  	_ =	swait.ge @!p2 [sflag:s2], $0x800  }
0xad: {  	[sflag:s2] =	ssyncset.done @!p2 $0x0  }
0xae: {  	s7 =	rddreg [dreg:$0x5];
	[sflag:s2] =	ssyncadd.s32 @!p2 $0xFFFFF800  }
0xaf: {  	[tilespmem:s28], [sflag:$0x4] =	stream.linear.gather [hbm4b:s13+s3], $0x80, $0x38;
	[tilespmem:$0x88A0] =	vst v63  }
0xb0: {  	s8 =	sadd.s32 s10, s7  }
0xb1: {  	[tilespmem:s29], [sflag:$0x4] =	stream.linear.gather [hbm4b:s8+s3], $0x800, $0x38;
	[tilespmem:$0x88A0] =	vst v63  }
0xb2: {  	_ =	swait.ge [sflag:s30], $0x80  }
0xb3: {  	[sflag:s30] =	ssyncset.done $0x0  }
0xb4: {  	[sflag:s30] =	ssyncadd.s32 $0xFFFFFF80  }
0xb5: {  	_ =	swait.ge [sflag:s30], $0x800  }
0xb6: {  	[sflag:s30] =	ssyncset.done $0x0  }
0xb7: {  	[sflag:s30] =	ssyncadd.s32 $0xFFFFF800  }
0xb8: {  	[spmem:s1] =	stream.indirect.scatter.add.f32 [tilespmem:s22], [sflag:$0x6], $0x10, s21, s21, $0xb8;
	[tilespmem:$0x88A0] =	vst v63  }
0xb9: {  	_ =	swait.ge [sflag:s31], $0x800  }
0xba: {  	s12 =	sshrl.u32 s12, $0x3;
	[sflag:s31] =	ssyncset.done $0x0  }
0xbb: {  	s2 =	sadd.s32 s4, s12;
	s13 =	rddreg [dreg:$0x4];
	[sflag:s31] =	ssyncadd.s32 $0xFFFFF800  }
0xbc: {  	[tilespmem:s3], [sflag:$0x1] =	stream.linear.gather [hbm4b:s2+s3], $0x80, $0x38;
	[tilespmem:$0x88A0] =	vst v63  }
0xbd: {  	s25 =	sadd.s32 s10, s13  }
0xbe: {  	[tilespmem:s20], [sflag:$0x1] =	stream.linear.gather [hbm4b:s25+s3], $0x800, $0x38;
	[tilespmem:$0x88A0] =	vst v63  }
0xbf: {  	_ =	swait.ge [sflag:s0], $0x80  }
0xc0: {  	[sflag:s0] =	ssyncset.done $0x0  }
0xc1: {  	[sflag:s0] =	ssyncadd.s32 $0xFFFFFF80  }
0xc2: {  	_ =	swait.ge [sflag:s0], $0x800  }
0xc3: {  	[sflag:s0] =	ssyncset.done $0x0  }
0xc4: {  	[sflag:s0] =	ssyncadd.s32 $0xFFFFF800  }
0xc5: {  	[spmem:s1] =	stream.indirect.scatter.add.f32 [tilespmem:s24], [sflag:$0x7], $0x10, s23, s21, $0xb8;
	[tilespmem:$0x88A0] =	vst v63  }
0xc6: {  	_ =	swait.ge [sflag:s18], $0x800  }
0xc7: {  	[sflag:s18] =	ssyncset.done $0x0  }
0xc8: {  	s6 =	rddreg [dreg:$0x3];
	[sflag:s18] =	ssyncadd.s32 $0xFFFFF800  }
0xc9: {  	[tilespmem:s21], [sflag:$0x2] =	stream.linear.gather [hbm4b:s11+s3], $0x80, $0x38;
	[tilespmem:$0x88A0] =	vst v63  }
0xca: {  	s2 =	sadd.s32 s10, s6  }
0xcb: {  	[tilespmem:s22], [sflag:$0x2] =	stream.linear.gather [hbm4b:s2+s3], $0x800, $0x38;
	[tilespmem:$0x88A0] =	vst v63  }
0xcc: {  	_ =	swait.ge [sflag:s5], $0x80  }
0xcd: {  	[sflag:s5] =	ssyncset.done $0x0  }
0xce: {  	[sflag:s5] =	ssyncadd.s32 $0xFFFFFF80  }
0xcf: {  	_ =	swait.ge [sflag:s5], $0x800  }
0xd0: {  	[sflag:s5] =	ssyncset.done $0x0  }
0xd1: {  	s7 =	simm.s32 $0x7;
	[sflag:s5] =	ssyncadd.s32 $0xFFFFF800  }
0xd2: {  	[spmem:s1] =	stream.indirect.scatter.add.f32 [tilespmem:s29], [sflag:$0x8], $0x10, s28, s21, $0xb8;
	[tilespmem:$0x88A0] =	vst v63  }
0xd3: {  	_ =	swait.ge [sflag:s7], $0x800  }
0xd4: {  	[sflag:s7] =	ssyncset.done $0x0  }
0xd5: {  	s8 =	simm.s32 $0x8;
	[sflag:s7] =	ssyncadd.s32 $0xFFFFF800  }
0xd6: {  	_ =	swait.ge [sflag:s8], $0x800  }
0xd7: {  	[sflag:s8] =	ssyncset.done $0x0  }
0xd8: {  	[sflag:s8] =	ssyncadd.s32 $0xFFFFF800  }
0xd9: {  	_ =	swait.ge [sflag:s26], $0x80  }
0xda: {  	[sflag:s26] =	ssyncset.done $0x0  }
0xdb: {  	[sflag:s26] =	ssyncadd.s32 $0xFFFFFF80  }
0xdc: {  	_ =	swait.ge [sflag:s26], $0x800  }
0xdd: {  	[sflag:s26] =	ssyncset.done $0x0  }
0xde: {  	[sflag:s26] =	ssyncadd.s32 $0xFFFFF800  }
0xdf: {  	[spmem:s1] =	stream.indirect.scatter.add.f32 [tilespmem:s20], [sflag:$0x5], $0x10, s3, s21, $0xb8;
	[tilespmem:$0x88A0] =	vst v63  }
0xe0: {  	_ =	swait.ge [sflag:s30], $0x80  }
0xe1: {  	[sflag:s30] =	ssyncset.done $0x0  }
0xe2: {  	[sflag:s30] =	ssyncadd.s32 $0xFFFFFF80  }
0xe3: {  	_ =	swait.ge [sflag:s30], $0x800  }
0xe4: {  	[sflag:s30] =	ssyncset.done $0x0  }
0xe5: {  	[sflag:s30] =	ssyncadd.s32 $0xFFFFF800  }
0xe6: {  	[spmem:s1] =	stream.indirect.scatter.add.f32 [tilespmem:s22], [sflag:$0x6], $0x10, s21, s21, $0xb8;
	[tilespmem:$0x88A0] =	vst v63  }
0xe7: {  	s11 =	simm.s32 $0x2200;
	s10 =	rddreg [dreg:$0xc]  }
0xe8: {  	[tilespmem:s11], [sflag:$0x9] =	stream.linear.gather [hbm4b:s10+s3], $0x10, $0x38;
	[tilespmem:$0x88A0] =	vst v63  }
0xe9: {  	_ =	swait.ge [sflag:s19], $0x10  }
0xea: {  	[sflag:s19] =	ssyncset.done $0x0  }
0xeb: {  	s7 =	simm.s32 $0x2210;
	s12 =	rddreg [dreg:$0xd];
	[sflag:s19] =	ssyncadd.s32 $0xFFFFFFF0  }
0xec: {  	[tilespmem:s7], [sflag:$0x9] =	stream.linear.gather [hbm4b:s12+s3], $0x100, $0x38;
	[tilespmem:$0x88A0] =	vst v63  }
0xed: {  	_ =	swait.ge [sflag:s19], $0x100  }
0xee: {  	[sflag:s19] =	ssyncset.done $0x0  }
0xef: {  	s13 =	simm.s32 $0x10;
	[sflag:s19] =	ssyncadd.s32 $0xFFFFFF00  }
0xf0: {  	[spmem:s1] =	stream.indirect.scatter.add.f32 [tilespmem:s7], [sflag:$0x9], $0x10, s11, s13, $0xb8;
	[tilespmem:$0x88A0] =	vst v63  }
0xf1: {  	_ =	swait.ge [sflag:s19], $0x100  }
0xf2: {  	[sflag:s19] =	ssyncset.done $0x0  }
0xf3: {  	[sflag:s19] =	ssyncadd.s32 $0xFFFFFF00  }
0xf4: {  	_ =	swait.ge [sflag:s31], $0x800  }
0xf5: {  	[sflag:s31] =	ssyncset.done $0x0  }
0xf6: {  	[sflag:s31] =	ssyncadd.s32 $0xFFFFF800  }
0xf7: {  	_ =	swait.ge [sflag:s18], $0x800  }
0xf8: {  	[sflag:s18] =	ssyncset.done $0x0  }
0xf9: {  	[sflag:s18] =	ssyncadd.s32 $0xFFFFF800  }
0xfa: {  	s2 =	stileid.u32;
	[bflag:$0x0] =	sbarrier.arrive $0xFFFF  }
0xfb: {  	s2 =	sshll.u32 @!p0 s2, $0x6;
	s6 =	rddreg [dreg:$0xe]  }
0xfc: {  	s2 =	sor.u32 @!p0 $0x1C09, s2;
	s7 =	rddreg [dreg:$0x10]  }
0xfd: {  	[hbm:s6], [sflag:s2] =	dma.local @!p0 [spmem:s7], $0x7D0  }
0xfe: {  	s2 =	simm.s32 @!p0 $0x9  }
0xff: {  	_ =	swait.ge @!p0 [sflag:s2], $0x7D0  }
0x100: {  	s9 =	sadd.s32 $0x1, s9;
	s25 =	rddreg [dreg:$0xf]  }
0x101: {  	p1 =	sne.s32 s9, s25  }
.Ltmp3:
0x102: {  	_ = 	snop;
	(pc) =	sbr.rel @p1 .LBB2_1-.Ltmp3, $3  }
0x103: {  	_ =	sdelay $0x1  }
0x104: {  	[sflag:s2] =	ssyncset.done @!p0 $0x0  }
0x105: {  	[sflag:s2] =	ssyncadd.s32 @!p0 $0xFFFFF830  }
0x106: {  	_ =	sfence.sel $0x180000  }
0x107: {  	[bflag:$0x0] =	sbarrier.arrive $0xFFFF  }
0x108: {  	_ =	strace $0x9000004A  }
0x109: {  	s0 =	stileid.u32;
	[bflag:$0x2] =	sbarrier.arrive $0xFFFF  }
0x10a: {  	p0 =	sne.s32 s0, $0x0;
	s0 =	rddreg [dreg:$0x2]  }
0x10b: {  	s0 =	sadd.s32 @!p0 $0x100000, s0  }
0x10c: {  	[sflag:s0] =	ssyncadd.tile.s32 @!p0 $0x1;
	_ =	shalt  }
.Lfunc_end2:
_tile_overlayer_lowered:
.L_overlay_start_2:
0x10d: {  	(tag) =	ssettag $0x2  }
0x10e: {  	s0 =	rddreg [dreg:$0x0];
	s2 =	stileid.u32  }
0x10f: {  	s1 =	rddreg [dreg:$0x1];
	p0 =	sne.s32 s2, $0x0  }
0x110: {  	s3 =	rddreg [dreg:$0x2];
	[bflag:$0x3] =	sbarrier.arrive $0xFFFF;
	s2 =	simm.s32 @!p0 $0x1C09  }
0x111: {  	[timem:s3], [sflag:s2] =	dma.local @!p0 [hbm:s0], s1  }
0x112: {  	s0 =	simm.s32 @!p0 $0x9  }
0x113: {  	_ =	swait.ge @!p0 [sflag:s0], s1  }
0x114: {  	s1 =	ssub.s32 @!p0 $0x0, s1;
	[sflag:s0] =	ssyncset.done @!p0 $0x0  }
0x115: {  	[sflag:s0] =	ssyncadd.s32 @!p0 s1  }
0x116: {  	[bflag:$0x3] =	sbarrier.arrive $0xFFFF  }
0x117: {  	_ =	shalt  }

// kernel: kernel.21.cloned.1.call-start
scs
__scs_entry_jumppad:
0x0: {  	(pc) =	sbr.rel $0x88, $3  }
0x1: {  	(tag) =	ssettag $0x0;
	lr =	simm.s32 $0x1  }
0x2: {  	[smem:$0x3F8F] =	sst lr;
	_ =	strace $0xD0000000  }
0x3: {  	_ = 	snop  }
0x4: {  	_ = 	snop  }
0x5: {  	_ = 	snop  }
0x6: {  	_ = 	snop  }
0x7: {  	_ = 	snop  }
__scs_overlays_trampoline_lowered:
0x8: {  	[smem:$0x3F9E] =	sst s0  }
0x9: {  	[smem:$0x3F9F] =	sst s1  }
0xa: {  	[smem:$0x3FA0] =	sst s2  }
0xb: {  	[smem:$0x3FA1] =	sst s3  }
0xc: {  	[smem:$0x3FA2] =	sst s4  }
0xd: {  	[smem:$0x3FA3] =	sst s5  }
0xe: {  	[smem:$0x3FA4] =	sst s6  }
0xf: {  	[smem:$0x3FA5] =	sst s7  }
0x10: {  	[smem:$0x3FA6] =	sst s8  }
0x11: {  	[smem:$0x3FA7] =	sst s9;
	s0 =	simm.s32 @!p0 $0x0  }
0x12: {  	s1 =	sld [smem:$0x3F8D];
	s0 =	simm.s32 @p0 $0x1  }
0x13: {  	[smem:$0x3FA8] =	sst s0;
	s0 =	simm.s32 @!p1 $0x0  }
0x14: {  	s2 =	sld [smem:$0x3F8C];
	s0 =	simm.s32 @p1 $0x1  }
0x15: {  	[smem:$0x3FA9] =	sst s0;
	s0 =	simm.s32 @!p2 $0x0  }
0x16: {  	s3 =	sld [smem:$0x3FDB];
	s0 =	simm.s32 @p2 $0x1  }
0x17: {  	s4 =	simm.s32 $0x1BF5;
	[smem:$0x3FAB] =	sst s0  }
0x18: {  	s0 =	sld [smem:$0x3F8E];
	_ =	swait.ge [sflag:s4], $0x0  }
0x19: {  	s7 =	sld [smem:$0x3F8F]  }
0x1a: {  	s8 =	sadd.s32 $0xFFFFE003, lr  }
0x1b: {  	s9 =	sadd.s32 $0xFFFFFEF7, lr;
	s5 =	simm.s32 $0xFFFFFFFF;
	p2 =	slt.u32 s8, $0xFFFFF086  }
0x1c: {  	p1 =	slt.u32 s9, $0xF7A;
	s5 =	simm.s32 @!p2 $0x0  }
0x1d: {  	s5 =	simm.s32 @p1 $0x1;
	p0 =	seq.s32 s7, s2  }
0x1e: {  	s7 =	smul.u32 @!p0 $0xF7A, s2;
	p2 =	seq.s32 @!p0 s5, $0x0  }
0x1f: {  	s9 =	smul.u32 $0xF7A, s1;
	s8 =	simm.s32 @!p0 $0x1BF5;
	p2 =	por !p2, p0  }
0x20: {  	[sflag:s8] =	ssyncset.s32 @!p0 $0xFFFFF086;
	s6 =	sadd.s32 @!p0 s3, s7;
	s7 =	simm.s32 @!p0 $0x108  }
0x21: {  	s3 =	sadd.s32 s3, s9;
	s6 =	sadd.s32 @!p0 $0x88, s6;
	s7 =	simm.s32 @p2 $0x1082  }
0x22: {  	[simem:s7], [sflag:s8] =	dma.local @!p0 [hbm:s6], $0xF7A  }
0x23: {  	s9 =	sor.u32 $0xD0000000, s2;
	s6 =	simm.s32 $0x108;
	_ =	swait.ge @!p0 [sflag:s8], $0x0  }
0x24: {  	s3 =	sadd.s32 $0x88, s3;
	s6 =	simm.s32 @!p1 $0x1082;
	[sflag:s4] =	ssyncset.s32 $0xFFFFF086  }
0x25: {  	[simem:s6], [sflag:s4] =	dma.local [hbm:s3], $0xF7A  }
0x26: {  	[smem:$0x3F8F] =	sst s1;
	(tag) =	ssettag s2;
	_ =	strace s9  }
0x27: {  	s1 =	sld [smem:$0x3F9F]  }
0x28: {  	s2 =	sld [smem:$0x3FA0]  }
0x29: {  	s4 =	sld [smem:$0x3FA2]  }
0x2a: {  	p0 =	seq.s32 s5, $0x0;
	s5 =	sld [smem:$0x3FA3]  }
0x2b: {  	s6 =	sld [smem:$0x3FA4]  }
0x2c: {  	s7 =	sld [smem:$0x3FA5]  }
0x2d: {  	s3 =	simm.s32 $0x108;
	s8 =	sld [smem:$0x3FA6]  }
0x2e: {  	s3 =	simm.s32 @!p0 $0x1082;
	s9 =	sld [smem:$0x3FA7]  }
0x2f: {  	lr =	sadd.s32 s0, s3;
	s0 =	sld [smem:$0x3F9E]  }
0x30: {  	s3 =	sld [smem:$0x3FA1]  }
0x31: {  	[smem:$0x3FAA] =	sst s10  }
0x32: {  	s10 =	sld [smem:$0x3FA8];
	_ =	sdelay $0x3  }
0x33: {  	p0 =	seq.s32 s10, $0x1;
	s10 =	sld [smem:$0x3FAA];
	_ =	sdelay $0x3  }
0x34: {  	[smem:$0x3FAA] =	sst s10  }
0x35: {  	s10 =	sld [smem:$0x3FA9];
	_ =	sdelay $0x3  }
0x36: {  	p1 =	seq.s32 s10, $0x1;
	s10 =	sld [smem:$0x3FAA];
	_ =	sdelay $0x3  }
0x37: {  	[smem:$0x3FAA] =	sst s10  }
0x38: {  	s10 =	sld [smem:$0x3FAB]  }
0x39: {  	_ = 	snop;
	(pc) =	sbr.ind lr, $3  }
0x3a: {  	_ = 	snop  }
0x3b: {  	_ = 	snop  }
0x3c: {  	p2 =	seq.s32 s10, $0x1;
	s10 =	sld [smem:$0x3FAA]  }
0x3d: {  	_ =	shalt  }
0x3e: {  	_ =	shalt  }
0x3f: {  	_ =	shalt  }
0x40: {  	_ =	shalt  }
0x41: {  	_ =	shalt  }
0x42: {  	_ =	shalt  }
0x43: {  	_ =	shalt  }
0x44: {  	_ =	shalt  }
0x45: {  	_ =	shalt  }
0x46: {  	_ =	shalt  }
0x47: {  	_ =	shalt  }
0x48: {  	_ =	shalt  }
0x49: {  	_ =	shalt  }
0x4a: {  	_ =	shalt  }
0x4b: {  	_ =	shalt  }
0x4c: {  	_ =	shalt  }
0x4d: {  	_ =	shalt  }
0x4e: {  	_ =	shalt  }
0x4f: {  	_ =	shalt  }
0x50: {  	_ =	shalt  }
0x51: {  	_ =	shalt  }
0x52: {  	_ =	shalt  }
0x53: {  	_ =	shalt  }
0x54: {  	_ =	shalt  }
0x55: {  	_ =	shalt  }
0x56: {  	_ =	shalt  }
0x57: {  	_ =	shalt  }
0x58: {  	_ =	shalt  }
0x59: {  	_ =	shalt  }
0x5a: {  	_ =	shalt  }
0x5b: {  	_ =	shalt  }
0x5c: {  	_ =	shalt  }
0x5d: {  	_ =	shalt  }
0x5e: {  	_ =	shalt  }
0x5f: {  	_ =	shalt  }
0x60: {  	_ =	shalt  }
0x61: {  	_ =	shalt  }
0x62: {  	_ =	shalt  }
0x63: {  	_ =	shalt  }
0x64: {  	_ =	shalt  }
0x65: {  	_ =	shalt  }
0x66: {  	_ =	shalt  }
0x67: {  	_ =	shalt  }
0x68: {  	_ =	shalt  }
0x69: {  	_ =	shalt  }
0x6a: {  	_ =	shalt  }
0x6b: {  	_ =	shalt  }
0x6c: {  	_ =	shalt  }
0x6d: {  	_ =	shalt  }
0x6e: {  	_ =	shalt  }
0x6f: {  	_ =	shalt  }
0x70: {  	_ =	shalt  }
0x71: {  	_ =	shalt  }
0x72: {  	_ =	shalt  }
0x73: {  	_ =	shalt  }
0x74: {  	_ =	shalt  }
0x75: {  	_ =	shalt  }
0x76: {  	_ =	shalt  }
0x77: {  	_ =	shalt  }
0x78: {  	_ =	shalt  }
0x79: {  	_ =	shalt  }
0x7a: {  	_ =	shalt  }
0x7b: {  	_ =	shalt  }
0x7c: {  	_ =	shalt  }
0x7d: {  	_ =	shalt  }
0x7e: {  	_ =	shalt  }
0x7f: {  	_ =	shalt  }
0x80: {  	_ =	shalt  }
0x81: {  	_ =	shalt  }
0x82: {  	_ =	shalt  }
0x83: {  	_ =	shalt  }
0x84: {  	_ =	shalt  }
0x85: {  	_ =	shalt  }
0x86: {  	_ =	shalt  }
0x87: {  	_ =	shalt  }
.Lfunc_end0:
.L_simem_size_0:
called_computation.2_lowered:
.L_overlay_start_0:
0x88: {  	s2 =	sld [smem:$0x3FD9]  }
0x89: {  	s3 =	sld [smem:$0x3FFE];
	_ =	sdelay $0x1  }
0x8a: {  	s1 =	srdreg.scid  }
0x8b: {  	s0 =	sand.u32 $0x1, s1  }
0x8c: {  	s14 =	sshll.u32 s0, $0xA;
	s2 =	sadd.s32 s3, s2  }
0x8d: {  	s2 =	sadd.s32 s2, s14  }
0x8e: {  	[smem:$0x3FB6] =	sst s2  }
0x8f: {  	_ = 	snop  }
0x90: {  	s2 =	sld [smem:$0x3FD0];
	_ =	sdelay $0x2  }
0x91: {  	s15 =	simm.s32 $0xA;
	s4 =	simm.s32 $0x10  }
0x92: {  	[smem:s4], [sflag:s15] =	dma.local [hbm:s2], $0x1  }
0x93: {  	_ =	swait.eq [sflag:s15], $0x1  }
0x94: {  	[sflag:s15] =	ssyncset.done $0x0  }
0x95: {  	[sflag:s15] =	ssyncadd.s32 $0xFFFFFFFF  }
0x96: {  	s16 =	sld [smem:$0x10];
	(tm) =	ssettm $0x1  }
0x97: {  	s17 =	sld [smem:$0x3FFB];
	_ =	sdelay $0x3  }
0x98: {  	_ =	strace s17  }
0x99: {  	s3 =	sld [smem:$0x3FFC];
	_ =	sdelay $0x3  }
0x9a: {  	_ =	strace s3  }
0x9b: {  	s3 =	sld [smem:$0x3FFD];
	_ =	sdelay $0x3  }
0x9c: {  	_ =	strace s3  }
0x9d: {  	_ =	strace $0x8FFFFFFF  }
0x9e: {  	s18 =	sld [smem:$0x3FDB];
	_ =	sdelay $0x1  }
0x9f: {  	s19 =	simm.s32 $_scs_section_size  }
0xa0: {  	s5 =	simm.s32 $_size__tile_overlayer_lowered;
	s6 =	simm.s32 $_tile_overlayer_lowered  }
0xa1: {  	s22 =	simm.s32 $0x1BFF;
	s21 =	sshll.u32 s6, $0x1;
	s3 =	sadd.s32 s19, s18  }
0xa2: {  	s7 =	simm.s32 $0x0;
	s20 =	sshll.u32 s5, $0x1;
	s5 =	sadd.s32 s21, s3  }
0xa3: {  	[timem:s7], [sflag:s22] =	dma.local [hbm:s5], s20  }
0xa4: {  	_ =	swait.ge [sflag:s22], s20  }
0xa5: {  	s4 =	ssub.s32 $0x0, s20;
	[sflag:s22] =	ssyncset.done $0x0  }
0xa6: {  	[sflag:s22] =	ssyncadd.s32 s4;
	_ =	sdelay $0x1  }
0xa7: {  	s23 =	simm.s32 $0x1B8B  }
0xa8: {  	_ =	swait.ge [sflag:s23], $0x1  }
0xa9: {  	[sflag:s23] =	ssyncset.done $0x0  }
0xaa: {  	s25 =	simm.s32 $0x1B8E;
	s24 =	sld [smem:$0x3FFE];
	[sflag:s23] =	ssyncadd.s32 $0xFFFFFFFF  }
0xab: {  	s26 =	simm.s32 $execute0_lowered;
	[smem:$0x3FD2] =	sst s25  }
0xac: {  	s5 =	sshll.u32 s26, $0x1;
	_ =	strace $0x8000004C;
	[dreg:$0x1] =	wrdreg $0xFFFFFFFF  }
0xad: {  	s28 =	simm.s32 $_size_execute0_lowered;
	s3 =	sadd.s32 s3, s5;
	[dreg:$0x0] =	wrdreg $0x0  }
0xae: {  	s5 =	sshll.u32 s28, $0x1;
	[dreg:$0x2] =	wrdreg s3  }
0xaf: {  	[dreg:$0x3] =	wrdreg s5  }
0xb0: {  	[dreg:$0x4] =	wrdreg $0xC0  }
0xb1: {  	_ =	task [dreg:s7], $0x5FFFF  }
0xb2: {  	[dreg:$0x1] =	wrdreg $0xFFFFFFFF  }
0xb3: {  	[dreg:$0x0] =	wrdreg $0x60  }
0xb4: {  	[dreg:$0x2] =	wrdreg s16  }
0xb5: {  	[dreg:$0x3] =	wrdreg s24  }
0xb6: {  	[dreg:$0x4] =	wrdreg $0x9  }
0xb7: {  	_ =	task.clear_ibuf [dreg:s7], $0x5FFFF;
	_ =	strace $0x9000004C  }
0xb8: {  	s29 =	simm.s32 $0x9;
	_ =	strace $0x8000004E  }
0xb9: {  	_ =	swait.ge [sflag:s29], $0x1  }
0xba: {  	[sflag:s29] =	ssyncadd.s32 $0xFFFFFFFF  }
0xbb: {  	_ =	strace $0x9000004E  }
0xbc: {  	_ =	sfence  }
0xbd: {  	s30 =	sld [smem:$0x0];
	_ =	sdelay $0x2  }
0xbe: {  	s31 =	sshll.u32 s1, $0xD;
	s1 =	sshrl.u32 s1, $0x2  }
0xbf: {  	s3 =	sand.u32 $0x4000, s31;
	s1 =	sadd.s32 s1, s30  }
0xc0: {  	s0 =	sor.u32 s3, s0;
	s1 =	sshll.u32 s1, $0x11  }
0xc1: {  	s0 =	sor.u32 s1, s0  }
0xc2: {  	s0 =	sadd.s32 $0x8F2B, s0  }
0xc3: {  	[sflag:s0] =	ssyncadd.remote.s32 $0x1  }
0xc4: {  	_ =	sfence.sel $0xFFFF  }
0xc5: {  	[dreg:$0x0] =	wrdreg $0xFFFFFFFF;
	(pc) =	sbr.abs _section_cstart, $3  }
0xc6: {  	[dreg:$0x1] =	wrdreg $0xFFFFFFFF  }
0xc7: {  	_ =	task.clear_ibuf [dreg:s7], $0x2FFFF;
	_ =	strace $0x9FFFFFFF  }
0xc8: {  	(tm) =	ssettm $0x7FFFFFFF  }
0xc9: {  	_ =	shalt  }
tec
execute0_lowered:
.L_overlay_start_1:
0x0: {  	(tag) =	ssettag $0x1  }
0x1: {  	s2 =	rddreg [dreg:$0x0];
	s1 =	srdreg.scid  }
0x2: {  	s0 =	stileid.u32;
	s6 =	rddreg [dreg:$0x1]  }
0x3: {  	s3 =	simm.s32 $0x0;
	s10 =	simm.s32 $0x4;
	s11 =	simm.s32 $0x2710  }
0x4: {  	s12 =	simm.s32 $0x80;
	s13 =	simm.s32 $0x4E20;
	s14 =	simm.s32 $0x8E20  }
0x5: {  	s15 =	simm.s32 $0x1;
	s5 =	sand.u32 $0x1, s1;
	s4 =	sshll.u32 s0, $0x1  }
0x6: {  	s16 =	simm.s32 $0x2;
	s17 =	simm.s32 $0x3;
	s4 =	sor.u32 s5, s4  }
0x7: {  	s1 =	rddreg [dreg:$0x2];
	s7 =	ssub.s32 $0x2, s5;
	s4 =	smul.u32 $0x2710, s4  }
0x8: {  	s18 =	simm.s32 $0x0;
	[smem:$0x7FF] =	sst s3;
	s9 =	sshrl.u32 s7, $0x1  }
0x9: {  	_ =	strace $0x8000004D;
	s9 =	ssub.s32 s7, s9;
	s8 =	sshrl.u32 s4, $0x3  }
0xa: {  	s5 =	sadd.s32 $0x578A00, s6;
	s9 =	smax.u32 s9, $0x1;
	s8 =	sadd.s32 s8, s6  }
0xb: {  	s6 =	sadd.s32 $0x47C00, s6;
	s7 =	sadd.s32 $0xCE00, s8;
	s8 =	sadd.s32 $0x16C00, s8  }
.LBB2_1:
0xc: {  	[tilespmem:s3], [sflag:$0x4] =	stream.linear.gather [hbm4b:s7+s3], $0x2710, $0x38;
	[tilespmem:$0xCE20] =	vst v63  }
0xd: {  	_ =	swait.ge [sflag:s10], $0x2710  }
0xe: {  	[sflag:s10] =	ssyncset.done $0x0  }
0xf: {  	[sflag:s10] =	ssyncadd.s32 $0xFFFFD8F0  }
0x10: {  	[tilespmem:s11], [sflag:$0x4] =	stream.linear.gather [hbm4b:s8+s3], $0x2710, $0x38;
	[tilespmem:$0xCE20] =	vst v63  }
0x11: {  	_ =	swait.ge [sflag:s10], $0x2710  }
0x12: {  	[sflag:s10] =	ssyncset.done $0x0  }
0x13: {  	s19 =	simm.s32 $0x0;
	[sflag:s10] =	ssyncadd.s32 $0xFFFFD8F0  }
.LBB2_2:
0x14: {  	s20 =	sshll.u32 s19, $0x7  }
0x15: {  	s20 =	smin.u32 s20, $0x2690  }
0x16: {  	[tilespmem:s13], [sflag:$0x1] =	stream.indirect.gather [hbm4b:s2+s12], $0x80, s20, s12, $0xb8;
	[tilespmem:$0xCE20] =	vst v63  }
0x17: {  	s21 =	sadd.s32 $0x2710, s20  }
0x18: {  	[tilespmem:s14], [sflag:$0x2] =	stream.indirect.gather [hbm4b:s5+s12], $0x80, s21, s12, $0xb8;
	[tilespmem:$0xCE20] =	vst v63  }
0x19: {  	_ =	swait.ge [sflag:s15], $0x4000  }
0x1a: {  	[sflag:s15] =	ssyncset.done $0x0  }
0x1b: {  	[sflag:s15] =	ssyncadd.s32 $0xFFFFC000  }
0x1c: {  	_ =	swait.ge [sflag:s16], $0x4000  }
0x1d: {  	[sflag:s16] =	ssyncset.done $0x0  }
0x1e: {  	s21 =	simm.s32 $0x0;
	[sflag:s16] =	ssyncadd.s32 $0xFFFFC000  }
0x1f: {  	v7 =	vld [tilespmem:s21+$0x8E20]  }
0x20: {  	v11 =	vld [tilespmem:s21+$0x8E30]  }
0x21: {  	v5 =	vld [tilespmem:s21+$0x8E40]  }
0x22: {  	v4 =	vld [tilespmem:s21+$0x8E50]  }
0x23: {  	v3 =	vld [tilespmem:s21+$0x8E60]  }
0x24: {  	v2 =	vld [tilespmem:s21+$0x8E70]  }
0x25: {  	v1 =	vld [tilespmem:s21+$0x8E80]  }
0x26: {  	v0 =	vld [tilespmem:s21+$0x8E90]  }
0x27: {  	v12 =	vld [tilespmem:s21+$0x4E20]  }
0x28: {  	v13 =	vld [tilespmem:s21+$0x4E30]  }
0x29: {  	v10 =	vld [tilespmem:s21+$0x4E40]  }
0x2a: {  	v9 =	vld [tilespmem:s21+$0x4E50]  }
0x2b: {  	v8 =	vld [tilespmem:s21+$0x4E60]  }
0x2c: {  	v6 =	vld [tilespmem:s21+$0x4E70];
	v12 =	vadd.f32 v7, v12  }
0x2d: {  	s22 =	simm.s32 $0x200;
	v11 =	vadd.f32 v11, v13;
	v7 =	vld [tilespmem:s21+$0x4E80]  }
.LBB2_3:
0x2e: {  	s23 =	sshra.s32 s22, $0x2;
	p0 =	sne.s32 s22, $0xFE00;
	[tilespmem:s21+$0x4E20] =	vst v12;
	v5 =	vadd.f32 v5, v10;
	v10 =	vld [tilespmem:s21+$0x4E90]  }
0x2f: {  	v12 =	vld [tilespmem:s23+$0x8E20];
	[tilespmem:s21+$0x4E30] =	vst v11;
	v4 =	vadd.f32 v4, v9  }
0x30: {  	v11 =	vld [tilespmem:s23+$0x8E30];
	[tilespmem:s21+$0x4E40] =	vst v5;
	v3 =	vadd.f32 v3, v8  }
0x31: {  	v5 =	vld [tilespmem:s23+$0x8E40];
	[tilespmem:s21+$0x4E50] =	vst v4;
	v2 =	vadd.f32 v2, v6  }
0x32: {  	v4 =	vld [tilespmem:s23+$0x8E50];
	[tilespmem:s21+$0x4E60] =	vst v3;
	v1 =	vadd.f32 v1, v7  }
0x33: {  	v3 =	vld [tilespmem:s23+$0x8E60];
	[tilespmem:s21+$0x4E70] =	vst v2;
	v0 =	vadd.f32 v0, v10  }
0x34: {  	v2 =	vld [tilespmem:s23+$0x8E70];
	[tilespmem:s21+$0x4E80] =	vst v1  }
0x35: {  	v1 =	vld [tilespmem:s23+$0x8E80];
	[tilespmem:s21+$0x4E90] =	vst v0;
	s21 =	smov.u32 s23  }
0x36: {  	v0 =	vld [tilespmem:s21+$0x8E90]  }
0x37: {  	v6 =	vld [tilespmem:s21+$0x4E20]  }
0x38: {  	v7 =	vld [tilespmem:s21+$0x4E30]  }
.Ltmp0:
0x39: {  	v10 =	vld [tilespmem:s21+$0x4E40];
	(pc) =	sbr.rel @p0 .LBB2_3-.Ltmp0, $4  }
0x3a: {  	v9 =	vld [tilespmem:s21+$0x4E50]  }
0x3b: {  	v8 =	vld [tilespmem:s21+$0x4E60]  }
0x3c: {  	v12 =	vadd.f32 v12, v6;
	v6 =	vld [tilespmem:s21+$0x4E70]  }
0x3d: {  	s22 =	sadd.s32 $0x200, s22;
	v11 =	vadd.f32 v11, v7;
	v7 =	vld [tilespmem:s21+$0x4E80]  }
0x3e: {  	[tilespmem:s21+$0x4E20] =	vst v12;
	v5 =	vadd.f32 v5, v10;
	v63 =	vld [tilespmem:s21+$0x4E90]  }
0x3f: {  	[tilespmem:s21+$0x4E30] =	vst v11;
	v4 =	vadd.f32 v4, v9  }
0x40: {  	[tilespmem:s21+$0x4E40] =	vst v5;
	v3 =	vadd.f32 v3, v8  }
0x41: {  	[tilespmem:s21+$0x4E50] =	vst v4;
	v2 =	vadd.f32 v2, v6  }
0x42: {  	s20 =	sadd.s32 s4, s20;
	[tilespmem:s21+$0x4E60] =	vst v3;
	v1 =	vadd.f32 v1, v7  }
0x43: {  	s19 =	sadd.s32 $0x1, s19;
	s20 =	sshll.u32 s20, $0x4;
	[tilespmem:s21+$0x4E70] =	vst v2;
	v0 =	vadd.f32 v0, v63  }
0x44: {  	p0 =	sne.s32 s19, $0x4F;
	s20 =	sand.u32 $0xFFFF00, s20;
	[tilespmem:s21+$0x4E80] =	vst v1  }
.Ltmp1:
0x45: {  	s20 =	sadd.s32 s6, s20;
	[tilespmem:s21+$0x4E90] =	vst v0;
	(pc) =	sbr.rel @p0 .LBB2_2-.Ltmp1, $4  }
0x46: {  	[hbm4b:s20+s3] =	stream.linear.scatter [tilespmem:s13], [sflag:$0x3], $0x4000, $0x38;
	[tilespmem:$0xCE20] =	vst v63  }
0x47: {  	_ =	swait.ge [sflag:s17], $0x4000  }
0x48: {  	[sflag:s17] =	ssyncset.done $0x0  }
0x49: {  	[sflag:s17] =	ssyncadd.s32 $0xFFFFC000  }
0x4a: {  	s18 =	sadd.s32 $0x1, s18  }
0x4b: {  	p0 =	sne.s32 s18, s9  }
.Ltmp2:
0x4c: {  	_ = 	snop;
	(pc) =	sbr.rel @p0 .LBB2_1-.Ltmp2, $1  }
0x4d: {  	_ =	sdelay $0x3  }
0x4e: {  	_ =	sfence.sel $0x180000  }
0x4f: {  	[bflag:$0x0] =	sbarrier.arrive $0xFFFF  }
0x50: {  	p0 =	sne.s32 s0, $0x0;
	_ =	strace $0x9000004D  }
0x51: {  	s0 =	sadd.s32 @!p0 $0x100000, s1;
	[bflag:$0x2] =	sbarrier.arrive $0xFFFF  }
0x52: {  	[sflag:s0] =	ssyncadd.tile.s32 @!p0 $0x1;
	_ =	shalt  }
.Lfunc_end2:
_tile_overlayer_lowered:
.L_overlay_start_2:
0x53: {  	(tag) =	ssettag $0x2  }
0x54: {  	s0 =	rddreg [dreg:$0x0];
	s2 =	stileid.u32  }
0x55: {  	s1 =	rddreg [dreg:$0x1];
	p0 =	sne.s32 s2, $0x0  }
0x56: {  	s3 =	rddreg [dreg:$0x2];
	[bflag:$0x3] =	sbarrier.arrive $0xFFFF;
	s2 =	simm.s32 @!p0 $0x1C04  }
0x57: {  	[timem:s3], [sflag:s2] =	dma.local @!p0 [hbm:s0], s1  }
0x58: {  	s0 =	simm.s32 @!p0 $0x4  }
0x59: {  	_ =	swait.ge @!p0 [sflag:s0], s1  }
0x5a: {  	s1 =	ssub.s32 @!p0 $0x0, s1;
	[sflag:s0] =	ssyncset.done @!p0 $0x0  }
0x5b: {  	[sflag:s0] =	ssyncadd.s32 @!p0 s1  }
0x5c: {  	[bflag:$0x3] =	sbarrier.arrive $0xFFFF  }
0x5d: {  	_ =	shalt  }

// kernel: kernel.24.cloned.1.call-start
scs
__scs_entry_jumppad:
0x0: {  	(pc) =	sbr.rel $0x88, $3  }
0x1: {  	(tag) =	ssettag $0x0;
	lr =	simm.s32 $0x1  }
0x2: {  	[smem:$0x3F8F] =	sst lr;
	_ =	strace $0xD0000000  }
0x3: {  	_ = 	snop  }
0x4: {  	_ = 	snop  }
0x5: {  	_ = 	snop  }
0x6: {  	_ = 	snop  }
0x7: {  	_ = 	snop  }
__scs_overlays_trampoline_lowered:
0x8: {  	[smem:$0x3F9E] =	sst s0  }
0x9: {  	[smem:$0x3F9F] =	sst s1  }
0xa: {  	[smem:$0x3FA0] =	sst s2  }
0xb: {  	[smem:$0x3FA1] =	sst s3  }
0xc: {  	[smem:$0x3FA2] =	sst s4  }
0xd: {  	[smem:$0x3FA3] =	sst s5  }
0xe: {  	[smem:$0x3FA4] =	sst s6  }
0xf: {  	[smem:$0x3FA5] =	sst s7  }
0x10: {  	[smem:$0x3FA6] =	sst s8  }
0x11: {  	[smem:$0x3FA7] =	sst s9;
	s0 =	simm.s32 @!p0 $0x0  }
0x12: {  	s1 =	sld [smem:$0x3F8D];
	s0 =	simm.s32 @p0 $0x1  }
0x13: {  	[smem:$0x3FA8] =	sst s0;
	s0 =	simm.s32 @!p1 $0x0  }
0x14: {  	s2 =	sld [smem:$0x3F8C];
	s0 =	simm.s32 @p1 $0x1  }
0x15: {  	[smem:$0x3FA9] =	sst s0;
	s0 =	simm.s32 @!p2 $0x0  }
0x16: {  	s3 =	sld [smem:$0x3FDB];
	s0 =	simm.s32 @p2 $0x1  }
0x17: {  	s4 =	simm.s32 $0x1BF5;
	[smem:$0x3FAB] =	sst s0  }
0x18: {  	s0 =	sld [smem:$0x3F8E];
	_ =	swait.ge [sflag:s4], $0x0  }
0x19: {  	s7 =	sld [smem:$0x3F8F]  }
0x1a: {  	s8 =	sadd.s32 $0xFFFFE003, lr  }
0x1b: {  	s9 =	sadd.s32 $0xFFFFFEF7, lr;
	s5 =	simm.s32 $0xFFFFFFFF;
	p2 =	slt.u32 s8, $0xFFFFF086  }
0x1c: {  	p1 =	slt.u32 s9, $0xF7A;
	s5 =	simm.s32 @!p2 $0x0  }
0x1d: {  	s5 =	simm.s32 @p1 $0x1;
	p0 =	seq.s32 s7, s2  }
0x1e: {  	s7 =	smul.u32 @!p0 $0xF7A, s2;
	p2 =	seq.s32 @!p0 s5, $0x0  }
0x1f: {  	s9 =	smul.u32 $0xF7A, s1;
	s8 =	simm.s32 @!p0 $0x1BF5;
	p2 =	por !p2, p0  }
0x20: {  	[sflag:s8] =	ssyncset.s32 @!p0 $0xFFFFF086;
	s6 =	sadd.s32 @!p0 s3, s7;
	s7 =	simm.s32 @!p0 $0x108  }
0x21: {  	s3 =	sadd.s32 s3, s9;
	s6 =	sadd.s32 @!p0 $0x88, s6;
	s7 =	simm.s32 @p2 $0x1082  }
0x22: {  	[simem:s7], [sflag:s8] =	dma.local @!p0 [hbm:s6], $0xF7A  }
0x23: {  	s9 =	sor.u32 $0xD0000000, s2;
	s6 =	simm.s32 $0x108;
	_ =	swait.ge @!p0 [sflag:s8], $0x0  }
0x24: {  	s3 =	sadd.s32 $0x88, s3;
	s6 =	simm.s32 @!p1 $0x1082;
	[sflag:s4] =	ssyncset.s32 $0xFFFFF086  }
0x25: {  	[simem:s6], [sflag:s4] =	dma.local [hbm:s3], $0xF7A  }
0x26: {  	[smem:$0x3F8F] =	sst s1;
	(tag) =	ssettag s2;
	_ =	strace s9  }
0x27: {  	s1 =	sld [smem:$0x3F9F]  }
0x28: {  	s2 =	sld [smem:$0x3FA0]  }
0x29: {  	s4 =	sld [smem:$0x3FA2]  }
0x2a: {  	p0 =	seq.s32 s5, $0x0;
	s5 =	sld [smem:$0x3FA3]  }
0x2b: {  	s6 =	sld [smem:$0x3FA4]  }
0x2c: {  	s7 =	sld [smem:$0x3FA5]  }
0x2d: {  	s3 =	simm.s32 $0x108;
	s8 =	sld [smem:$0x3FA6]  }
0x2e: {  	s3 =	simm.s32 @!p0 $0x1082;
	s9 =	sld [smem:$0x3FA7]  }
0x2f: {  	lr =	sadd.s32 s0, s3;
	s0 =	sld [smem:$0x3F9E]  }
0x30: {  	s3 =	sld [smem:$0x3FA1]  }
0x31: {  	[smem:$0x3FAA] =	sst s10  }
0x32: {  	s10 =	sld [smem:$0x3FA8];
	_ =	sdelay $0x3  }
0x33: {  	p0 =	seq.s32 s10, $0x1;
	s10 =	sld [smem:$0x3FAA];
	_ =	sdelay $0x3  }
0x34: {  	[smem:$0x3FAA] =	sst s10  }
0x35: {  	s10 =	sld [smem:$0x3FA9];
	_ =	sdelay $0x3  }
0x36: {  	p1 =	seq.s32 s10, $0x1;
	s10 =	sld [smem:$0x3FAA];
	_ =	sdelay $0x3  }
0x37: {  	[smem:$0x3FAA] =	sst s10  }
0x38: {  	s10 =	sld [smem:$0x3FAB]  }
0x39: {  	_ = 	snop;
	(pc) =	sbr.ind lr, $3  }
0x3a: {  	_ = 	snop  }
0x3b: {  	_ = 	snop  }
0x3c: {  	p2 =	seq.s32 s10, $0x1;
	s10 =	sld [smem:$0x3FAA]  }
0x3d: {  	_ =	shalt  }
0x3e: {  	_ =	shalt  }
0x3f: {  	_ =	shalt  }
0x40: {  	_ =	shalt  }
0x41: {  	_ =	shalt  }
0x42: {  	_ =	shalt  }
0x43: {  	_ =	shalt  }
0x44: {  	_ =	shalt  }
0x45: {  	_ =	shalt  }
0x46: {  	_ =	shalt  }
0x47: {  	_ =	shalt  }
0x48: {  	_ =	shalt  }
0x49: {  	_ =	shalt  }
0x4a: {  	_ =	shalt  }
0x4b: {  	_ =	shalt  }
0x4c: {  	_ =	shalt  }
0x4d: {  	_ =	shalt  }
0x4e: {  	_ =	shalt  }
0x4f: {  	_ =	shalt  }
0x50: {  	_ =	shalt  }
0x51: {  	_ =	shalt  }
0x52: {  	_ =	shalt  }
0x53: {  	_ =	shalt  }
0x54: {  	_ =	shalt  }
0x55: {  	_ =	shalt  }
0x56: {  	_ =	shalt  }
0x57: {  	_ =	shalt  }
0x58: {  	_ =	shalt  }
0x59: {  	_ =	shalt  }
0x5a: {  	_ =	shalt  }
0x5b: {  	_ =	shalt  }
0x5c: {  	_ =	shalt  }
0x5d: {  	_ =	shalt  }
0x5e: {  	_ =	shalt  }
0x5f: {  	_ =	shalt  }
0x60: {  	_ =	shalt  }
0x61: {  	_ =	shalt  }
0x62: {  	_ =	shalt  }
0x63: {  	_ =	shalt  }
0x64: {  	_ =	shalt  }
0x65: {  	_ =	shalt  }
0x66: {  	_ =	shalt  }
0x67: {  	_ =	shalt  }
0x68: {  	_ =	shalt  }
0x69: {  	_ =	shalt  }
0x6a: {  	_ =	shalt  }
0x6b: {  	_ =	shalt  }
0x6c: {  	_ =	shalt  }
0x6d: {  	_ =	shalt  }
0x6e: {  	_ =	shalt  }
0x6f: {  	_ =	shalt  }
0x70: {  	_ =	shalt  }
0x71: {  	_ =	shalt  }
0x72: {  	_ =	shalt  }
0x73: {  	_ =	shalt  }
0x74: {  	_ =	shalt  }
0x75: {  	_ =	shalt  }
0x76: {  	_ =	shalt  }
0x77: {  	_ =	shalt  }
0x78: {  	_ =	shalt  }
0x79: {  	_ =	shalt  }
0x7a: {  	_ =	shalt  }
0x7b: {  	_ =	shalt  }
0x7c: {  	_ =	shalt  }
0x7d: {  	_ =	shalt  }
0x7e: {  	_ =	shalt  }
0x7f: {  	_ =	shalt  }
0x80: {  	_ =	shalt  }
0x81: {  	_ =	shalt  }
0x82: {  	_ =	shalt  }
0x83: {  	_ =	shalt  }
0x84: {  	_ =	shalt  }
0x85: {  	_ =	shalt  }
0x86: {  	_ =	shalt  }
0x87: {  	_ =	shalt  }
.Lfunc_end0:
.L_simem_size_0:
called_computation.3_lowered:
.L_overlay_start_0:
0x88: {  	s2 =	sld [smem:$0x3FD9]  }
0x89: {  	s3 =	sld [smem:$0x3FFE];
	_ =	sdelay $0x1  }
0x8a: {  	s1 =	srdreg.scid  }
0x8b: {  	s0 =	sand.u32 $0x1, s1  }
0x8c: {  	s16 =	sshll.u32 s0, $0xA;
	s2 =	sadd.s32 s3, s2  }
0x8d: {  	s2 =	sadd.s32 s2, s16  }
0x8e: {  	[smem:$0x3FB6] =	sst s2  }
0x8f: {  	_ = 	snop  }
0x90: {  	(tm) =	ssettm $0x1  }
0x91: {  	s17 =	sld [smem:$0x3FFB];
	_ =	sdelay $0x3  }
0x92: {  	_ =	strace s17  }
0x93: {  	s2 =	sld [smem:$0x3FFC];
	_ =	sdelay $0x3  }
0x94: {  	_ =	strace s2  }
0x95: {  	s2 =	sld [smem:$0x3FFD];
	_ =	sdelay $0x3  }
0x96: {  	_ =	strace s2  }
0x97: {  	_ =	strace $0x8FFFFFFF  }
0x98: {  	s18 =	sld [smem:$0x3FDB];
	_ =	sdelay $0x1  }
0x99: {  	s19 =	simm.s32 $_scs_section_size  }
0x9a: {  	s4 =	simm.s32 $_size__tile_overlayer_lowered;
	s5 =	simm.s32 $_tile_overlayer_lowered  }
0x9b: {  	s22 =	simm.s32 $0x1BFF;
	s21 =	sshll.u32 s5, $0x1;
	s2 =	sadd.s32 s19, s18  }
0x9c: {  	s6 =	simm.s32 $0x0;
	s20 =	sshll.u32 s4, $0x1;
	s4 =	sadd.s32 s21, s2  }
0x9d: {  	[timem:s6], [sflag:s22] =	dma.local [hbm:s4], s20  }
0x9e: {  	_ =	swait.ge [sflag:s22], s20  }
0x9f: {  	s3 =	ssub.s32 $0x0, s20;
	[sflag:s22] =	ssyncset.done $0x0  }
0xa0: {  	[sflag:s22] =	ssyncadd.s32 s3;
	_ =	sdelay $0x1  }
0xa1: {  	s23 =	simm.s32 $0x1B8B  }
0xa2: {  	_ =	swait.ge [sflag:s23], $0x1  }
0xa3: {  	[sflag:s23] =	ssyncset.done $0x0  }
0xa4: {  	s25 =	simm.s32 $0x1B8E;
	s24 =	sld [smem:$0x3FFE];
	[sflag:s23] =	ssyncadd.s32 $0xFFFFFFFF  }
0xa5: {  	s26 =	simm.s32 $execute0_lowered;
	[smem:$0x3FD2] =	sst s25  }
0xa6: {  	s4 =	sshll.u32 s26, $0x1;
	_ =	strace $0x8000004F;
	[dreg:$0x1] =	wrdreg $0xFFFFFFFF  }
0xa7: {  	s28 =	simm.s32 $_size_execute0_lowered;
	s2 =	sadd.s32 s2, s4;
	[dreg:$0x0] =	wrdreg $0x0  }
0xa8: {  	s4 =	sshll.u32 s28, $0x1;
	[dreg:$0x2] =	wrdreg s2  }
0xa9: {  	[dreg:$0x3] =	wrdreg s4  }
0xaa: {  	[dreg:$0x4] =	wrdreg $0xC0  }
0xab: {  	_ =	task [dreg:s6], $0x5FFFF  }
0xac: {  	[dreg:$0x1] =	wrdreg $0xFFFFFFFF  }
0xad: {  	[dreg:$0x0] =	wrdreg $0x60  }
0xae: {  	[dreg:$0x2] =	wrdreg s24  }
0xaf: {  	[dreg:$0x3] =	wrdreg $0x61900  }
0xb0: {  	[dreg:$0x4] =	wrdreg $0x9  }
0xb1: {  	_ =	task.clear_ibuf [dreg:s6], $0x5FFFF;
	_ =	strace $0x9000004F  }
0xb2: {  	s29 =	simm.s32 $0x9;
	_ =	strace $0x80000051  }
0xb3: {  	_ =	swait.ge [sflag:s29], $0x1  }
0xb4: {  	[sflag:s29] =	ssyncadd.s32 $0xFFFFFFFF  }
0xb5: {  	_ =	strace $0x90000051  }
0xb6: {  	_ =	sfence  }
0xb7: {  	s30 =	sld [smem:$0x0];
	_ =	sdelay $0x2  }
0xb8: {  	s31 =	sshll.u32 s1, $0xD;
	s1 =	sshrl.u32 s1, $0x2  }
0xb9: {  	s3 =	sand.u32 $0x4000, s31;
	s1 =	sadd.s32 s1, s30  }
0xba: {  	s0 =	sor.u32 s3, s0;
	s1 =	sshll.u32 s1, $0x11  }
0xbb: {  	s0 =	sor.u32 s1, s0  }
0xbc: {  	s0 =	sadd.s32 $0x8F2B, s0  }
0xbd: {  	[sflag:s0] =	ssyncadd.remote.s32 $0x1  }
0xbe: {  	_ =	sfence.sel $0xFFFF  }
0xbf: {  	[dreg:$0x0] =	wrdreg $0xFFFFFFFF;
	(pc) =	sbr.abs _section_cstart, $3  }
0xc0: {  	[dreg:$0x1] =	wrdreg $0xFFFFFFFF  }
0xc1: {  	_ =	task.clear_ibuf [dreg:s6], $0x2FFFF;
	_ =	strace $0x9FFFFFFF  }
0xc2: {  	(tm) =	ssettm $0x7FFFFFFF  }
0xc3: {  	_ =	shalt  }
tec
execute0_lowered:
.L_overlay_start_1:
0x0: {  	(tag) =	ssettag $0x1  }
0x1: {  	s0 =	rddreg [dreg:$0x0]  }
0x2: {  	s1 =	rddreg [dreg:$0x1];
	s2 =	srdreg.scid  }
0x3: {  	s3 =	simm.s32 $0x0;
	s13 =	stileid.u32;
	s28 =	simm.s32 $0x180  }
0x4: {  	s29 =	simm.s32 $0x1A00;
	s30 =	simm.s32 $0x2;
	s6 =	smul.u32 $0x3E80, s13  }
0x5: {  	s31 =	simm.s32 $0x5;
	s2 =	sand.u32 $0x1, s2;
	s10 =	smul.u32 $0xFA00, s13  }
0x6: {  	[smem:$0x7FF] =	sst s3;
	s7 =	sadd.s32 $0x47C00, s0;
	s25 =	smul.u32 $0x4E20, s13  }
0x7: {  	s4 =	sadd.s32 $0x16C00, s0;
	s8 =	sshll.u32 s13, $0x1;
	s5 =	smul.u32 $0x27100, s2  }
0x8: {  	s9 =	ssub.s32 $0x2, s2;
	s8 =	sor.u32 s2, s8;
	s2 =	smul.u32 $0x2710, s2  }
0x9: {  	p0 =	sgt.u32 s13, $0x9;
	_ =	strace $0x80000050;
	s12 =	smul.u32 $0x2710, s8  }
0xa: {  	s11 =	sshrl.u32 s9, $0x1;
	s22 =	sshrl.u32 s10, $0x2;
	s8 =	smul.u32 $0x4E20, s8  }
0xb: {  	s5 =	sadd.s32 s6, s5;
	s21 =	ssub.s32 s9, s11;
	s9 =	sadd.s32 s22, s1  }
0xc: {  	s2 =	sadd.s32 s2, s25;
	s6 =	sadd.s32 s6, s1;
	s5 =	sshrl.u32 s5, $0x3  }
0xd: {  	[dreg:$0x7] =	wrdreg s9;
	s23 =	sshrl.u32 s12, $0x3;
	s24 =	sadd.s32 $0x80, s12  }
0xe: {  	s8 =	sadd.s32 s7, s8;
	s12 =	sadd.s32 $0x2700, s12;
	s16 =	sadd.s32 $0x280, s2  }
0xf: {  	s20 =	sadd.s32 $0x180, s2;
	s0 =	sadd.s32 s5, s0;
	s9 =	sadd.s32 s4, s23  }
0x10: {  	[dreg:$0x9] =	wrdreg s8;
	s26 =	sshrl.u32 s24, $0x3;
	s11 =	sshll.u32 s24, $0x1  }
0x11: {  	s14 =	sshrl.u32 s12, $0x3;
	s15 =	sshll.u32 s12, $0x1;
	s17 =	sshll.u32 s16, $0x1  }
0x12: {  	s5 =	smax.u32 s21, $0x1;
	s18 =	sshrl.u32 s16, $0x3;
	s21 =	sshll.u32 s20, $0x1  }
0x13: {  	s24 =	sshrl.u32 s20, $0x3;
	s20 =	simm.s32 $0x200;
	[dreg:$0x8] =	wrdreg s9  }
0x14: {  	s8 =	sadd.s32 s4, s26;
	s0 =	sadd.s32 $0xBC00, s0;
	[dreg:$0xf] =	wrdreg s5  }
0x15: {  	s22 =	sadd.s32 s21, s7;
	s16 =	sadd.s32 s24, s4;
	[dreg:$0xa] =	wrdreg s8  }
0x16: {  	s21 =	simm.s32 $0x80;
	s24 =	simm.s32 $0x1200;
	[dreg:$0xe] =	wrdreg s0  }
0x17: {  	s5 =	simm.s32 $0x4;
	s8 =	sadd.s32 s7, s11;
	[dreg:$0x5] =	wrdreg s22  }
0x18: {  	s9 =	simm.s32 $0x0;
	s0 =	sadd.s32 s17, s7;
	[dreg:$0xb] =	wrdreg s8  }
0x19: {  	s22 =	simm.s32 $0xA00;
	s8 =	sadd.s32 s4, s14;
	[dreg:$0x3] =	wrdreg s0  }
0x1a: {  	s14 =	sadd.s32 $0x200, s2;
	s2 =	sadd.s32 $0x100, s2;
	[dreg:$0xc] =	wrdreg s8  }
0x1b: {  	s8 =	sadd.s32 s7, s15;
	s15 =	sadd.s32 s18, s4;
	s19 =	sshll.u32 s14, $0x1  }
0x1c: {  	s23 =	sshll.u32 s2, $0x1;
	s26 =	sshrl.u32 s2, $0x3;
	s18 =	simm.s32 $0x6  }
0x1d: {  	[dreg:$0xd] =	wrdreg s8;
	s0 =	sadd.s32 s19, s7;
	s25 =	sadd.s32 s23, s7  }
0x1e: {  	s17 =	sadd.s32 s26, s4;
	s19 =	simm.s32 $0x9;
	[dreg:$0x4] =	wrdreg s0  }
0x1f: {  	s23 =	simm.s32 $0x100;
	[dreg:$0x6] =	wrdreg s25;
	s0 =	sshrl.u32 @!p0 s6, $0x3  }
0x20: {  	v0 =	vimm.f32 $0.0e+00;
	s26 =	simm.s32 $0x1;
	[dreg:$0x10] =	wrdreg s0;
	s0 =	simm.s32 $0x3  }
.LBB2_1:
.Ltmp0:
0x21: {  	(pc) =	sbr.rel @p0 .LBB2_5-.Ltmp0, $1  }
0x22: {  	_ =	sdelay $0x3  }
0x23: {  	s7 =	simm.s32 $0x40;
	s8 =	simm.s32 $0x0  }
.LBB2_3:
0x24: {  	p1 =	sne.s32 s7, $0xF9C0;
	[tilespmem:s8+$0x2310] =	vst v0;
	s8 =	smov.u32 s7;
	s7 =	sadd.s32 $0x40, s7  }
.Ltmp1:
0x25: {  	(pc) =	sbr.rel @p1 .LBB2_3-.Ltmp1, $2  }
0x26: {  	_ =	sdelay $0x2  }
0x27: {  	s8 =	sshra.s32 s8, $0x2  }
0x28: {  	[tilespmem:s8+$0x2310] =	vst v0;
	s2 =	rddreg [dreg:$0x7];
	s6 =	simm.s32 $0x2310  }
0x29: {  	[spmem:s2] =	stream.linear.scatter [tilespmem:s6], [sflag:$0x9], $0x3E80, $0x38;
	[tilespmem:$0x88A0] =	vst v63  }
0x2a: {  	_ =	swait.ge [sflag:s19], $0x3E80  }
0x2b: {  	[sflag:s19] =	ssyncset.done $0x0  }
0x2c: {  	[sflag:s19] =	ssyncadd.s32 $0xFFFFC180  }
.LBB2_5:
0x2d: {  	[bflag:$0x0] =	sbarrier.arrive $0xFFFF  }
0x2e: {  	s7 =	simm.s32 $0x0;
	s2 =	rddreg [dreg:$0x8]  }
0x2f: {  	[tilespmem:s7], [sflag:$0x1] =	stream.linear.gather [hbm4b:s2+s7], $0x80, $0x38;
	[tilespmem:$0x88A0] =	vst v63  }
0x30: {  	s12 =	rddreg [dreg:$0x9]  }
0x31: {  	[tilespmem:s20], [sflag:$0x1] =	stream.linear.gather [hbm4b:s12+s7], $0x800, $0x38;
	[tilespmem:$0x88A0] =	vst v63  }
0x32: {  	s13 =	rddreg [dreg:$0xa]  }
0x33: {  	[tilespmem:s21], [sflag:$0x2] =	stream.linear.gather [hbm4b:s13+s7], $0x80, $0x38;
	[tilespmem:$0x88A0] =	vst v63  }
0x34: {  	p1 =	por $0x1, $0x1;
	s25 =	rddreg [dreg:$0xb]  }
0x35: {  	[tilespmem:s22], [sflag:$0x2] =	stream.linear.gather [hbm4b:s25+s7], $0x800, $0x38;
	[tilespmem:$0x88A0] =	vst v63  }
0x36: {  	s7 =	simm.s32 @!p1 $0x7  }
0x37: {  	_ =	swait.ge @!p1 [sflag:s7], $0x800  }
0x38: {  	[sflag:s7] =	ssyncset.done @!p1 $0x0  }
0x39: {  	s8 =	rddreg [dreg:$0x6];
	[sflag:s7] =	ssyncadd.s32 @!p1 $0xFFFFF800  }
0x3a: {  	[tilespmem:s23], [sflag:$0x3] =	stream.linear.gather [hbm4b:s17+s3], $0x80, $0x38;
	[tilespmem:$0x88A0] =	vst v63  }
0x3b: {  	s2 =	sadd.s32 $0x0, s8  }
0x3c: {  	[tilespmem:s24], [sflag:$0x3] =	stream.linear.gather [hbm4b:s2+s3], $0x800, $0x38;
	[tilespmem:$0x88A0] =	vst v63  }
0x3d: {  	_ =	swait.ge [sflag:s26], $0x80  }
0x3e: {  	[sflag:s26] =	ssyncset.done $0x0  }
0x3f: {  	[sflag:s26] =	ssyncadd.s32 $0xFFFFFF80  }
0x40: {  	_ =	swait.ge [sflag:s26], $0x800  }
0x41: {  	[sflag:s26] =	ssyncset.done $0x0  }
0x42: {  	s7 =	simm.s32 @!p1 $0x8;
	[sflag:s26] =	ssyncadd.s32 $0xFFFFF800  }
0x43: {  	[spmem:s1] =	stream.indirect.scatter.add.f32 [tilespmem:s20], [sflag:$0x5], $0x10, s3, s21, $0xb8;
	[tilespmem:$0x88A0] =	vst v63  }
0x44: {  	_ =	swait.ge @!p1 [sflag:s7], $0x800  }
0x45: {  	[sflag:s7] =	ssyncset.done @!p1 $0x0  }
0x46: {  	s6 =	rddreg [dreg:$0x5];
	[sflag:s7] =	ssyncadd.s32 @!p1 $0xFFFFF800  }
0x47: {  	[tilespmem:s28], [sflag:$0x4] =	stream.linear.gather [hbm4b:s16+s3], $0x80, $0x38;
	[tilespmem:$0x88A0] =	vst v63  }
0x48: {  	s10 =	sadd.s32 $0x0, s6  }
0x49: {  	[tilespmem:s29], [sflag:$0x4] =	stream.linear.gather [hbm4b:s10+s3], $0x800, $0x38;
	[tilespmem:$0x88A0] =	vst v63  }
0x4a: {  	_ =	swait.ge [sflag:s30], $0x80  }
0x4b: {  	[sflag:s30] =	ssyncset.done $0x0  }
0x4c: {  	[sflag:s30] =	ssyncadd.s32 $0xFFFFFF80  }
0x4d: {  	_ =	swait.ge [sflag:s30], $0x800  }
0x4e: {  	[sflag:s30] =	ssyncset.done $0x0  }
0x4f: {  	[sflag:s30] =	ssyncadd.s32 $0xFFFFF800  }
0x50: {  	[spmem:s1] =	stream.indirect.scatter.add.f32 [tilespmem:s22], [sflag:$0x6], $0x10, s21, s21, $0xb8;
	[tilespmem:$0x88A0] =	vst v63  }
0x51: {  	_ =	swait.ge [sflag:s31], $0x800  }
0x52: {  	s11 =	sshrl.u32 s14, $0x3;
	[sflag:s31] =	ssyncset.done $0x0  }
0x53: {  	s7 =	sadd.s32 s4, s11;
	s12 =	rddreg [dreg:$0x4];
	[sflag:s31] =	ssyncadd.s32 $0xFFFFF800  }
0x54: {  	[tilespmem:s3], [sflag:$0x1] =	stream.linear.gather [hbm4b:s7+s3], $0x80, $0x38;
	[tilespmem:$0x88A0] =	vst v63  }
0x55: {  	s13 =	sadd.s32 $0x0, s12  }
0x56: {  	[tilespmem:s20], [sflag:$0x1] =	stream.linear.gather [hbm4b:s13+s3], $0x800, $0x38;
	[tilespmem:$0x88A0] =	vst v63  }
0x57: {  	_ =	swait.ge [sflag:s0], $0x80  }
0x58: {  	[sflag:s0] =	ssyncset.done $0x0  }
0x59: {  	[sflag:s0] =	ssyncadd.s32 $0xFFFFFF80  }
0x5a: {  	_ =	swait.ge [sflag:s0], $0x800  }
0x5b: {  	[sflag:s0] =	ssyncset.done $0x0  }
0x5c: {  	[sflag:s0] =	ssyncadd.s32 $0xFFFFF800  }
0x5d: {  	[spmem:s1] =	stream.indirect.scatter.add.f32 [tilespmem:s24], [sflag:$0x7], $0x10, s23, s21, $0xb8;
	[tilespmem:$0x88A0] =	vst v63  }
0x5e: {  	_ =	swait.ge [sflag:s18], $0x800  }
0x5f: {  	[sflag:s18] =	ssyncset.done $0x0  }
0x60: {  	s25 =	rddreg [dreg:$0x3];
	[sflag:s18] =	ssyncadd.s32 $0xFFFFF800  }
0x61: {  	[tilespmem:s21], [sflag:$0x2] =	stream.linear.gather [hbm4b:s15+s3], $0x80, $0x38;
	[tilespmem:$0x88A0] =	vst v63  }
0x62: {  	s7 =	sadd.s32 $0x0, s25  }
0x63: {  	[tilespmem:s22], [sflag:$0x2] =	stream.linear.gather [hbm4b:s7+s3], $0x800, $0x38;
	[tilespmem:$0x88A0] =	vst v63  }
0x64: {  	_ =	swait.ge [sflag:s5], $0x80  }
0x65: {  	p2 =	por $0x0, $0x0;
	[sflag:s5] =	ssyncset.done $0x0  }
0x66: {  	s11 =	sadd.s32 $0x40, s15;
	s10 =	simm.s32 $0x400;
	[sflag:s5] =	ssyncadd.s32 $0xFFFFFF80  }
0x67: {  	s12 =	sadd.s32 $0x200, s14;
	s13 =	sadd.s32 $0x40, s16;
	_ =	swait.ge [sflag:s5], $0x800  }
0x68: {  	s25 =	sadd.s32 $0x40, s17;
	s7 =	simm.s32 $0x800;
	[sflag:s5] =	ssyncset.done $0x0  }
.LBB2_6:
0x69: {  	s2 =	simm.s32 @!p2 $0x7;
	[sflag:s5] =	ssyncadd.s32 $0xFFFFF800  }
0x6a: {  	[spmem:s1] =	stream.indirect.scatter.add.f32 [tilespmem:s29], [sflag:$0x8], $0x10, s28, s21, $0xb8;
	[tilespmem:$0x88A0] =	vst v63  }
0x6b: {  	_ =	swait.ge @!p2 [sflag:s2], $0x800  }
0x6c: {  	[sflag:s2] =	ssyncset.done @!p2 $0x0  }
0x6d: {  	s6 =	rddreg [dreg:$0x6];
	[sflag:s2] =	ssyncadd.s32 @!p2 $0xFFFFF800  }
0x6e: {  	[tilespmem:s23], [sflag:$0x3] =	stream.linear.gather [hbm4b:s25+s3], $0x80, $0x38;
	[tilespmem:$0x88A0] =	vst v63  }
0x6f: {  	s6 =	sadd.s32 s10, s6  }
0x70: {  	[tilespmem:s24], [sflag:$0x3] =	stream.linear.gather [hbm4b:s6+s3], $0x800, $0x38;
	[tilespmem:$0x88A0] =	vst v63  }
0x71: {  	_ =	swait.ge [sflag:s26], $0x80  }
0x72: {  	[sflag:s26] =	ssyncset.done $0x0  }
0x73: {  	[sflag:s26] =	ssyncadd.s32 $0xFFFFFF80  }
0x74: {  	_ =	swait.ge [sflag:s26], $0x800  }
0x75: {  	[sflag:s26] =	ssyncset.done $0x0  }
0x76: {  	s2 =	simm.s32 @!p2 $0x8;
	[sflag:s26] =	ssyncadd.s32 $0xFFFFF800  }
0x77: {  	[spmem:s1] =	stream.indirect.scatter.add.f32 [tilespmem:s20], [sflag:$0x5], $0x10, s3, s21, $0xb8;
	[tilespmem:$0x88A0] =	vst v63  }
0x78: {  	_ =	swait.ge @!p2 [sflag:s2], $0x800  }
0x79: {  	[sflag:s2] =	ssyncset.done @!p2 $0x0  }
0x7a: {  	s6 =	rddreg [dreg:$0x5];
	[sflag:s2] =	ssyncadd.s32 @!p2 $0xFFFFF800  }
0x7b: {  	[tilespmem:s28], [sflag:$0x4] =	stream.linear.gather [hbm4b:s13+s3], $0x80, $0x38;
	[tilespmem:$0x88A0] =	vst v63  }
0x7c: {  	s6 =	sadd.s32 s10, s6  }
0x7d: {  	[tilespmem:s29], [sflag:$0x4] =	stream.linear.gather [hbm4b:s6+s3], $0x800, $0x38;
	[tilespmem:$0x88A0] =	vst v63  }
0x7e: {  	_ =	swait.ge [sflag:s30], $0x80  }
0x7f: {  	[sflag:s30] =	ssyncset.done $0x0  }
0x80: {  	[sflag:s30] =	ssyncadd.s32 $0xFFFFFF80  }
0x81: {  	_ =	swait.ge [sflag:s30], $0x800  }
0x82: {  	[sflag:s30] =	ssyncset.done $0x0  }
0x83: {  	[sflag:s30] =	ssyncadd.s32 $0xFFFFF800  }
0x84: {  	[spmem:s1] =	stream.indirect.scatter.add.f32 [tilespmem:s22], [sflag:$0x6], $0x10, s21, s21, $0xb8;
	[tilespmem:$0x88A0] =	vst v63  }
0x85: {  	_ =	swait.ge [sflag:s31], $0x800  }
0x86: {  	s2 =	sshrl.u32 s12, $0x3;
	[sflag:s31] =	ssyncset.done $0x0  }
0x87: {  	s2 =	sadd.s32 s4, s2;
	s6 =	rddreg [dreg:$0x4];
	[sflag:s31] =	ssyncadd.s32 $0xFFFFF800  }
0x88: {  	[tilespmem:s3], [sflag:$0x1] =	stream.linear.gather [hbm4b:s2+s3], $0x80, $0x38;
	[tilespmem:$0x88A0] =	vst v63  }
0x89: {  	s6 =	sadd.s32 s10, s6  }
0x8a: {  	[tilespmem:s20], [sflag:$0x1] =	stream.linear.gather [hbm4b:s6+s3], $0x800, $0x38;
	[tilespmem:$0x88A0] =	vst v63  }
0x8b: {  	_ =	swait.ge [sflag:s0], $0x80  }
0x8c: {  	[sflag:s0] =	ssyncset.done $0x0  }
0x8d: {  	[sflag:s0] =	ssyncadd.s32 $0xFFFFFF80  }
0x8e: {  	_ =	swait.ge [sflag:s0], $0x800  }
0x8f: {  	[sflag:s0] =	ssyncset.done $0x0  }
0x90: {  	[sflag:s0] =	ssyncadd.s32 $0xFFFFF800  }
0x91: {  	[spmem:s1] =	stream.indirect.scatter.add.f32 [tilespmem:s24], [sflag:$0x7], $0x10, s23, s21, $0xb8;
	[tilespmem:$0x88A0] =	vst v63  }
0x92: {  	_ =	swait.ge [sflag:s18], $0x800  }
0x93: {  	s8 =	smov.u32 s7;
	[sflag:s18] =	ssyncset.done $0x0  }
0x94: {  	s7 =	sadd.s32 $0x400, s7;
	s6 =	rddreg [dreg:$0x3];
	[sflag:s18] =	ssyncadd.s32 $0xFFFFF800  }
0x95: {  	[tilespmem:s21], [sflag:$0x2] =	stream.linear.gather [hbm4b:s11+s3], $0x80, $0x38;
	[tilespmem:$0x88A0] =	vst v63  }
0x96: {  	p1 =	sne.s32 s7, $0x4C00;
	s2 =	sadd.s32 s10, s6  }
0x97: {  	[tilespmem:s22], [sflag:$0x2] =	stream.linear.gather [hbm4b:s2+s3], $0x800, $0x38;
	[tilespmem:$0x88A0] =	vst v63  }
.Ltmp2:
0x98: {  	_ =	swait.ge [sflag:s5], $0x80;
	(pc) =	sbr.rel @p1 .LBB2_6-.Ltmp2, $4  }
0x99: {  	[sflag:s5] =	ssyncset.done $0x0  }
0x9a: {  	s25 =	sadd.s32 $0x40, s25;
	s12 =	sadd.s32 $0x200, s12;
	[sflag:s5] =	ssyncadd.s32 $0xFFFFFF80  }
0x9b: {  	s13 =	sadd.s32 $0x40, s13;
	s10 =	smov.u32 s8;
	_ =	swait.ge [sflag:s5], $0x800  }
0x9c: {  	p2 =	seq.s32 s10, $0x0;
	s11 =	sadd.s32 $0x40, s11;
	[sflag:s5] =	ssyncset.done $0x0  }
0x9d: {  	s2 =	simm.s32 @!p2 $0x7;
	[sflag:s5] =	ssyncadd.s32 $0xFFFFF800  }
0x9e: {  	[spmem:s1] =	stream.indirect.scatter.add.f32 [tilespmem:s29], [sflag:$0x8], $0x10, s28, s21, $0xb8;
	[tilespmem:$0x88A0] =	vst v63  }
0x9f: {  	_ =	swait.ge @!p2 [sflag:s2], $0x800  }
0xa0: {  	[sflag:s2] =	ssyncset.done @!p2 $0x0  }
0xa1: {  	s6 =	rddreg [dreg:$0x6];
	[sflag:s2] =	ssyncadd.s32 @!p2 $0xFFFFF800  }
0xa2: {  	[tilespmem:s23], [sflag:$0x3] =	stream.linear.gather [hbm4b:s25+s3], $0x80, $0x38;
	[tilespmem:$0x88A0] =	vst v63  }
0xa3: {  	s6 =	sadd.s32 s10, s6  }
0xa4: {  	[tilespmem:s24], [sflag:$0x3] =	stream.linear.gather [hbm4b:s6+s3], $0x800, $0x38;
	[tilespmem:$0x88A0] =	vst v63  }
0xa5: {  	_ =	swait.ge [sflag:s26], $0x80  }
0xa6: {  	[sflag:s26] =	ssyncset.done $0x0  }
0xa7: {  	[sflag:s26] =	ssyncadd.s32 $0xFFFFFF80  }
0xa8: {  	_ =	swait.ge [sflag:s26], $0x800  }
0xa9: {  	[sflag:s26] =	ssyncset.done $0x0  }
0xaa: {  	s2 =	simm.s32 @!p2 $0x8;
	[sflag:s26] =	ssyncadd.s32 $0xFFFFF800  }
0xab: {  	[spmem:s1] =	stream.indirect.scatter.add.f32 [tilespmem:s20], [sflag:$0x5], $0x10, s3, s21, $0xb8;
	[tilespmem:$0x88A0] =	vst v63  }
0xac: {  	_ =	swait.ge @!p2 [sflag:s2], $0x800  }
0xad: {  	[sflag:s2] =	ssyncset.done @!p2 $0x0  }
0xae: {  	s7 =	rddreg [dreg:$0x5];
	[sflag:s2] =	ssyncadd.s32 @!p2 $0xFFFFF800  }
0xaf: {  	[tilespmem:s28], [sflag:$0x4] =	stream.linear.gather [hbm4b:s13+s3], $0x80, $0x38;
	[tilespmem:$0x88A0] =	vst v63  }
0xb0: {  	s8 =	sadd.s32 s10, s7  }
0xb1: {  	[tilespmem:s29], [sflag:$0x4] =	stream.linear.gather [hbm4b:s8+s3], $0x800, $0x38;
	[tilespmem:$0x88A0] =	vst v63  }
0xb2: {  	_ =	swait.ge [sflag:s30], $0x80  }
0xb3: {  	[sflag:s30] =	ssyncset.done $0x0  }
0xb4: {  	[sflag:s30] =	ssyncadd.s32 $0xFFFFFF80  }
0xb5: {  	_ =	swait.ge [sflag:s30], $0x800  }
0xb6: {  	[sflag:s30] =	ssyncset.done $0x0  }
0xb7: {  	[sflag:s30] =	ssyncadd.s32 $0xFFFFF800  }
0xb8: {  	[spmem:s1] =	stream.indirect.scatter.add.f32 [tilespmem:s22], [sflag:$0x6], $0x10, s21, s21, $0xb8;
	[tilespmem:$0x88A0] =	vst v63  }
0xb9: {  	_ =	swait.ge [sflag:s31], $0x800  }
0xba: {  	s12 =	sshrl.u32 s12, $0x3;
	[sflag:s31] =	ssyncset.done $0x0  }
0xbb: {  	s2 =	sadd.s32 s4, s12;
	s13 =	rddreg [dreg:$0x4];
	[sflag:s31] =	ssyncadd.s32 $0xFFFFF800  }
0xbc: {  	[tilespmem:s3], [sflag:$0x1] =	stream.linear.gather [hbm4b:s2+s3], $0x80, $0x38;
	[tilespmem:$0x88A0] =	vst v63  }
0xbd: {  	s25 =	sadd.s32 s10, s13  }
0xbe: {  	[tilespmem:s20], [sflag:$0x1] =	stream.linear.gather [hbm4b:s25+s3], $0x800, $0x38;
	[tilespmem:$0x88A0] =	vst v63  }
0xbf: {  	_ =	swait.ge [sflag:s0], $0x80  }
0xc0: {  	[sflag:s0] =	ssyncset.done $0x0  }
0xc1: {  	[sflag:s0] =	ssyncadd.s32 $0xFFFFFF80  }
0xc2: {  	_ =	swait.ge [sflag:s0], $0x800  }
0xc3: {  	[sflag:s0] =	ssyncset.done $0x0  }
0xc4: {  	[sflag:s0] =	ssyncadd.s32 $0xFFFFF800  }
0xc5: {  	[spmem:s1] =	stream.indirect.scatter.add.f32 [tilespmem:s24], [sflag:$0x7], $0x10, s23, s21, $0xb8;
	[tilespmem:$0x88A0] =	vst v63  }
0xc6: {  	_ =	swait.ge [sflag:s18], $0x800  }
0xc7: {  	[sflag:s18] =	ssyncset.done $0x0  }
0xc8: {  	s6 =	rddreg [dreg:$0x3];
	[sflag:s18] =	ssyncadd.s32 $0xFFFFF800  }
0xc9: {  	[tilespmem:s21], [sflag:$0x2] =	stream.linear.gather [hbm4b:s11+s3], $0x80, $0x38;
	[tilespmem:$0x88A0] =	vst v63  }
0xca: {  	s2 =	sadd.s32 s10, s6  }
0xcb: {  	[tilespmem:s22], [sflag:$0x2] =	stream.linear.gather [hbm4b:s2+s3], $0x800, $0x38;
	[tilespmem:$0x88A0] =	vst v63  }
0xcc: {  	_ =	swait.ge [sflag:s5], $0x80  }
0xcd: {  	[sflag:s5] =	ssyncset.done $0x0  }
0xce: {  	[sflag:s5] =	ssyncadd.s32 $0xFFFFFF80  }
0xcf: {  	_ =	swait.ge [sflag:s5], $0x800  }
0xd0: {  	[sflag:s5] =	ssyncset.done $0x0  }
0xd1: {  	s7 =	simm.s32 $0x7;
	[sflag:s5] =	ssyncadd.s32 $0xFFFFF800  }
0xd2: {  	[spmem:s1] =	stream.indirect.scatter.add.f32 [tilespmem:s29], [sflag:$0x8], $0x10, s28, s21, $0xb8;
	[tilespmem:$0x88A0] =	vst v63  }
0xd3: {  	_ =	swait.ge [sflag:s7], $0x800  }
0xd4: {  	[sflag:s7] =	ssyncset.done $0x0  }
0xd5: {  	s8 =	simm.s32 $0x8;
	[sflag:s7] =	ssyncadd.s32 $0xFFFFF800  }
0xd6: {  	_ =	swait.ge [sflag:s8], $0x800  }
0xd7: {  	[sflag:s8] =	ssyncset.done $0x0  }
0xd8: {  	[sflag:s8] =	ssyncadd.s32 $0xFFFFF800  }
0xd9: {  	_ =	swait.ge [sflag:s26], $0x80  }
0xda: {  	[sflag:s26] =	ssyncset.done $0x0  }
0xdb: {  	[sflag:s26] =	ssyncadd.s32 $0xFFFFFF80  }
0xdc: {  	_ =	swait.ge [sflag:s26], $0x800  }
0xdd: {  	[sflag:s26] =	ssyncset.done $0x0  }
0xde: {  	[sflag:s26] =	ssyncadd.s32 $0xFFFFF800  }
0xdf: {  	[spmem:s1] =	stream.indirect.scatter.add.f32 [tilespmem:s20], [sflag:$0x5], $0x10, s3, s21, $0xb8;
	[tilespmem:$0x88A0] =	vst v63  }
0xe0: {  	_ =	swait.ge [sflag:s30], $0x80  }
0xe1: {  	[sflag:s30] =	ssyncset.done $0x0  }
0xe2: {  	[sflag:s30] =	ssyncadd.s32 $0xFFFFFF80  }
0xe3: {  	_ =	swait.ge [sflag:s30], $0x800  }
0xe4: {  	[sflag:s30] =	ssyncset.done $0x0  }
0xe5: {  	[sflag:s30] =	ssyncadd.s32 $0xFFFFF800  }
0xe6: {  	[spmem:s1] =	stream.indirect.scatter.add.f32 [tilespmem:s22], [sflag:$0x6], $0x10, s21, s21, $0xb8;
	[tilespmem:$0x88A0] =	vst v63  }
0xe7: {  	s11 =	simm.s32 $0x2200;
	s10 =	rddreg [dreg:$0xc]  }
0xe8: {  	[tilespmem:s11], [sflag:$0x9] =	stream.linear.gather [hbm4b:s10+s3], $0x10, $0x38;
	[tilespmem:$0x88A0] =	vst v63  }
0xe9: {  	_ =	swait.ge [sflag:s19], $0x10  }
0xea: {  	[sflag:s19] =	ssyncset.done $0x0  }
0xeb: {  	s7 =	simm.s32 $0x2210;
	s12 =	rddreg [dreg:$0xd];
	[sflag:s19] =	ssyncadd.s32 $0xFFFFFFF0  }
0xec: {  	[tilespmem:s7], [sflag:$0x9] =	stream.linear.gather [hbm4b:s12+s3], $0x100, $0x38;
	[tilespmem:$0x88A0] =	vst v63  }
0xed: {  	_ =	swait.ge [sflag:s19], $0x100  }
0xee: {  	[sflag:s19] =	ssyncset.done $0x0  }
0xef: {  	s13 =	simm.s32 $0x10;
	[sflag:s19] =	ssyncadd.s32 $0xFFFFFF00  }
0xf0: {  	[spmem:s1] =	stream.indirect.scatter.add.f32 [tilespmem:s7], [sflag:$0x9], $0x10, s11, s13, $0xb8;
	[tilespmem:$0x88A0] =	vst v63  }
0xf1: {  	_ =	swait.ge [sflag:s19], $0x100  }
0xf2: {  	[sflag:s19] =	ssyncset.done $0x0  }
0xf3: {  	[sflag:s19] =	ssyncadd.s32 $0xFFFFFF00  }
0xf4: {  	_ =	swait.ge [sflag:s31], $0x800  }
0xf5: {  	[sflag:s31] =	ssyncset.done $0x0  }
0xf6: {  	[sflag:s31] =	ssyncadd.s32 $0xFFFFF800  }
0xf7: {  	_ =	swait.ge [sflag:s18], $0x800  }
0xf8: {  	[sflag:s18] =	ssyncset.done $0x0  }
0xf9: {  	[sflag:s18] =	ssyncadd.s32 $0xFFFFF800  }
0xfa: {  	s2 =	stileid.u32;
	[bflag:$0x0] =	sbarrier.arrive $0xFFFF  }
0xfb: {  	s2 =	sshll.u32 @!p0 s2, $0x6;
	s6 =	rddreg [dreg:$0xe]  }
0xfc: {  	s2 =	sor.u32 @!p0 $0x1C09, s2;
	s7 =	rddreg [dreg:$0x10]  }
0xfd: {  	[hbm:s6], [sflag:s2] =	dma.local @!p0 [spmem:s7], $0x7D0  }
0xfe: {  	s2 =	simm.s32 @!p0 $0x9  }
0xff: {  	_ =	swait.ge @!p0 [sflag:s2], $0x7D0  }
0x100: {  	s9 =	sadd.s32 $0x1, s9;
	s25 =	rddreg [dreg:$0xf]  }
0x101: {  	p1 =	sne.s32 s9, s25  }
.Ltmp3:
0x102: {  	_ = 	snop;
	(pc) =	sbr.rel @p1 .LBB2_1-.Ltmp3, $3  }
0x103: {  	_ =	sdelay $0x1  }
0x104: {  	[sflag:s2] =	ssyncset.done @!p0 $0x0  }
0x105: {  	[sflag:s2] =	ssyncadd.s32 @!p0 $0xFFFFF830  }
0x106: {  	_ =	sfence.sel $0x180000  }
0x107: {  	[bflag:$0x0] =	sbarrier.arrive $0xFFFF  }
0x108: {  	_ =	strace $0x90000050  }
0x109: {  	s0 =	stileid.u32;
	[bflag:$0x2] =	sbarrier.arrive $0xFFFF  }
0x10a: {  	p0 =	sne.s32 s0, $0x0;
	s0 =	rddreg [dreg:$0x2]  }
0x10b: {  	s0 =	sadd.s32 @!p0 $0x100000, s0  }
0x10c: {  	[sflag:s0] =	ssyncadd.tile.s32 @!p0 $0x1;
	_ =	shalt  }
.Lfunc_end2:
_tile_overlayer_lowered:
.L_overlay_start_2:
0x10d: {  	(tag) =	ssettag $0x2  }
0x10e: {  	s0 =	rddreg [dreg:$0x0];
	s2 =	stileid.u32  }
0x10f: {  	s1 =	rddreg [dreg:$0x1];
	p0 =	sne.s32 s2, $0x0  }
0x110: {  	s3 =	rddreg [dreg:$0x2];
	[bflag:$0x3] =	sbarrier.arrive $0xFFFF;
	s2 =	simm.s32 @!p0 $0x1C09  }
0x111: {  	[timem:s3], [sflag:s2] =	dma.local @!p0 [hbm:s0], s1  }
0x112: {  	s0 =	simm.s32 @!p0 $0x9  }
0x113: {  	_ =	swait.ge @!p0 [sflag:s0], s1  }
0x114: {  	s1 =	ssub.s32 @!p0 $0x0, s1;
	[sflag:s0] =	ssyncset.done @!p0 $0x0  }
0x115: {  	[sflag:s0] =	ssyncadd.s32 @!p0 s1  }
0x116: {  	[bflag:$0x3] =	sbarrier.arrive $0xFFFF  }
0x117: {  	_ =	shalt  }

</sc_bundles>
